<compile_context>
chip_gen: v7x
topology: tpu7x:2x2x1
jax: 0.10.2.dev20260603
libtpu: 0.0.44.dev20260713+nightly
codegen_flags: <defaults>
</compile_context>

<pallas_src>
import functools

import jax
import jax.numpy as jnp
from jax import lax
from jax.experimental import pallas as pl
from jax.experimental.pallas import tpu as pltpu
from jax.experimental.pallas import tpu_sc as plsc

D_MODEL = 32
NC = 2
NS = 16
NW = NC * NS
JC = 4
IT = 128
L = 16


@functools.lru_cache(maxsize=None)
def _make_gather(N: int, S: int):
    itiles_per_w = N // (NW * IT)
    n_jc = S // JC
    mesh = plsc.VectorSubcoreMesh(core_axis_name="c", subcore_axis_name="s")

    @functools.partial(
        pl.kernel,
        mesh=mesh,
        compiler_params=pltpu.CompilerParams(use_tc_tiling_on_sc=False,
                                             needs_layout_passes=False),
        out_type=jax.ShapeDtypeStruct((S * 4, N // IT, 8 * IT), jnp.float32),
        scratch_types=[
            pltpu.VMEM((JC, IT), jnp.int32),
            pltpu.VMEM((JC, IT), jnp.int32),
            pltpu.VMEM((JC * IT, D_MODEL), jnp.float32),
            pltpu.VMEM((JC * IT, D_MODEL), jnp.float32),
            pltpu.VMEM((JC * 4 * 8 * IT,), jnp.float32),
            pltpu.VMEM((JC * 4 * 8 * IT,), jnp.float32),
            pltpu.SemaphoreType.DMA,
            pltpu.SemaphoreType.DMA,
        ],
    )
    def gather_kernel(event_hbm, table_hbm, out_hbm, idx0, idx1, rows0,
                      rows1, st0, st1, semg, semo):
        wid = lax.axis_index("s") * NC + lax.axis_index("c")
        iota = lax.iota(jnp.int32, L)

        def load_and_fire(idx_v, rows_v, itile_abs, jc):
            pltpu.sync_copy(
                event_hbm.at[pl.ds(jc * JC, JC),
                             pl.ds(itile_abs * IT, IT)],
                idx_v)
            for m in range(JC):
                pltpu.async_copy(table_hbm.at[idx_v.at[m]],
                                 rows_v.at[pl.ds(m * IT, IT)], semg)

        def drain_gathers(idx_v, rows_v):
            for m in range(JC):
                pltpu.make_async_copy(table_hbm.at[idx_v.at[m]],
                                      rows_v.at[pl.ds(m * IT, IT)],
                                      semg).wait()

        def transpose(rows_v, st_v):
            def j_body(j_loc, c):
                row_base = iota + j_loc * IT
                dst0 = ((j_loc * 4 + (iota >> 3)) << 10) \
                    + ((iota & 7) << 7) + iota

                def k_body(k0, carry):
                    col_v, dst_v = carry
                    for _ in range(2):
                        for ib in range(0, IT, L):
                            x = plsc.load_gather(rows_v,
                                                 [row_base + ib, col_v])
                            plsc.store_scatter(st_v, [dst_v + ib], x)
                        wrap = col_v == 31
                        dst_v = dst_v + jnp.where(wrap, 128 - 4096, 128)
                        col_v = (col_v + 1) & 31
                    return (col_v, dst_v)

                lax.fori_loop(0, D_MODEL // 2, k_body, (iota & 31, dst0))
                return c

            lax.fori_loop(0, JC, j_body, 0)

        def out_copy(st_v, itile_abs, jc, issue):
            for r in range(JC * 4):
                src = st_v.at[pl.ds(r * 8 * IT, 8 * IT)]
                dst = out_hbm.at[jc * JC * 4 + r, itile_abs]
                if issue:
                    pltpu.async_copy(src, dst, semo)
                else:
                    pltpu.make_async_copy(src, dst, semo).wait()

        def it_body(it, carry):
            itile_abs = wid * itiles_per_w + it
            load_and_fire(idx0, rows0, itile_abs, 0)

            def pair_body(p, carry2):
                e = 2 * p
                o = 2 * p + 1
                drain_gathers(idx0, rows0)
                load_and_fire(idx1, rows1, itile_abs, o)

                @pl.when(p > 0)
                def _():
                    out_copy(st0, itile_abs, e - 2, issue=False)

                transpose(rows0, st0)
                out_copy(st0, itile_abs, e, issue=True)

                drain_gathers(idx1, rows1)

                @pl.when(o + 1 < n_jc)
                def _():
                    load_and_fire(idx0, rows0, itile_abs, o + 1)

                @pl.when(p > 0)
                def _():
                    out_copy(st1, itile_abs, o - 2, issue=False)

                transpose(rows1, st1)
                out_copy(st1, itile_abs, o, issue=True)
                return carry2

            lax.fori_loop(0, n_jc // 2, pair_body, 0)
            out_copy(st0, itile_abs, n_jc - 2, issue=False)
            out_copy(st1, itile_abs, n_jc - 1, issue=False)
            return carry

        lax.fori_loop(0, itiles_per_w, it_body, 0)

    return gather_kernel


def kernel(event, table):
    n, s = event.shape
    out3 = _make_gather(n, s)(event.T, table)
    out5 = out3.reshape(s, 4, n // IT, 8, IT)
    return out5.transpose(2, 4, 0, 1, 3).reshape(n, s, D_MODEL)

# --- scband reference (transcript-rebuilt; emitter-appended) ---
"""Pipeline reference for scband-type-encoder-21242908246370 (READ-ONLY COPY).

The authoritative reference and input builder live on the scoring server;
editing this copy changes nothing except your own understanding.
"""

import jax, jax.numpy as jnp
import numpy as np

D_MODEL = 32
NUM_TYPES = 1000000
PAD = 0


def setup_inputs(seed: int = 0) -> dict:
    key = jax.random.key(seed)
    k1, k2 = jax.random.split(key)
    # event indices in [0, num_types+1); torch side uses int64, int32 suffices for jax
    event = jax.random.randint(k1, (16384, 200), 0, NUM_TYPES + 1, dtype=jnp.int32)
    # nn.Embedding weight: normal(0,1) init, padding row (index PAD=0) zeroed
    table = jax.random.normal(k2, (NUM_TYPES + 1, D_MODEL), dtype=jnp.float32)
    table = table.at[PAD].set(0.0)
    return {"event": event, "table": table}


def reference(event, table):
    # event_emb = self.event_emb(event.long())
    event_emb = jnp.take(table, event, axis=0)
    return event_emb

if __name__ == "__main__":
    import jax
    _d = setup_inputs()
    print(jax.jit(kernel)(*tuple(_d.values())))

</pallas_src>

<mosaic_0001>
#map = affine_map<(d0, d1) -> (0, 0)>
#map1 = affine_map<(d0, d1) -> (0, 0, 0)>
module attributes {stable_mosaic.version = 14 : i64} {
  func.func @gather_kernel(%arg0: i32, %arg1: i32, %arg2: memref<200x16384xi32, #tpu.memory_space<hbm>>, %arg3: memref<1000001x32xf32, #tpu.memory_space<hbm>>, %arg4: memref<800x128x1024xf32, #tpu.memory_space<hbm>>, %arg5: memref<4x128xi32, #tpu.memory_space<vmem>>, %arg6: memref<4x128xi32, #tpu.memory_space<vmem>>, %arg7: memref<512x32xf32, #tpu.memory_space<vmem>>, %arg8: memref<512x32xf32, #tpu.memory_space<vmem>>, %arg9: memref<16384xf32, #tpu.memory_space<vmem>>, %arg10: memref<16384xf32, #tpu.memory_space<vmem>>, %arg11: memref<!tpu.dma_semaphore, #tpu.memory_space<semaphore_mem>>, %arg12: memref<!tpu.dma_semaphore, #tpu.memory_space<semaphore_mem>>) attributes {dimension_semantics = [#tpu.dimension_semantics<core_parallel>, #tpu.dimension_semantics<subcore_parallel>], iteration_bounds = array<i64: 2, 16>, scalar_prefetch = 0 : i64, scratch_operands = 8 : i64, tpu.core_type = #tpu.core_type<sc_vector_subcore>, window_params = [{transform_indices = #map}, {transform_indices = #map}, {transform_indices = #map1}]} {
    %mul3A = arith.constant 2 : i32
    %mul3A_0 = arith.muli %arg1, %mul3A : i32
    %add3A = arith.addi %mul3A_0, %arg0 : i32
    %iota3A = tpu.iota {dimensions = array<i32: 0>} : vector<16xi32>
    %scan3A = arith.constant 0 : i32
    %scan3A_1 = arith.constant 0 : i32
    %scan3A_2 = arith.constant 4 : i32
    %scan3A_3 = arith.addi %scan3A_1, %scan3A_2 : i32
    %scan3A_4 = arith.constant 1 : i32
    scf.for %scan3A_6 = %scan3A_1 to %scan3A_3 step %scan3A_4  : i32 {
      %mul3A_7 = arith.constant 4 : i32
      %mul3A_8 = arith.muli %add3A, %mul3A_7 : i32
      %add3A_9 = arith.addi %mul3A_8, %scan3A_6 : i32
      %mul3A_10 = arith.constant 128 : i32
      %mul3A_11 = arith.muli %add3A_9, %mul3A_10 : i32
      "tpu.region"() ({
        %run_scoped3A = tpu.sem_alloc : memref<!tpu.dma_semaphore, #tpu.memory_space<semaphore_mem>>
        %dma_start3A_408 = arith.constant 0 : i32
        %dma_start3A_409 = tpu.memref_slice %arg2[%dma_start3A_408, %mul3A_11] : memref<200x16384xi32, #tpu.memory_space<hbm>> -> memref<4x128xi32, #tpu.memory_space<hbm>>
        %dma_start3A_410 = arith.constant 0 : i32
        %dma_start3A_411 = tpu.memref_slice %arg2[%dma_start3A_410, %mul3A_11] : memref<200x16384xi32, #tpu.memory_space<hbm>> -> memref<4x128xi32, #tpu.memory_space<hbm>>
        tpu.enqueue_dma source(%dma_start3A_411 : memref<4x128xi32, #tpu.memory_space<hbm>>) target(%arg5 : memref<4x128xi32, #tpu.memory_space<vmem>>) target_semaphore(%run_scoped3A : memref<!tpu.dma_semaphore, #tpu.memory_space<semaphore_mem>>)
        %dma_wait3A_412 = arith.constant 0 : i32
        %dma_wait3A_413 = tpu.memref_slice %arg2[%dma_wait3A_412, %mul3A_11] : memref<200x16384xi32, #tpu.memory_space<hbm>> -> memref<4x128xi32, #tpu.memory_space<hbm>>
        %dma_wait3A_414 = arith.constant 0 : i32
        %dma_wait3A_415 = tpu.memref_slice %arg2[%dma_wait3A_414, %mul3A_11] : memref<200x16384xi32, #tpu.memory_space<hbm>> -> memref<4x128xi32, #tpu.memory_space<hbm>>
        tpu.wait_dma2 semaphore(%run_scoped3A : memref<!tpu.dma_semaphore, #tpu.memory_space<semaphore_mem>>) src(%dma_wait3A_415 : memref<4x128xi32, #tpu.memory_space<hbm>>) dst(%arg5 : memref<4x128xi32, #tpu.memory_space<vmem>>)
        tpu.yield
      }) : () -> ()
      %dma_start3A = arith.constant 0 : i32
      %dma_start3A_12 = arith.constant 0 : i32
      %dma_start3A_13 = arith.constant 0 : i32
      %dma_start3A_14 = tpu.memref_slice %arg7[%dma_start3A_12, %dma_start3A_13] : memref<512x32xf32, #tpu.memory_space<vmem>> -> memref<128x32xf32, #tpu.memory_space<vmem>>
      %dma_start3A_15 = arith.constant 0 : i32
      %dma_start3A_16 = tpu.memref_slice %arg5[%dma_start3A, %dma_start3A_15] : memref<4x128xi32, #tpu.memory_space<vmem>> -> memref<1x128xi32, #tpu.memory_space<vmem>>
      %dma_start3A_17 = tpu.memref_squeeze %dma_start3A_16 : memref<1x128xi32, #tpu.memory_space<vmem>> -> memref<128xi32, #tpu.memory_space<vmem>>
      %dma_start3A_18 = arith.constant 0 : i32
      %dma_start3A_19 = arith.constant 0 : i32
      %dma_start3A_20 = tpu.memref_slice %arg3[%dma_start3A_18, %dma_start3A_19] : memref<1000001x32xf32, #tpu.memory_space<hbm>> -> memref<1000001x32xf32, #tpu.memory_space<hbm>>
      tpu.enqueue_indirect_dma source(%dma_start3A_20 : memref<1000001x32xf32, #tpu.memory_space<hbm>>) target(%dma_start3A_14 : memref<128x32xf32, #tpu.memory_space<vmem>>) offsets(%dma_start3A_17 : memref<128xi32, #tpu.memory_space<vmem>>) semaphore(%arg11 : memref<!tpu.dma_semaphore, #tpu.memory_space<semaphore_mem>>)
      %dma_start3A_21 = arith.constant 1 : i32
      %dma_start3A_22 = arith.constant 128 : i32
      %dma_start3A_23 = arith.constant 0 : i32
      %dma_start3A_24 = tpu.memref_slice %arg7[%dma_start3A_22, %dma_start3A_23] : memref<512x32xf32, #tpu.memory_space<vmem>> -> memref<128x32xf32, #tpu.memory_space<vmem>>
      %dma_start3A_25 = arith.constant 0 : i32
      %dma_start3A_26 = tpu.memref_slice %arg5[%dma_start3A_21, %dma_start3A_25] : memref<4x128xi32, #tpu.memory_space<vmem>> -> memref<1x128xi32, #tpu.memory_space<vmem>>
      %dma_start3A_27 = tpu.memref_squeeze %dma_start3A_26 : memref<1x128xi32, #tpu.memory_space<vmem>> -> memref<128xi32, #tpu.memory_space<vmem>>
      %dma_start3A_28 = arith.constant 0 : i32
      %dma_start3A_29 = arith.constant 0 : i32
      %dma_start3A_30 = tpu.memref_slice %arg3[%dma_start3A_28, %dma_start3A_29] : memref<1000001x32xf32, #tpu.memory_space<hbm>> -> memref<1000001x32xf32, #tpu.memory_space<hbm>>
      tpu.enqueue_indirect_dma source(%dma_start3A_30 : memref<1000001x32xf32, #tpu.memory_space<hbm>>) target(%dma_start3A_24 : memref<128x32xf32, #tpu.memory_space<vmem>>) offsets(%dma_start3A_27 : memref<128xi32, #tpu.memory_space<vmem>>) semaphore(%arg11 : memref<!tpu.dma_semaphore, #tpu.memory_space<semaphore_mem>>)
      %dma_start3A_31 = arith.constant 2 : i32
      %dma_start3A_32 = arith.constant 256 : i32
      %dma_start3A_33 = arith.constant 0 : i32
      %dma_start3A_34 = tpu.memref_slice %arg7[%dma_start3A_32, %dma_start3A_33] : memref<512x32xf32, #tpu.memory_space<vmem>> -> memref<128x32xf32, #tpu.memory_space<vmem>>
      %dma_start3A_35 = arith.constant 0 : i32
      %dma_start3A_36 = tpu.memref_slice %arg5[%dma_start3A_31, %dma_start3A_35] : memref<4x128xi32, #tpu.memory_space<vmem>> -> memref<1x128xi32, #tpu.memory_space<vmem>>
      %dma_start3A_37 = tpu.memref_squeeze %dma_start3A_36 : memref<1x128xi32, #tpu.memory_space<vmem>> -> memref<128xi32, #tpu.memory_space<vmem>>
      %dma_start3A_38 = arith.constant 0 : i32
      %dma_start3A_39 = arith.constant 0 : i32
      %dma_start3A_40 = tpu.memref_slice %arg3[%dma_start3A_38, %dma_start3A_39] : memref<1000001x32xf32, #tpu.memory_space<hbm>> -> memref<1000001x32xf32, #tpu.memory_space<hbm>>
      tpu.enqueue_indirect_dma source(%dma_start3A_40 : memref<1000001x32xf32, #tpu.memory_space<hbm>>) target(%dma_start3A_34 : memref<128x32xf32, #tpu.memory_space<vmem>>) offsets(%dma_start3A_37 : memref<128xi32, #tpu.memory_space<vmem>>) semaphore(%arg11 : memref<!tpu.dma_semaphore, #tpu.memory_space<semaphore_mem>>)
      %dma_start3A_41 = arith.constant 3 : i32
      %dma_start3A_42 = arith.constant 384 : i32
      %dma_start3A_43 = arith.constant 0 : i32
      %dma_start3A_44 = tpu.memref_slice %arg7[%dma_start3A_42, %dma_start3A_43] : memref<512x32xf32, #tpu.memory_space<vmem>> -> memref<128x32xf32, #tpu.memory_space<vmem>>
      %dma_start3A_45 = arith.constant 0 : i32
      %dma_start3A_46 = tpu.memref_slice %arg5[%dma_start3A_41, %dma_start3A_45] : memref<4x128xi32, #tpu.memory_space<vmem>> -> memref<1x128xi32, #tpu.memory_space<vmem>>
      %dma_start3A_47 = tpu.memref_squeeze %dma_start3A_46 : memref<1x128xi32, #tpu.memory_space<vmem>> -> memref<128xi32, #tpu.memory_space<vmem>>
      %dma_start3A_48 = arith.constant 0 : i32
      %dma_start3A_49 = arith.constant 0 : i32
      %dma_start3A_50 = tpu.memref_slice %arg3[%dma_start3A_48, %dma_start3A_49] : memref<1000001x32xf32, #tpu.memory_space<hbm>> -> memref<1000001x32xf32, #tpu.memory_space<hbm>>
      tpu.enqueue_indirect_dma source(%dma_start3A_50 : memref<1000001x32xf32, #tpu.memory_space<hbm>>) target(%dma_start3A_44 : memref<128x32xf32, #tpu.memory_space<vmem>>) offsets(%dma_start3A_47 : memref<128xi32, #tpu.memory_space<vmem>>) semaphore(%arg11 : memref<!tpu.dma_semaphore, #tpu.memory_space<semaphore_mem>>)
      %scan3A_51 = arith.constant 0 : i32
      %scan3A_52 = arith.constant 0 : i32
      %scan3A_53 = arith.constant 25 : i32
      %scan3A_54 = arith.addi %scan3A_52, %scan3A_53 : i32
      %scan3A_55 = arith.constant 1 : i32
      scf.for %scan3A_408 = %scan3A_52 to %scan3A_54 step %scan3A_55  : i32 {
        %mul3A_409 = arith.constant 2 : i32
        %mul3A_410 = arith.muli %mul3A_409, %scan3A_408 : i32
        %mul3A_411 = arith.constant 2 : i32
        %mul3A_412 = arith.muli %mul3A_411, %scan3A_408 : i32
        %add3A_413 = arith.constant 1 : i32
        %add3A_414 = arith.addi %mul3A_412, %add3A_413 : i32
        %dma_wait3A_415 = arith.constant 0 : i32
        %dma_wait3A_416 = arith.constant 0 : i32
        %dma_wait3A_417 = arith.constant 0 : i32
        %dma_wait3A_418 = tpu.memref_slice %arg7[%dma_wait3A_416, %dma_wait3A_417] : memref<512x32xf32, #tpu.memory_space<vmem>> -> memref<128x32xf32, #tpu.memory_space<vmem>>
        %dma_wait3A_419 = arith.constant 0 : i32
        %dma_wait3A_420 = tpu.memref_slice %arg5[%dma_wait3A_415, %dma_wait3A_419] : memref<4x128xi32, #tpu.memory_space<vmem>> -> memref<1x128xi32, #tpu.memory_space<vmem>>
        %dma_wait3A_421 = tpu.memref_squeeze %dma_wait3A_420 : memref<1x128xi32, #tpu.memory_space<vmem>> -> memref<128xi32, #tpu.memory_space<vmem>>
        %dma_wait3A_422 = arith.constant 0 : i32
        %dma_wait3A_423 = arith.constant 0 : i32
        %dma_wait3A_424 = tpu.memref_slice %arg3[%dma_wait3A_422, %dma_wait3A_423] : memref<1000001x32xf32, #tpu.memory_space<hbm>> -> memref<1000001x32xf32, #tpu.memory_space<hbm>>
        tpu.wait_indirect_dma semaphore(%arg11 : memref<!tpu.dma_semaphore, #tpu.memory_space<semaphore_mem>>) src(%dma_wait3A_424 : memref<1000001x32xf32, #tpu.memory_space<hbm>>) dst(%dma_wait3A_418 : memref<128x32xf32, #tpu.memory_space<vmem>>)
        %dma_wait3A_425 = arith.constant 1 : i32
        %dma_wait3A_426 = arith.constant 128 : i32
        %dma_wait3A_427 = arith.constant 0 : i32
        %dma_wait3A_428 = tpu.memref_slice %arg7[%dma_wait3A_426, %dma_wait3A_427] : memref<512x32xf32, #tpu.memory_space<vmem>> -> memref<128x32xf32, #tpu.memory_space<vmem>>
        %dma_wait3A_429 = arith.constant 0 : i32
        %dma_wait3A_430 = tpu.memref_slice %arg5[%dma_wait3A_425, %dma_wait3A_429] : memref<4x128xi32, #tpu.memory_space<vmem>> -> memref<1x128xi32, #tpu.memory_space<vmem>>
        %dma_wait3A_431 = tpu.memref_squeeze %dma_wait3A_430 : memref<1x128xi32, #tpu.memory_space<vmem>> -> memref<128xi32, #tpu.memory_space<vmem>>
        %dma_wait3A_432 = arith.constant 0 : i32
        %dma_wait3A_433 = arith.constant 0 : i32
        %dma_wait3A_434 = tpu.memref_slice %arg3[%dma_wait3A_432, %dma_wait3A_433] : memref<1000001x32xf32, #tpu.memory_space<hbm>> -> memref<1000001x32xf32, #tpu.memory_space<hbm>>
        tpu.wait_indirect_dma semaphore(%arg11 : memref<!tpu.dma_semaphore, #tpu.memory_space<semaphore_mem>>) src(%dma_wait3A_434 : memref<1000001x32xf32, #tpu.memory_space<hbm>>) dst(%dma_wait3A_428 : memref<128x32xf32, #tpu.memory_space<vmem>>)
        %dma_wait3A_435 = arith.constant 2 : i32
        %dma_wait3A_436 = arith.constant 256 : i32
        %dma_wait3A_437 = arith.constant 0 : i32
        %dma_wait3A_438 = tpu.memref_slice %arg7[%dma_wait3A_436, %dma_wait3A_437] : memref<512x32xf32, #tpu.memory_space<vmem>> -> memref<128x32xf32, #tpu.memory_space<vmem>>
        %dma_wait3A_439 = arith.constant 0 : i32
        %dma_wait3A_440 = tpu.memref_slice %arg5[%dma_wait3A_435, %dma_wait3A_439] : memref<4x128xi32, #tpu.memory_space<vmem>> -> memref<1x128xi32, #tpu.memory_space<vmem>>
        %dma_wait3A_441 = tpu.memref_squeeze %dma_wait3A_440 : memref<1x128xi32, #tpu.memory_space<vmem>> -> memref<128xi32, #tpu.memory_space<vmem>>
        %dma_wait3A_442 = arith.constant 0 : i32
        %dma_wait3A_443 = arith.constant 0 : i32
        %dma_wait3A_444 = tpu.memref_slice %arg3[%dma_wait3A_442, %dma_wait3A_443] : memref<1000001x32xf32, #tpu.memory_space<hbm>> -> memref<1000001x32xf32, #tpu.memory_space<hbm>>
        tpu.wait_indirect_dma semaphore(%arg11 : memref<!tpu.dma_semaphore, #tpu.memory_space<semaphore_mem>>) src(%dma_wait3A_444 : memref<1000001x32xf32, #tpu.memory_space<hbm>>) dst(%dma_wait3A_438 : memref<128x32xf32, #tpu.memory_space<vmem>>)
        %dma_wait3A_445 = arith.constant 3 : i32
        %dma_wait3A_446 = arith.constant 384 : i32
        %dma_wait3A_447 = arith.constant 0 : i32
        %dma_wait3A_448 = tpu.memref_slice %arg7[%dma_wait3A_446, %dma_wait3A_447] : memref<512x32xf32, #tpu.memory_space<vmem>> -> memref<128x32xf32, #tpu.memory_space<vmem>>
        %dma_wait3A_449 = arith.constant 0 : i32
        %dma_wait3A_450 = tpu.memref_slice %arg5[%dma_wait3A_445, %dma_wait3A_449] : memref<4x128xi32, #tpu.memory_space<vmem>> -> memref<1x128xi32, #tpu.memory_space<vmem>>
        %dma_wait3A_451 = tpu.memref_squeeze %dma_wait3A_450 : memref<1x128xi32, #tpu.memory_space<vmem>> -> memref<128xi32, #tpu.memory_space<vmem>>
        %dma_wait3A_452 = arith.constant 0 : i32
        %dma_wait3A_453 = arith.constant 0 : i32
        %dma_wait3A_454 = tpu.memref_slice %arg3[%dma_wait3A_452, %dma_wait3A_453] : memref<1000001x32xf32, #tpu.memory_space<hbm>> -> memref<1000001x32xf32, #tpu.memory_space<hbm>>
        tpu.wait_indirect_dma semaphore(%arg11 : memref<!tpu.dma_semaphore, #tpu.memory_space<semaphore_mem>>) src(%dma_wait3A_454 : memref<1000001x32xf32, #tpu.memory_space<hbm>>) dst(%dma_wait3A_448 : memref<128x32xf32, #tpu.memory_space<vmem>>)
        %mul3A_455 = arith.constant 4 : i32
        %mul3A_456 = arith.muli %add3A_414, %mul3A_455 : i32
        %mul3A_457 = arith.constant 128 : i32
        %mul3A_458 = arith.muli %add3A_9, %mul3A_457 : i32
        "tpu.region"() ({
          %run_scoped3A = tpu.sem_alloc : memref<!tpu.dma_semaphore, #tpu.memory_space<semaphore_mem>>
          %dma_start3A_1076 = tpu.memref_slice %arg2[%mul3A_456, %mul3A_458] : memref<200x16384xi32, #tpu.memory_space<hbm>> -> memref<4x128xi32, #tpu.memory_space<hbm>>
          %dma_start3A_1077 = tpu.memref_slice %arg2[%mul3A_456, %mul3A_458] : memref<200x16384xi32, #tpu.memory_space<hbm>> -> memref<4x128xi32, #tpu.memory_space<hbm>>
          tpu.enqueue_dma source(%dma_start3A_1077 : memref<4x128xi32, #tpu.memory_space<hbm>>) target(%arg6 : memref<4x128xi32, #tpu.memory_space<vmem>>) target_semaphore(%run_scoped3A : memref<!tpu.dma_semaphore, #tpu.memory_space<semaphore_mem>>)
          %dma_wait3A_1078 = tpu.memref_slice %arg2[%mul3A_456, %mul3A_458] : memref<200x16384xi32, #tpu.memory_space<hbm>> -> memref<4x128xi32, #tpu.memory_space<hbm>>
          %dma_wait3A_1079 = tpu.memref_slice %arg2[%mul3A_456, %mul3A_458] : memref<200x16384xi32, #tpu.memory_space<hbm>> -> memref<4x128xi32, #tpu.memory_space<hbm>>
          tpu.wait_dma2 semaphore(%run_scoped3A : memref<!tpu.dma_semaphore, #tpu.memory_space<semaphore_mem>>) src(%dma_wait3A_1079 : memref<4x128xi32, #tpu.memory_space<hbm>>) dst(%arg6 : memref<4x128xi32, #tpu.memory_space<vmem>>)
          tpu.yield
        }) : () -> ()
        %dma_start3A_459 = arith.constant 0 : i32
        %dma_start3A_460 = arith.constant 0 : i32
        %dma_start3A_461 = arith.constant 0 : i32
        %dma_start3A_462 = tpu.memref_slice %arg8[%dma_start3A_460, %dma_start3A_461] : memref<512x32xf32, #tpu.memory_space<vmem>> -> memref<128x32xf32, #tpu.memory_space<vmem>>
        %dma_start3A_463 = arith.constant 0 : i32
        %dma_start3A_464 = tpu.memref_slice %arg6[%dma_start3A_459, %dma_start3A_463] : memref<4x128xi32, #tpu.memory_space<vmem>> -> memref<1x128xi32, #tpu.memory_space<vmem>>
        %dma_start3A_465 = tpu.memref_squeeze %dma_start3A_464 : memref<1x128xi32, #tpu.memory_space<vmem>> -> memref<128xi32, #tpu.memory_space<vmem>>
        %dma_start3A_466 = arith.constant 0 : i32
        %dma_start3A_467 = arith.constant 0 : i32
        %dma_start3A_468 = tpu.memref_slice %arg3[%dma_start3A_466, %dma_start3A_467] : memref<1000001x32xf32, #tpu.memory_space<hbm>> -> memref<1000001x32xf32, #tpu.memory_space<hbm>>
        tpu.enqueue_indirect_dma source(%dma_start3A_468 : memref<1000001x32xf32, #tpu.memory_space<hbm>>) target(%dma_start3A_462 : memref<128x32xf32, #tpu.memory_space<vmem>>) offsets(%dma_start3A_465 : memref<128xi32, #tpu.memory_space<vmem>>) semaphore(%arg11 : memref<!tpu.dma_semaphore, #tpu.memory_space<semaphore_mem>>)
        %dma_start3A_469 = arith.constant 1 : i32
        %dma_start3A_470 = arith.constant 128 : i32
        %dma_start3A_471 = arith.constant 0 : i32
        %dma_start3A_472 = tpu.memref_slice %arg8[%dma_start3A_470, %dma_start3A_471] : memref<512x32xf32, #tpu.memory_space<vmem>> -> memref<128x32xf32, #tpu.memory_space<vmem>>
        %dma_start3A_473 = arith.constant 0 : i32
        %dma_start3A_474 = tpu.memref_slice %arg6[%dma_start3A_469, %dma_start3A_473] : memref<4x128xi32, #tpu.memory_space<vmem>> -> memref<1x128xi32, #tpu.memory_space<vmem>>
        %dma_start3A_475 = tpu.memref_squeeze %dma_start3A_474 : memref<1x128xi32, #tpu.memory_space<vmem>> -> memref<128xi32, #tpu.memory_space<vmem>>
        %dma_start3A_476 = arith.constant 0 : i32
        %dma_start3A_477 = arith.constant 0 : i32
        %dma_start3A_478 = tpu.memref_slice %arg3[%dma_start3A_476, %dma_start3A_477] : memref<1000001x32xf32, #tpu.memory_space<hbm>> -> memref<1000001x32xf32, #tpu.memory_space<hbm>>
        tpu.enqueue_indirect_dma source(%dma_start3A_478 : memref<1000001x32xf32, #tpu.memory_space<hbm>>) target(%dma_start3A_472 : memref<128x32xf32, #tpu.memory_space<vmem>>) offsets(%dma_start3A_475 : memref<128xi32, #tpu.memory_space<vmem>>) semaphore(%arg11 : memref<!tpu.dma_semaphore, #tpu.memory_space<semaphore_mem>>)
        %dma_start3A_479 = arith.constant 2 : i32
        %dma_start3A_480 = arith.constant 256 : i32
        %dma_start3A_481 = arith.constant 0 : i32
        %dma_start3A_482 = tpu.memref_slice %arg8[%dma_start3A_480, %dma_start3A_481] : memref<512x32xf32, #tpu.memory_space<vmem>> -> memref<128x32xf32, #tpu.memory_space<vmem>>
        %dma_start3A_483 = arith.constant 0 : i32
        %dma_start3A_484 = tpu.memref_slice %arg6[%dma_start3A_479, %dma_start3A_483] : memref<4x128xi32, #tpu.memory_space<vmem>> -> memref<1x128xi32, #tpu.memory_space<vmem>>
        %dma_start3A_485 = tpu.memref_squeeze %dma_start3A_484 : memref<1x128xi32, #tpu.memory_space<vmem>> -> memref<128xi32, #tpu.memory_space<vmem>>
        %dma_start3A_486 = arith.constant 0 : i32
        %dma_start3A_487 = arith.constant 0 : i32
        %dma_start3A_488 = tpu.memref_slice %arg3[%dma_start3A_486, %dma_start3A_487] : memref<1000001x32xf32, #tpu.memory_space<hbm>> -> memref<1000001x32xf32, #tpu.memory_space<hbm>>
        tpu.enqueue_indirect_dma source(%dma_start3A_488 : memref<1000001x32xf32, #tpu.memory_space<hbm>>) target(%dma_start3A_482 : memref<128x32xf32, #tpu.memory_space<vmem>>) offsets(%dma_start3A_485 : memref<128xi32, #tpu.memory_space<vmem>>) semaphore(%arg11 : memref<!tpu.dma_semaphore, #tpu.memory_space<semaphore_mem>>)
        %dma_start3A_489 = arith.constant 3 : i32
        %dma_start3A_490 = arith.constant 384 : i32
        %dma_start3A_491 = arith.constant 0 : i32
        %dma_start3A_492 = tpu.memref_slice %arg8[%dma_start3A_490, %dma_start3A_491] : memref<512x32xf32, #tpu.memory_space<vmem>> -> memref<128x32xf32, #tpu.memory_space<vmem>>
        %dma_start3A_493 = arith.constant 0 : i32
        %dma_start3A_494 = tpu.memref_slice %arg6[%dma_start3A_489, %dma_start3A_493] : memref<4x128xi32, #tpu.memory_space<vmem>> -> memref<1x128xi32, #tpu.memory_space<vmem>>
        %dma_start3A_495 = tpu.memref_squeeze %dma_start3A_494 : memref<1x128xi32, #tpu.memory_space<vmem>> -> memref<128xi32, #tpu.memory_space<vmem>>
        %dma_start3A_496 = arith.constant 0 : i32
        %dma_start3A_497 = arith.constant 0 : i32
        %dma_start3A_498 = tpu.memref_slice %arg3[%dma_start3A_496, %dma_start3A_497] : memref<1000001x32xf32, #tpu.memory_space<hbm>> -> memref<1000001x32xf32, #tpu.memory_space<hbm>>
        tpu.enqueue_indirect_dma source(%dma_start3A_498 : memref<1000001x32xf32, #tpu.memory_space<hbm>>) target(%dma_start3A_492 : memref<128x32xf32, #tpu.memory_space<vmem>>) offsets(%dma_start3A_495 : memref<128xi32, #tpu.memory_space<vmem>>) semaphore(%arg11 : memref<!tpu.dma_semaphore, #tpu.memory_space<semaphore_mem>>)
        %gt3A = arith.constant 0 : i32
        %gt3A_499 = arith.cmpi sgt, %scan3A_408, %gt3A : i32
        %convert_element_type3A = arith.extui %gt3A_499 : i1 to i32
        %cond3A = arith.constant 0 : i32
        %cond3A_500 = arith.cmpi ne, %convert_element_type3A, %cond3A : i32
        scf.if %cond3A_500 {
          %sub3A = arith.constant 2 : i32
          %sub3A_1076 = arith.subi %mul3A_410, %sub3A : i32
          %mul3A_1077 = arith.constant 4 : i32
          %mul3A_1078 = arith.muli %sub3A_1076, %mul3A_1077 : i32
          %mul3A_1079 = arith.constant 4 : i32
          %mul3A_1080 = arith.muli %mul3A_1078, %mul3A_1079 : i32
          %add3A_1081 = arith.constant 0 : i32
          %add3A_1082 = arith.addi %mul3A_1080, %add3A_1081 : i32
          %dma_wait3A_1083 = arith.constant 0 : i32
          %dma_wait3A_1084 = tpu.memref_slice %arg9[%dma_wait3A_1083] : memref<16384xf32, #tpu.memory_space<vmem>> -> memref<1024xf32, #tpu.memory_space<vmem>>
          %dma_wait3A_1085 = arith.constant 0 : i32
          %dma_wait3A_1086 = tpu.memref_slice %arg4[%add3A_1082, %add3A_9, %dma_wait3A_1085] : memref<800x128x1024xf32, #tpu.memory_space<hbm>> -> memref<1x1x1024xf32, #tpu.memory_space<hbm>>
          %dma_wait3A_1087 = tpu.memref_squeeze %dma_wait3A_1086 : memref<1x1x1024xf32, #tpu.memory_space<hbm>> -> memref<1024xf32, #tpu.memory_space<hbm>>
          %dma_wait3A_1088 = arith.constant 0 : i32
          %dma_wait3A_1089 = tpu.memref_slice %arg4[%add3A_1082, %add3A_9, %dma_wait3A_1088] : memref<800x128x1024xf32, #tpu.memory_space<hbm>> -> memref<1x1x1024xf32, #tpu.memory_space<hbm>>
          %dma_wait3A_1090 = tpu.memref_squeeze %dma_wait3A_1089 : memref<1x1x1024xf32, #tpu.memory_space<hbm>> -> memref<1024xf32, #tpu.memory_space<hbm>>
          %dma_wait3A_1091 = arith.constant 0 : i32
          %dma_wait3A_1092 = tpu.memref_slice %arg9[%dma_wait3A_1091] : memref<16384xf32, #tpu.memory_space<vmem>> -> memref<1024xf32, #tpu.memory_space<vmem>>
          tpu.wait_dma2 semaphore(%arg12 : memref<!tpu.dma_semaphore, #tpu.memory_space<semaphore_mem>>) src(%dma_wait3A_1092 : memref<1024xf32, #tpu.memory_space<vmem>>) dst(%dma_wait3A_1090 : memref<1024xf32, #tpu.memory_space<hbm>>)
          %mul3A_1093 = arith.constant 4 : i32
          %mul3A_1094 = arith.muli %sub3A_1076, %mul3A_1093 : i32
          %mul3A_1095 = arith.constant 4 : i32
          %mul3A_1096 = arith.muli %mul3A_1094, %mul3A_1095 : i32
          %add3A_1097 = arith.constant 1 : i32
          %add3A_1098 = arith.addi %mul3A_1096, %add3A_1097 : i32
          %dma_wait3A_1099 = arith.constant 1024 : i32
          %dma_wait3A_1100 = tpu.memref_slice %arg9[%dma_wait3A_1099] : memref<16384xf32, #tpu.memory_space<vmem>> -> memref<1024xf32, #tpu.memory_space<vmem>>
          %dma_wait3A_1101 = arith.constant 0 : i32
          %dma_wait3A_1102 = tpu.memref_slice %arg4[%add3A_1098, %add3A_9, %dma_wait3A_1101] : memref<800x128x1024xf32, #tpu.memory_space<hbm>> -> memref<1x1x1024xf32, #tpu.memory_space<hbm>>
          %dma_wait3A_1103 = tpu.memref_squeeze %dma_wait3A_1102 : memref<1x1x1024xf32, #tpu.memory_space<hbm>> -> memref<1024xf32, #tpu.memory_space<hbm>>
          %dma_wait3A_1104 = arith.constant 0 : i32
          %dma_wait3A_1105 = tpu.memref_slice %arg4[%add3A_1098, %add3A_9, %dma_wait3A_1104] : memref<800x128x1024xf32, #tpu.memory_space<hbm>> -> memref<1x1x1024xf32, #tpu.memory_space<hbm>>
          %dma_wait3A_1106 = tpu.memref_squeeze %dma_wait3A_1105 : memref<1x1x1024xf32, #tpu.memory_space<hbm>> -> memref<1024xf32, #tpu.memory_space<hbm>>
          %dma_wait3A_1107 = arith.constant 1024 : i32
          %dma_wait3A_1108 = tpu.memref_slice %arg9[%dma_wait3A_1107] : memref<16384xf32, #tpu.memory_space<vmem>> -> memref<1024xf32, #tpu.memory_space<vmem>>
          tpu.wait_dma2 semaphore(%arg12 : memref<!tpu.dma_semaphore, #tpu.memory_space<semaphore_mem>>) src(%dma_wait3A_1108 : memref<1024xf32, #tpu.memory_space<vmem>>) dst(%dma_wait3A_1106 : memref<1024xf32, #tpu.memory_space<hbm>>)
          %mul3A_1109 = arith.constant 4 : i32
          %mul3A_1110 = arith.muli %sub3A_1076, %mul3A_1109 : i32
          %mul3A_1111 = arith.constant 4 : i32
          %mul3A_1112 = arith.muli %mul3A_1110, %mul3A_1111 : i32
          %add3A_1113 = arith.constant 2 : i32
          %add3A_1114 = arith.addi %mul3A_1112, %add3A_1113 : i32
          %dma_wait3A_1115 = arith.constant 2048 : i32
          %dma_wait3A_1116 = tpu.memref_slice %arg9[%dma_wait3A_1115] : memref<16384xf32, #tpu.memory_space<vmem>> -> memref<1024xf32, #tpu.memory_space<vmem>>
          %dma_wait3A_1117 = arith.constant 0 : i32
          %dma_wait3A_1118 = tpu.memref_slice %arg4[%add3A_1114, %add3A_9, %dma_wait3A_1117] : memref<800x128x1024xf32, #tpu.memory_space<hbm>> -> memref<1x1x1024xf32, #tpu.memory_space<hbm>>
          %dma_wait3A_1119 = tpu.memref_squeeze %dma_wait3A_1118 : memref<1x1x1024xf32, #tpu.memory_space<hbm>> -> memref<1024xf32, #tpu.memory_space<hbm>>
          %dma_wait3A_1120 = arith.constant 0 : i32
          %dma_wait3A_1121 = tpu.memref_slice %arg4[%add3A_1114, %add3A_9, %dma_wait3A_1120] : memref<800x128x1024xf32, #tpu.memory_space<hbm>> -> memref<1x1x1024xf32, #tpu.memory_space<hbm>>
          %dma_wait3A_1122 = tpu.memref_squeeze %dma_wait3A_1121 : memref<1x1x1024xf32, #tpu.memory_space<hbm>> -> memref<1024xf32, #tpu.memory_space<hbm>>
          %dma_wait3A_1123 = arith.constant 2048 : i32
          %dma_wait3A_1124 = tpu.memref_slice %arg9[%dma_wait3A_1123] : memref<16384xf32, #tpu.memory_space<vmem>> -> memref<1024xf32, #tpu.memory_space<vmem>>
          tpu.wait_dma2 semaphore(%arg12 : memref<!tpu.dma_semaphore, #tpu.memory_space<semaphore_mem>>) src(%dma_wait3A_1124 : memref<1024xf32, #tpu.memory_space<vmem>>) dst(%dma_wait3A_1122 : memref<1024xf32, #tpu.memory_space<hbm>>)
          %mul3A_1125 = arith.constant 4 : i32
          %mul3A_1126 = arith.muli %sub3A_1076, %mul3A_1125 : i32
          %mul3A_1127 = arith.constant 4 : i32
          %mul3A_1128 = arith.muli %mul3A_1126, %mul3A_1127 : i32
          %add3A_1129 = arith.constant 3 : i32
          %add3A_1130 = arith.addi %mul3A_1128, %add3A_1129 : i32
          %dma_wait3A_1131 = arith.constant 3072 : i32
          %dma_wait3A_1132 = tpu.memref_slice %arg9[%dma_wait3A_1131] : memref<16384xf32, #tpu.memory_space<vmem>> -> memref<1024xf32, #tpu.memory_space<vmem>>
          %dma_wait3A_1133 = arith.constant 0 : i32
          %dma_wait3A_1134 = tpu.memref_slice %arg4[%add3A_1130, %add3A_9, %dma_wait3A_1133] : memref<800x128x1024xf32, #tpu.memory_space<hbm>> -> memref<1x1x1024xf32, #tpu.memory_space<hbm>>
          %dma_wait3A_1135 = tpu.memref_squeeze %dma_wait3A_1134 : memref<1x1x1024xf32, #tpu.memory_space<hbm>> -> memref<1024xf32, #tpu.memory_space<hbm>>
          %dma_wait3A_1136 = arith.constant 0 : i32
          %dma_wait3A_1137 = tpu.memref_slice %arg4[%add3A_1130, %add3A_9, %dma_wait3A_1136] : memref<800x128x1024xf32, #tpu.memory_space<hbm>> -> memref<1x1x1024xf32, #tpu.memory_space<hbm>>
          %dma_wait3A_1138 = tpu.memref_squeeze %dma_wait3A_1137 : memref<1x1x1024xf32, #tpu.memory_space<hbm>> -> memref<1024xf32, #tpu.memory_space<hbm>>
          %dma_wait3A_1139 = arith.constant 3072 : i32
          %dma_wait3A_1140 = tpu.memref_slice %arg9[%dma_wait3A_1139] : memref<16384xf32, #tpu.memory_space<vmem>> -> memref<1024xf32, #tpu.memory_space<vmem>>
          tpu.wait_dma2 semaphore(%arg12 : memref<!tpu.dma_semaphore, #tpu.memory_space<semaphore_mem>>) src(%dma_wait3A_1140 : memref<1024xf32, #tpu.memory_space<vmem>>) dst(%dma_wait3A_1138 : memref<1024xf32, #tpu.memory_space<hbm>>)
          %mul3A_1141 = arith.constant 4 : i32
          %mul3A_1142 = arith.muli %sub3A_1076, %mul3A_1141 : i32
          %mul3A_1143 = arith.constant 4 : i32
          %mul3A_1144 = arith.muli %mul3A_1142, %mul3A_1143 : i32
          %add3A_1145 = arith.constant 4 : i32
          %add3A_1146 = arith.addi %mul3A_1144, %add3A_1145 : i32
          %dma_wait3A_1147 = arith.constant 4096 : i32
          %dma_wait3A_1148 = tpu.memref_slice %arg9[%dma_wait3A_1147] : memref<16384xf32, #tpu.memory_space<vmem>> -> memref<1024xf32, #tpu.memory_space<vmem>>
          %dma_wait3A_1149 = arith.constant 0 : i32
          %dma_wait3A_1150 = tpu.memref_slice %arg4[%add3A_1146, %add3A_9, %dma_wait3A_1149] : memref<800x128x1024xf32, #tpu.memory_space<hbm>> -> memref<1x1x1024xf32, #tpu.memory_space<hbm>>
          %dma_wait3A_1151 = tpu.memref_squeeze %dma_wait3A_1150 : memref<1x1x1024xf32, #tpu.memory_space<hbm>> -> memref<1024xf32, #tpu.memory_space<hbm>>
          %dma_wait3A_1152 = arith.constant 0 : i32
          %dma_wait3A_1153 = tpu.memref_slice %arg4[%add3A_1146, %add3A_9, %dma_wait3A_1152] : memref<800x128x1024xf32, #tpu.memory_space<hbm>> -> memref<1x1x1024xf32, #tpu.memory_space<hbm>>
          %dma_wait3A_1154 = tpu.memref_squeeze %dma_wait3A_1153 : memref<1x1x1024xf32, #tpu.memory_space<hbm>> -> memref<1024xf32, #tpu.memory_space<hbm>>
          %dma_wait3A_1155 = arith.constant 4096 : i32
          %dma_wait3A_1156 = tpu.memref_slice %arg9[%dma_wait3A_1155] : memref<16384xf32, #tpu.memory_space<vmem>> -> memref<1024xf32, #tpu.memory_space<vmem>>
          tpu.wait_dma2 semaphore(%arg12 : memref<!tpu.dma_semaphore, #tpu.memory_space<semaphore_mem>>) src(%dma_wait3A_1156 : memref<1024xf32, #tpu.memory_space<vmem>>) dst(%dma_wait3A_1154 : memref<1024xf32, #tpu.memory_space<hbm>>)
          %mul3A_1157 = arith.constant 4 : i32
          %mul3A_1158 = arith.muli %sub3A_1076, %mul3A_1157 : i32
          %mul3A_1159 = arith.constant 4 : i32
          %mul3A_1160 = arith.muli %mul3A_1158, %mul3A_1159 : i32
          %add3A_1161 = arith.constant 5 : i32
          %add3A_1162 = arith.addi %mul3A_1160, %add3A_1161 : i32
          %dma_wait3A_1163 = arith.constant 5120 : i32
          %dma_wait3A_1164 = tpu.memref_slice %arg9[%dma_wait3A_1163] : memref<16384xf32, #tpu.memory_space<vmem>> -> memref<1024xf32, #tpu.memory_space<vmem>>
          %dma_wait3A_1165 = arith.constant 0 : i32
          %dma_wait3A_1166 = tpu.memref_slice %arg4[%add3A_1162, %add3A_9, %dma_wait3A_1165] : memref<800x128x1024xf32, #tpu.memory_space<hbm>> -> memref<1x1x1024xf32, #tpu.memory_space<hbm>>
          %dma_wait3A_1167 = tpu.memref_squeeze %dma_wait3A_1166 : memref<1x1x1024xf32, #tpu.memory_space<hbm>> -> memref<1024xf32, #tpu.memory_space<hbm>>
          %dma_wait3A_1168 = arith.constant 0 : i32
          %dma_wait3A_1169 = tpu.memref_slice %arg4[%add3A_1162, %add3A_9, %dma_wait3A_1168] : memref<800x128x1024xf32, #tpu.memory_space<hbm>> -> memref<1x1x1024xf32, #tpu.memory_space<hbm>>
          %dma_wait3A_1170 = tpu.memref_squeeze %dma_wait3A_1169 : memref<1x1x1024xf32, #tpu.memory_space<hbm>> -> memref<1024xf32, #tpu.memory_space<hbm>>
          %dma_wait3A_1171 = arith.constant 5120 : i32
          %dma_wait3A_1172 = tpu.memref_slice %arg9[%dma_wait3A_1171] : memref<16384xf32, #tpu.memory_space<vmem>> -> memref<1024xf32, #tpu.memory_space<vmem>>
          tpu.wait_dma2 semaphore(%arg12 : memref<!tpu.dma_semaphore, #tpu.memory_space<semaphore_mem>>) src(%dma_wait3A_1172 : memref<1024xf32, #tpu.memory_space<vmem>>) dst(%dma_wait3A_1170 : memref<1024xf32, #tpu.memory_space<hbm>>)
          %mul3A_1173 = arith.constant 4 : i32
          %mul3A_1174 = arith.muli %sub3A_1076, %mul3A_1173 : i32
          %mul3A_1175 = arith.constant 4 : i32
          %mul3A_1176 = arith.muli %mul3A_1174, %mul3A_1175 : i32
          %add3A_1177 = arith.constant 6 : i32
          %add3A_1178 = arith.addi %mul3A_1176, %add3A_1177 : i32
          %dma_wait3A_1179 = arith.constant 6144 : i32
          %dma_wait3A_1180 = tpu.memref_slice %arg9[%dma_wait3A_1179] : memref<16384xf32, #tpu.memory_space<vmem>> -> memref<1024xf32, #tpu.memory_space<vmem>>
          %dma_wait3A_1181 = arith.constant 0 : i32
          %dma_wait3A_1182 = tpu.memref_slice %arg4[%add3A_1178, %add3A_9, %dma_wait3A_1181] : memref<800x128x1024xf32, #tpu.memory_space<hbm>> -> memref<1x1x1024xf32, #tpu.memory_space<hbm>>
          %dma_wait3A_1183 = tpu.memref_squeeze %dma_wait3A_1182 : memref<1x1x1024xf32, #tpu.memory_space<hbm>> -> memref<1024xf32, #tpu.memory_space<hbm>>
          %dma_wait3A_1184 = arith.constant 0 : i32
          %dma_wait3A_1185 = tpu.memref_slice %arg4[%add3A_1178, %add3A_9, %dma_wait3A_1184] : memref<800x128x1024xf32, #tpu.memory_space<hbm>> -> memref<1x1x1024xf32, #tpu.memory_space<hbm>>
          %dma_wait3A_1186 = tpu.memref_squeeze %dma_wait3A_1185 : memref<1x1x1024xf32, #tpu.memory_space<hbm>> -> memref<1024xf32, #tpu.memory_space<hbm>>
          %dma_wait3A_1187 = arith.constant 6144 : i32
          %dma_wait3A_1188 = tpu.memref_slice %arg9[%dma_wait3A_1187] : memref<16384xf32, #tpu.memory_space<vmem>> -> memref<1024xf32, #tpu.memory_space<vmem>>
          tpu.wait_dma2 semaphore(%arg12 : memref<!tpu.dma_semaphore, #tpu.memory_space<semaphore_mem>>) src(%dma_wait3A_1188 : memref<1024xf32, #tpu.memory_space<vmem>>) dst(%dma_wait3A_1186 : memref<1024xf32, #tpu.memory_space<hbm>>)
          %mul3A_1189 = arith.constant 4 : i32
          %mul3A_1190 = arith.muli %sub3A_1076, %mul3A_1189 : i32
          %mul3A_1191 = arith.constant 4 : i32
          %mul3A_1192 = arith.muli %mul3A_1190, %mul3A_1191 : i32
          %add3A_1193 = arith.constant 7 : i32
          %add3A_1194 = arith.addi %mul3A_1192, %add3A_1193 : i32
          %dma_wait3A_1195 = arith.constant 7168 : i32
          %dma_wait3A_1196 = tpu.memref_slice %arg9[%dma_wait3A_1195] : memref<16384xf32, #tpu.memory_space<vmem>> -> memref<1024xf32, #tpu.memory_space<vmem>>
          %dma_wait3A_1197 = arith.constant 0 : i32
          %dma_wait3A_1198 = tpu.memref_slice %arg4[%add3A_1194, %add3A_9, %dma_wait3A_1197] : memref<800x128x1024xf32, #tpu.memory_space<hbm>> -> memref<1x1x1024xf32, #tpu.memory_space<hbm>>
          %dma_wait3A_1199 = tpu.memref_squeeze %dma_wait3A_1198 : memref<1x1x1024xf32, #tpu.memory_space<hbm>> -> memref<1024xf32, #tpu.memory_space<hbm>>
          %dma_wait3A_1200 = arith.constant 0 : i32
          %dma_wait3A_1201 = tpu.memref_slice %arg4[%add3A_1194, %add3A_9, %dma_wait3A_1200] : memref<800x128x1024xf32, #tpu.memory_space<hbm>> -> memref<1x1x1024xf32, #tpu.memory_space<hbm>>
          %dma_wait3A_1202 = tpu.memref_squeeze %dma_wait3A_1201 : memref<1x1x1024xf32, #tpu.memory_space<hbm>> -> memref<1024xf32, #tpu.memory_space<hbm>>
          %dma_wait3A_1203 = arith.constant 7168 : i32
          %dma_wait3A_1204 = tpu.memref_slice %arg9[%dma_wait3A_1203] : memref<16384xf32, #tpu.memory_space<vmem>> -> memref<1024xf32, #tpu.memory_space<vmem>>
          tpu.wait_dma2 semaphore(%arg12 : memref<!tpu.dma_semaphore, #tpu.memory_space<semaphore_mem>>) src(%dma_wait3A_1204 : memref<1024xf32, #tpu.memory_space<vmem>>) dst(%dma_wait3A_1202 : memref<1024xf32, #tpu.memory_space<hbm>>)
          %mul3A_1205 = arith.constant 4 : i32
          %mul3A_1206 = arith.muli %sub3A_1076, %mul3A_1205 : i32
          %mul3A_1207 = arith.constant 4 : i32
          %mul3A_1208 = arith.muli %mul3A_1206, %mul3A_1207 : i32
          %add3A_1209 = arith.constant 8 : i32
          %add3A_1210 = arith.addi %mul3A_1208, %add3A_1209 : i32
          %dma_wait3A_1211 = arith.constant 8192 : i32
          %dma_wait3A_1212 = tpu.memref_slice %arg9[%dma_wait3A_1211] : memref<16384xf32, #tpu.memory_space<vmem>> -> memref<1024xf32, #tpu.memory_space<vmem>>
          %dma_wait3A_1213 = arith.constant 0 : i32
          %dma_wait3A_1214 = tpu.memref_slice %arg4[%add3A_1210, %add3A_9, %dma_wait3A_1213] : memref<800x128x1024xf32, #tpu.memory_space<hbm>> -> memref<1x1x1024xf32, #tpu.memory_space<hbm>>
          %dma_wait3A_1215 = tpu.memref_squeeze %dma_wait3A_1214 : memref<1x1x1024xf32, #tpu.memory_space<hbm>> -> memref<1024xf32, #tpu.memory_space<hbm>>
          %dma_wait3A_1216 = arith.constant 0 : i32
          %dma_wait3A_1217 = tpu.memref_slice %arg4[%add3A_1210, %add3A_9, %dma_wait3A_1216] : memref<800x128x1024xf32, #tpu.memory_space<hbm>> -> memref<1x1x1024xf32, #tpu.memory_space<hbm>>
          %dma_wait3A_1218 = tpu.memref_squeeze %dma_wait3A_1217 : memref<1x1x1024xf32, #tpu.memory_space<hbm>> -> memref<1024xf32, #tpu.memory_space<hbm>>
          %dma_wait3A_1219 = arith.constant 8192 : i32
          %dma_wait3A_1220 = tpu.memref_slice %arg9[%dma_wait3A_1219] : memref<16384xf32, #tpu.memory_space<vmem>> -> memref<1024xf32, #tpu.memory_space<vmem>>
          tpu.wait_dma2 semaphore(%arg12 : memref<!tpu.dma_semaphore, #tpu.memory_space<semaphore_mem>>) src(%dma_wait3A_1220 : memref<1024xf32, #tpu.memory_space<vmem>>) dst(%dma_wait3A_1218 : memref<1024xf32, #tpu.memory_space<hbm>>)
          %mul3A_1221 = arith.constant 4 : i32
          %mul3A_1222 = arith.muli %sub3A_1076, %mul3A_1221 : i32
          %mul3A_1223 = arith.constant 4 : i32
          %mul3A_1224 = arith.muli %mul3A_1222, %mul3A_1223 : i32
          %add3A_1225 = arith.constant 9 : i32
          %add3A_1226 = arith.addi %mul3A_1224, %add3A_1225 : i32
          %dma_wait3A_1227 = arith.constant 9216 : i32
          %dma_wait3A_1228 = tpu.memref_slice %arg9[%dma_wait3A_1227] : memref<16384xf32, #tpu.memory_space<vmem>> -> memref<1024xf32, #tpu.memory_space<vmem>>
          %dma_wait3A_1229 = arith.constant 0 : i32
          %dma_wait3A_1230 = tpu.memref_slice %arg4[%add3A_1226, %add3A_9, %dma_wait3A_1229] : memref<800x128x1024xf32, #tpu.memory_space<hbm>> -> memref<1x1x1024xf32, #tpu.memory_space<hbm>>
          %dma_wait3A_1231 = tpu.memref_squeeze %dma_wait3A_1230 : memref<1x1x1024xf32, #tpu.memory_space<hbm>> -> memref<1024xf32, #tpu.memory_space<hbm>>
          %dma_wait3A_1232 = arith.constant 0 : i32
          %dma_wait3A_1233 = tpu.memref_slice %arg4[%add3A_1226, %add3A_9, %dma_wait3A_1232] : memref<800x128x1024xf32, #tpu.memory_space<hbm>> -> memref<1x1x1024xf32, #tpu.memory_space<hbm>>
          %dma_wait3A_1234 = tpu.memref_squeeze %dma_wait3A_1233 : memref<1x1x1024xf32, #tpu.memory_space<hbm>> -> memref<1024xf32, #tpu.memory_space<hbm>>
          %dma_wait3A_1235 = arith.constant 9216 : i32
          %dma_wait3A_1236 = tpu.memref_slice %arg9[%dma_wait3A_1235] : memref<16384xf32, #tpu.memory_space<vmem>> -> memref<1024xf32, #tpu.memory_space<vmem>>
          tpu.wait_dma2 semaphore(%arg12 : memref<!tpu.dma_semaphore, #tpu.memory_space<semaphore_mem>>) src(%dma_wait3A_1236 : memref<1024xf32, #tpu.memory_space<vmem>>) dst(%dma_wait3A_1234 : memref<1024xf32, #tpu.memory_space<hbm>>)
          %mul3A_1237 = arith.constant 4 : i32
          %mul3A_1238 = arith.muli %sub3A_1076, %mul3A_1237 : i32
          %mul3A_1239 = arith.constant 4 : i32
          %mul3A_1240 = arith.muli %mul3A_1238, %mul3A_1239 : i32
          %add3A_1241 = arith.constant 10 : i32
          %add3A_1242 = arith.addi %mul3A_1240, %add3A_1241 : i32
          %dma_wait3A_1243 = arith.constant 10240 : i32
          %dma_wait3A_1244 = tpu.memref_slice %arg9[%dma_wait3A_1243] : memref<16384xf32, #tpu.memory_space<vmem>> -> memref<1024xf32, #tpu.memory_space<vmem>>
          %dma_wait3A_1245 = arith.constant 0 : i32
          %dma_wait3A_1246 = tpu.memref_slice %arg4[%add3A_1242, %add3A_9, %dma_wait3A_1245] : memref<800x128x1024xf32, #tpu.memory_space<hbm>> -> memref<1x1x1024xf32, #tpu.memory_space<hbm>>
          %dma_wait3A_1247 = tpu.memref_squeeze %dma_wait3A_1246 : memref<1x1x1024xf32, #tpu.memory_space<hbm>> -> memref<1024xf32, #tpu.memory_space<hbm>>
          %dma_wait3A_1248 = arith.constant 0 : i32
          %dma_wait3A_1249 = tpu.memref_slice %arg4[%add3A_1242, %add3A_9, %dma_wait3A_1248] : memref<800x128x1024xf32, #tpu.memory_space<hbm>> -> memref<1x1x1024xf32, #tpu.memory_space<hbm>>
          %dma_wait3A_1250 = tpu.memref_squeeze %dma_wait3A_1249 : memref<1x1x1024xf32, #tpu.memory_space<hbm>> -> memref<1024xf32, #tpu.memory_space<hbm>>
          %dma_wait3A_1251 = arith.constant 10240 : i32
          %dma_wait3A_1252 = tpu.memref_slice %arg9[%dma_wait3A_1251] : memref<16384xf32, #tpu.memory_space<vmem>> -> memref<1024xf32, #tpu.memory_space<vmem>>
          tpu.wait_dma2 semaphore(%arg12 : memref<!tpu.dma_semaphore, #tpu.memory_space<semaphore_mem>>) src(%dma_wait3A_1252 : memref<1024xf32, #tpu.memory_space<vmem>>) dst(%dma_wait3A_1250 : memref<1024xf32, #tpu.memory_space<hbm>>)
          %mul3A_1253 = arith.constant 4 : i32
          %mul3A_1254 = arith.muli %sub3A_1076, %mul3A_1253 : i32
          %mul3A_1255 = arith.constant 4 : i32
          %mul3A_1256 = arith.muli %mul3A_1254, %mul3A_1255 : i32
          %add3A_1257 = arith.constant 11 : i32
          %add3A_1258 = arith.addi %mul3A_1256, %add3A_1257 : i32
          %dma_wait3A_1259 = arith.constant 11264 : i32
          %dma_wait3A_1260 = tpu.memref_slice %arg9[%dma_wait3A_1259] : memref<16384xf32, #tpu.memory_space<vmem>> -> memref<1024xf32, #tpu.memory_space<vmem>>
          %dma_wait3A_1261 = arith.constant 0 : i32
          %dma_wait3A_1262 = tpu.memref_slice %arg4[%add3A_1258, %add3A_9, %dma_wait3A_1261] : memref<800x128x1024xf32, #tpu.memory_space<hbm>> -> memref<1x1x1024xf32, #tpu.memory_space<hbm>>
          %dma_wait3A_1263 = tpu.memref_squeeze %dma_wait3A_1262 : memref<1x1x1024xf32, #tpu.memory_space<hbm>> -> memref<1024xf32, #tpu.memory_space<hbm>>
          %dma_wait3A_1264 = arith.constant 0 : i32
          %dma_wait3A_1265 = tpu.memref_slice %arg4[%add3A_1258, %add3A_9, %dma_wait3A_1264] : memref<800x128x1024xf32, #tpu.memory_space<hbm>> -> memref<1x1x1024xf32, #tpu.memory_space<hbm>>
          %dma_wait3A_1266 = tpu.memref_squeeze %dma_wait3A_1265 : memref<1x1x1024xf32, #tpu.memory_space<hbm>> -> memref<1024xf32, #tpu.memory_space<hbm>>
          %dma_wait3A_1267 = arith.constant 11264 : i32
          %dma_wait3A_1268 = tpu.memref_slice %arg9[%dma_wait3A_1267] : memref<16384xf32, #tpu.memory_space<vmem>> -> memref<1024xf32, #tpu.memory_space<vmem>>
          tpu.wait_dma2 semaphore(%arg12 : memref<!tpu.dma_semaphore, #tpu.memory_space<semaphore_mem>>) src(%dma_wait3A_1268 : memref<1024xf32, #tpu.memory_space<vmem>>) dst(%dma_wait3A_1266 : memref<1024xf32, #tpu.memory_space<hbm>>)
          %mul3A_1269 = arith.constant 4 : i32
          %mul3A_1270 = arith.muli %sub3A_1076, %mul3A_1269 : i32
          %mul3A_1271 = arith.constant 4 : i32
          %mul3A_1272 = arith.muli %mul3A_1270, %mul3A_1271 : i32
          %add3A_1273 = arith.constant 12 : i32
          %add3A_1274 = arith.addi %mul3A_1272, %add3A_1273 : i32
          %dma_wait3A_1275 = arith.constant 12288 : i32
          %dma_wait3A_1276 = tpu.memref_slice %arg9[%dma_wait3A_1275] : memref<16384xf32, #tpu.memory_space<vmem>> -> memref<1024xf32, #tpu.memory_space<vmem>>
          %dma_wait3A_1277 = arith.constant 0 : i32
          %dma_wait3A_1278 = tpu.memref_slice %arg4[%add3A_1274, %add3A_9, %dma_wait3A_1277] : memref<800x128x1024xf32, #tpu.memory_space<hbm>> -> memref<1x1x1024xf32, #tpu.memory_space<hbm>>
          %dma_wait3A_1279 = tpu.memref_squeeze %dma_wait3A_1278 : memref<1x1x1024xf32, #tpu.memory_space<hbm>> -> memref<1024xf32, #tpu.memory_space<hbm>>
          %dma_wait3A_1280 = arith.constant 0 : i32
          %dma_wait3A_1281 = tpu.memref_slice %arg4[%add3A_1274, %add3A_9, %dma_wait3A_1280] : memref<800x128x1024xf32, #tpu.memory_space<hbm>> -> memref<1x1x1024xf32, #tpu.memory_space<hbm>>
          %dma_wait3A_1282 = tpu.memref_squeeze %dma_wait3A_1281 : memref<1x1x1024xf32, #tpu.memory_space<hbm>> -> memref<1024xf32, #tpu.memory_space<hbm>>
          %dma_wait3A_1283 = arith.constant 12288 : i32
          %dma_wait3A_1284 = tpu.memref_slice %arg9[%dma_wait3A_1283] : memref<16384xf32, #tpu.memory_space<vmem>> -> memref<1024xf32, #tpu.memory_space<vmem>>
          tpu.wait_dma2 semaphore(%arg12 : memref<!tpu.dma_semaphore, #tpu.memory_space<semaphore_mem>>) src(%dma_wait3A_1284 : memref<1024xf32, #tpu.memory_space<vmem>>) dst(%dma_wait3A_1282 : memref<1024xf32, #tpu.memory_space<hbm>>)
          %mul3A_1285 = arith.constant 4 : i32
          %mul3A_1286 = arith.muli %sub3A_1076, %mul3A_1285 : i32
          %mul3A_1287 = arith.constant 4 : i32
          %mul3A_1288 = arith.muli %mul3A_1286, %mul3A_1287 : i32
          %add3A_1289 = arith.constant 13 : i32
          %add3A_1290 = arith.addi %mul3A_1288, %add3A_1289 : i32
          %dma_wait3A_1291 = arith.constant 13312 : i32
          %dma_wait3A_1292 = tpu.memref_slice %arg9[%dma_wait3A_1291] : memref<16384xf32, #tpu.memory_space<vmem>> -> memref<1024xf32, #tpu.memory_space<vmem>>
          %dma_wait3A_1293 = arith.constant 0 : i32
          %dma_wait3A_1294 = tpu.memref_slice %arg4[%add3A_1290, %add3A_9, %dma_wait3A_1293] : memref<800x128x1024xf32, #tpu.memory_space<hbm>> -> memref<1x1x1024xf32, #tpu.memory_space<hbm>>
          %dma_wait3A_1295 = tpu.memref_squeeze %dma_wait3A_1294 : memref<1x1x1024xf32, #tpu.memory_space<hbm>> -> memref<1024xf32, #tpu.memory_space<hbm>>
          %dma_wait3A_1296 = arith.constant 0 : i32
          %dma_wait3A_1297 = tpu.memref_slice %arg4[%add3A_1290, %add3A_9, %dma_wait3A_1296] : memref<800x128x1024xf32, #tpu.memory_space<hbm>> -> memref<1x1x1024xf32, #tpu.memory_space<hbm>>
          %dma_wait3A_1298 = tpu.memref_squeeze %dma_wait3A_1297 : memref<1x1x1024xf32, #tpu.memory_space<hbm>> -> memref<1024xf32, #tpu.memory_space<hbm>>
          %dma_wait3A_1299 = arith.constant 13312 : i32
          %dma_wait3A_1300 = tpu.memref_slice %arg9[%dma_wait3A_1299] : memref<16384xf32, #tpu.memory_space<vmem>> -> memref<1024xf32, #tpu.memory_space<vmem>>
          tpu.wait_dma2 semaphore(%arg12 : memref<!tpu.dma_semaphore, #tpu.memory_space<semaphore_mem>>) src(%dma_wait3A_1300 : memref<1024xf32, #tpu.memory_space<vmem>>) dst(%dma_wait3A_1298 : memref<1024xf32, #tpu.memory_space<hbm>>)
          %mul3A_1301 = arith.constant 4 : i32
          %mul3A_1302 = arith.muli %sub3A_1076, %mul3A_1301 : i32
          %mul3A_1303 = arith.constant 4 : i32
          %mul3A_1304 = arith.muli %mul3A_1302, %mul3A_1303 : i32
          %add3A_1305 = arith.constant 14 : i32
          %add3A_1306 = arith.addi %mul3A_1304, %add3A_1305 : i32
          %dma_wait3A_1307 = arith.constant 14336 : i32
          %dma_wait3A_1308 = tpu.memref_slice %arg9[%dma_wait3A_1307] : memref<16384xf32, #tpu.memory_space<vmem>> -> memref<1024xf32, #tpu.memory_space<vmem>>
          %dma_wait3A_1309 = arith.constant 0 : i32
          %dma_wait3A_1310 = tpu.memref_slice %arg4[%add3A_1306, %add3A_9, %dma_wait3A_1309] : memref<800x128x1024xf32, #tpu.memory_space<hbm>> -> memref<1x1x1024xf32, #tpu.memory_space<hbm>>
          %dma_wait3A_1311 = tpu.memref_squeeze %dma_wait3A_1310 : memref<1x1x1024xf32, #tpu.memory_space<hbm>> -> memref<1024xf32, #tpu.memory_space<hbm>>
          %dma_wait3A_1312 = arith.constant 0 : i32
          %dma_wait3A_1313 = tpu.memref_slice %arg4[%add3A_1306, %add3A_9, %dma_wait3A_1312] : memref<800x128x1024xf32, #tpu.memory_space<hbm>> -> memref<1x1x1024xf32, #tpu.memory_space<hbm>>
          %dma_wait3A_1314 = tpu.memref_squeeze %dma_wait3A_1313 : memref<1x1x1024xf32, #tpu.memory_space<hbm>> -> memref<1024xf32, #tpu.memory_space<hbm>>
          %dma_wait3A_1315 = arith.constant 14336 : i32
          %dma_wait3A_1316 = tpu.memref_slice %arg9[%dma_wait3A_1315] : memref<16384xf32, #tpu.memory_space<vmem>> -> memref<1024xf32, #tpu.memory_space<vmem>>
          tpu.wait_dma2 semaphore(%arg12 : memref<!tpu.dma_semaphore, #tpu.memory_space<semaphore_mem>>) src(%dma_wait3A_1316 : memref<1024xf32, #tpu.memory_space<vmem>>) dst(%dma_wait3A_1314 : memref<1024xf32, #tpu.memory_space<hbm>>)
          %mul3A_1317 = arith.constant 4 : i32
          %mul3A_1318 = arith.muli %sub3A_1076, %mul3A_1317 : i32
          %mul3A_1319 = arith.constant 4 : i32
          %mul3A_1320 = arith.muli %mul3A_1318, %mul3A_1319 : i32
          %add3A_1321 = arith.constant 15 : i32
          %add3A_1322 = arith.addi %mul3A_1320, %add3A_1321 : i32
          %dma_wait3A_1323 = arith.constant 15360 : i32
          %dma_wait3A_1324 = tpu.memref_slice %arg9[%dma_wait3A_1323] : memref<16384xf32, #tpu.memory_space<vmem>> -> memref<1024xf32, #tpu.memory_space<vmem>>
          %dma_wait3A_1325 = arith.constant 0 : i32
          %dma_wait3A_1326 = tpu.memref_slice %arg4[%add3A_1322, %add3A_9, %dma_wait3A_1325] : memref<800x128x1024xf32, #tpu.memory_space<hbm>> -> memref<1x1x1024xf32, #tpu.memory_space<hbm>>
          %dma_wait3A_1327 = tpu.memref_squeeze %dma_wait3A_1326 : memref<1x1x1024xf32, #tpu.memory_space<hbm>> -> memref<1024xf32, #tpu.memory_space<hbm>>
          %dma_wait3A_1328 = arith.constant 0 : i32
          %dma_wait3A_1329 = tpu.memref_slice %arg4[%add3A_1322, %add3A_9, %dma_wait3A_1328] : memref<800x128x1024xf32, #tpu.memory_space<hbm>> -> memref<1x1x1024xf32, #tpu.memory_space<hbm>>
          %dma_wait3A_1330 = tpu.memref_squeeze %dma_wait3A_1329 : memref<1x1x1024xf32, #tpu.memory_space<hbm>> -> memref<1024xf32, #tpu.memory_space<hbm>>
          %dma_wait3A_1331 = arith.constant 15360 : i32
          %dma_wait3A_1332 = tpu.memref_slice %arg9[%dma_wait3A_1331] : memref<16384xf32, #tpu.memory_space<vmem>> -> memref<1024xf32, #tpu.memory_space<vmem>>
          tpu.wait_dma2 semaphore(%arg12 : memref<!tpu.dma_semaphore, #tpu.memory_space<semaphore_mem>>) src(%dma_wait3A_1332 : memref<1024xf32, #tpu.memory_space<vmem>>) dst(%dma_wait3A_1330 : memref<1024xf32, #tpu.memory_space<hbm>>)
        } else {
        }
        %scan3A_501 = arith.constant 0 : i32
        %scan3A_502 = arith.constant 0 : i32
        %scan3A_503 = arith.constant 4 : i32
        %scan3A_504 = arith.addi %scan3A_502, %scan3A_503 : i32
        %scan3A_505 = arith.constant 1 : i32
        scf.for %scan3A_1076 = %scan3A_502 to %scan3A_504 step %scan3A_505  : i32 {
          %mul3A_1077 = arith.constant 128 : i32
          %mul3A_1078 = arith.muli %scan3A_1076, %mul3A_1077 : i32
          %add3A_1079 = vector.broadcast %mul3A_1078 : i32 to vector<16xi32>
          %add3A_1080 = arith.addi %iota3A, %add3A_1079 : vector<16xi32>
          %mul3A_1081 = arith.constant 4 : i32
          %mul3A_1082 = arith.muli %scan3A_1076, %mul3A_1081 : i32
          %shift_right_arithmetic3A = arith.constant 3 : i32
          %shift_right_arithmetic3A_1083 = vector.broadcast %shift_right_arithmetic3A : i32 to vector<16xi32>
          %shift_right_arithmetic3A_1084 = arith.shrsi %iota3A, %shift_right_arithmetic3A_1083 : vector<16xi32>
          %add3A_1085 = vector.broadcast %mul3A_1082 : i32 to vector<16xi32>
          %add3A_1086 = arith.addi %add3A_1085, %shift_right_arithmetic3A_1084 : vector<16xi32>
          %shift_left3A = arith.constant 10 : i32
          %shift_left3A_1087 = vector.broadcast %shift_left3A : i32 to vector<16xi32>
          %shift_left3A_1088 = arith.shli %add3A_1086, %shift_left3A_1087 : vector<16xi32>
          %and3A = arith.constant 7 : i32
          %and3A_1089 = vector.broadcast %and3A : i32 to vector<16xi32>
          %and3A_1090 = arith.andi %iota3A, %and3A_1089 : vector<16xi32>
          %shift_left3A_1091 = arith.constant 7 : i32
          %shift_left3A_1092 = vector.broadcast %shift_left3A_1091 : i32 to vector<16xi32>
          %shift_left3A_1093 = arith.shli %and3A_1090, %shift_left3A_1092 : vector<16xi32>
          %add3A_1094 = arith.addi %shift_left3A_1088, %shift_left3A_1093 : vector<16xi32>
          %add3A_1095 = arith.addi %add3A_1094, %iota3A : vector<16xi32>
          %and3A_1096 = arith.constant 31 : i32
          %and3A_1097 = vector.broadcast %and3A_1096 : i32 to vector<16xi32>
          %and3A_1098 = arith.andi %iota3A, %and3A_1097 : vector<16xi32>
          %scan3A_1099 = arith.constant 0 : i32
          %scan3A_1100 = arith.constant 16 : i32
          %scan3A_1101 = arith.addi %scan3A_1099, %scan3A_1100 : i32
          %scan3A_1102 = arith.constant 1 : i32
          %scan3A_1103:2 = scf.for %scan3A_1105 = %scan3A_1099 to %scan3A_1101 step %scan3A_1102 iter_args(%scan3A_1106 = %and3A_1098, %scan3A_1107 = %add3A_1095) -> (vector<16xi32>, vector<16xi32>)  : i32 {
            %add3A_1108 = arith.constant 0 : i32
            %add3A_1109 = vector.broadcast %add3A_1108 : i32 to vector<16xi32>
            %add3A_1110 = arith.addi %add3A_1080, %add3A_1109 : vector<16xi32>
            %gather3A = tpu.vector_load_idx %arg7[%add3A_1110, %scan3A_1106] : memref<512x32xf32, #tpu.memory_space<vmem>>[vector<16xi32>, vector<16xi32>], vector<16xf32>,
            %add3A_1111 = arith.constant 0 : i32
            %add3A_1112 = vector.broadcast %add3A_1111 : i32 to vector<16xi32>
            %add3A_1113 = arith.addi %scan3A_1107, %add3A_1112 : vector<16xi32>
            tpu.vector_store_idx %arg9[%add3A_1113], %gather3A : memref<16384xf32, #tpu.memory_space<vmem>>[vector<16xi32>], vector<16xf32>,
            %add3A_1114 = arith.constant 16 : i32
            %add3A_1115 = vector.broadcast %add3A_1114 : i32 to vector<16xi32>
            %add3A_1116 = arith.addi %add3A_1080, %add3A_1115 : vector<16xi32>
            %gather3A_1117 = tpu.vector_load_idx %arg7[%add3A_1116, %scan3A_1106] : memref<512x32xf32, #tpu.memory_space<vmem>>[vector<16xi32>, vector<16xi32>], vector<16xf32>,
            %add3A_1118 = arith.constant 16 : i32
            %add3A_1119 = vector.broadcast %add3A_1118 : i32 to vector<16xi32>
            %add3A_1120 = arith.addi %scan3A_1107, %add3A_1119 : vector<16xi32>
            tpu.vector_store_idx %arg9[%add3A_1120], %gather3A_1117 : memref<16384xf32, #tpu.memory_space<vmem>>[vector<16xi32>], vector<16xf32>,
            %add3A_1121 = arith.constant 32 : i32
            %add3A_1122 = vector.broadcast %add3A_1121 : i32 to vector<16xi32>
            %add3A_1123 = arith.addi %add3A_1080, %add3A_1122 : vector<16xi32>
            %gather3A_1124 = tpu.vector_load_idx %arg7[%add3A_1123, %scan3A_1106] : memref<512x32xf32, #tpu.memory_space<vmem>>[vector<16xi32>, vector<16xi32>], vector<16xf32>,
            %add3A_1125 = arith.constant 32 : i32
            %add3A_1126 = vector.broadcast %add3A_1125 : i32 to vector<16xi32>
            %add3A_1127 = arith.addi %scan3A_1107, %add3A_1126 : vector<16xi32>
            tpu.vector_store_idx %arg9[%add3A_1127], %gather3A_1124 : memref<16384xf32, #tpu.memory_space<vmem>>[vector<16xi32>], vector<16xf32>,
            %add3A_1128 = arith.constant 48 : i32
            %add3A_1129 = vector.broadcast %add3A_1128 : i32 to vector<16xi32>
            %add3A_1130 = arith.addi %add3A_1080, %add3A_1129 : vector<16xi32>
            %gather3A_1131 = tpu.vector_load_idx %arg7[%add3A_1130, %scan3A_1106] : memref<512x32xf32, #tpu.memory_space<vmem>>[vector<16xi32>, vector<16xi32>], vector<16xf32>,
            %add3A_1132 = arith.constant 48 : i32
            %add3A_1133 = vector.broadcast %add3A_1132 : i32 to vector<16xi32>
            %add3A_1134 = arith.addi %scan3A_1107, %add3A_1133 : vector<16xi32>
            tpu.vector_store_idx %arg9[%add3A_1134], %gather3A_1131 : memref<16384xf32, #tpu.memory_space<vmem>>[vector<16xi32>], vector<16xf32>,
            %add3A_1135 = arith.constant 64 : i32
            %add3A_1136 = vector.broadcast %add3A_1135 : i32 to vector<16xi32>
            %add3A_1137 = arith.addi %add3A_1080, %add3A_1136 : vector<16xi32>
            %gather3A_1138 = tpu.vector_load_idx %arg7[%add3A_1137, %scan3A_1106] : memref<512x32xf32, #tpu.memory_space<vmem>>[vector<16xi32>, vector<16xi32>], vector<16xf32>,
            %add3A_1139 = arith.constant 64 : i32
            %add3A_1140 = vector.broadcast %add3A_1139 : i32 to vector<16xi32>
            %add3A_1141 = arith.addi %scan3A_1107, %add3A_1140 : vector<16xi32>
            tpu.vector_store_idx %arg9[%add3A_1141], %gather3A_1138 : memref<16384xf32, #tpu.memory_space<vmem>>[vector<16xi32>], vector<16xf32>,
            %add3A_1142 = arith.constant 80 : i32
            %add3A_1143 = vector.broadcast %add3A_1142 : i32 to vector<16xi32>
            %add3A_1144 = arith.addi %add3A_1080, %add3A_1143 : vector<16xi32>
            %gather3A_1145 = tpu.vector_load_idx %arg7[%add3A_1144, %scan3A_1106] : memref<512x32xf32, #tpu.memory_space<vmem>>[vector<16xi32>, vector<16xi32>], vector<16xf32>,
            %add3A_1146 = arith.constant 80 : i32
            %add3A_1147 = vector.broadcast %add3A_1146 : i32 to vector<16xi32>
            %add3A_1148 = arith.addi %scan3A_1107, %add3A_1147 : vector<16xi32>
            tpu.vector_store_idx %arg9[%add3A_1148], %gather3A_1145 : memref<16384xf32, #tpu.memory_space<vmem>>[vector<16xi32>], vector<16xf32>,
            %add3A_1149 = arith.constant 96 : i32
            %add3A_1150 = vector.broadcast %add3A_1149 : i32 to vector<16xi32>
            %add3A_1151 = arith.addi %add3A_1080, %add3A_1150 : vector<16xi32>
            %gather3A_1152 = tpu.vector_load_idx %arg7[%add3A_1151, %scan3A_1106] : memref<512x32xf32, #tpu.memory_space<vmem>>[vector<16xi32>, vector<16xi32>], vector<16xf32>,
            %add3A_1153 = arith.constant 96 : i32
            %add3A_1154 = vector.broadcast %add3A_1153 : i32 to vector<16xi32>
            %add3A_1155 = arith.addi %scan3A_1107, %add3A_1154 : vector<16xi32>
            tpu.vector_store_idx %arg9[%add3A_1155], %gather3A_1152 : memref<16384xf32, #tpu.memory_space<vmem>>[vector<16xi32>], vector<16xf32>,
            %add3A_1156 = arith.constant 112 : i32
            %add3A_1157 = vector.broadcast %add3A_1156 : i32 to vector<16xi32>
            %add3A_1158 = arith.addi %add3A_1080, %add3A_1157 : vector<16xi32>
            %gather3A_1159 = tpu.vector_load_idx %arg7[%add3A_1158, %scan3A_1106] : memref<512x32xf32, #tpu.memory_space<vmem>>[vector<16xi32>, vector<16xi32>], vector<16xf32>,
            %add3A_1160 = arith.constant 112 : i32
            %add3A_1161 = vector.broadcast %add3A_1160 : i32 to vector<16xi32>
            %add3A_1162 = arith.addi %scan3A_1107, %add3A_1161 : vector<16xi32>
            tpu.vector_store_idx %arg9[%add3A_1162], %gather3A_1159 : memref<16384xf32, #tpu.memory_space<vmem>>[vector<16xi32>], vector<16xf32>,
            %eq3A = arith.constant 31 : i32
            %eq3A_1163 = vector.broadcast %eq3A : i32 to vector<16xi32>
            %eq3A_1164 = arith.cmpi eq, %scan3A_1106, %eq3A_1163 : vector<16xi32>
            %jit3A = arith.constant -3968 : i32
            %jit3A_1165 = arith.constant 128 : i32
            %broadcast_in_dim3A = vector.broadcast %jit3A : i32 to vector<16xi32>
            %broadcast_in_dim3A_1166 = vector.broadcast %jit3A_1165 : i32 to vector<16xi32>
            %select_n3A = arith.select %eq3A_1164, %broadcast_in_dim3A, %broadcast_in_dim3A_1166 : vector<16xi1>, vector<16xi32>
            %add3A_1167 = arith.addi %scan3A_1107, %select_n3A : vector<16xi32>
            %add3A_1168 = arith.constant 1 : i32
            %add3A_1169 = vector.broadcast %add3A_1168 : i32 to vector<16xi32>
            %add3A_1170 = arith.addi %scan3A_1106, %add3A_1169 : vector<16xi32>
            %and3A_1171 = arith.constant 31 : i32
            %and3A_1172 = vector.broadcast %and3A_1171 : i32 to vector<16xi32>
            %and3A_1173 = arith.andi %add3A_1170, %and3A_1172 : vector<16xi32>
            %add3A_1174 = arith.constant 0 : i32
            %add3A_1175 = vector.broadcast %add3A_1174 : i32 to vector<16xi32>
            %add3A_1176 = arith.addi %add3A_1080, %add3A_1175 : vector<16xi32>
            %gather3A_1177 = tpu.vector_load_idx %arg7[%add3A_1176, %and3A_1173] : memref<512x32xf32, #tpu.memory_space<vmem>>[vector<16xi32>, vector<16xi32>], vector<16xf32>,
            %add3A_1178 = arith.constant 0 : i32
            %add3A_1179 = vector.broadcast %add3A_1178 : i32 to vector<16xi32>
            %add3A_1180 = arith.addi %add3A_1167, %add3A_1179 : vector<16xi32>
            tpu.vector_store_idx %arg9[%add3A_1180], %gather3A_1177 : memref<16384xf32, #tpu.memory_space<vmem>>[vector<16xi32>], vector<16xf32>,
            %add3A_1181 = arith.constant 16 : i32
            %add3A_1182 = vector.broadcast %add3A_1181 : i32 to vector<16xi32>
            %add3A_1183 = arith.addi %add3A_1080, %add3A_1182 : vector<16xi32>
            %gather3A_1184 = tpu.vector_load_idx %arg7[%add3A_1183, %and3A_1173] : memref<512x32xf32, #tpu.memory_space<vmem>>[vector<16xi32>, vector<16xi32>], vector<16xf32>,
            %add3A_1185 = arith.constant 16 : i32
            %add3A_1186 = vector.broadcast %add3A_1185 : i32 to vector<16xi32>
            %add3A_1187 = arith.addi %add3A_1167, %add3A_1186 : vector<16xi32>
            tpu.vector_store_idx %arg9[%add3A_1187], %gather3A_1184 : memref<16384xf32, #tpu.memory_space<vmem>>[vector<16xi32>], vector<16xf32>,
            %add3A_1188 = arith.constant 32 : i32
            %add3A_1189 = vector.broadcast %add3A_1188 : i32 to vector<16xi32>
            %add3A_1190 = arith.addi %add3A_1080, %add3A_1189 : vector<16xi32>
            %gather3A_1191 = tpu.vector_load_idx %arg7[%add3A_1190, %and3A_1173] : memref<512x32xf32, #tpu.memory_space<vmem>>[vector<16xi32>, vector<16xi32>], vector<16xf32>,
            %add3A_1192 = arith.constant 32 : i32
            %add3A_1193 = vector.broadcast %add3A_1192 : i32 to vector<16xi32>
            %add3A_1194 = arith.addi %add3A_1167, %add3A_1193 : vector<16xi32>
            tpu.vector_store_idx %arg9[%add3A_1194], %gather3A_1191 : memref<16384xf32, #tpu.memory_space<vmem>>[vector<16xi32>], vector<16xf32>,
            %add3A_1195 = arith.constant 48 : i32
            %add3A_1196 = vector.broadcast %add3A_1195 : i32 to vector<16xi32>
            %add3A_1197 = arith.addi %add3A_1080, %add3A_1196 : vector<16xi32>
            %gather3A_1198 = tpu.vector_load_idx %arg7[%add3A_1197, %and3A_1173] : memref<512x32xf32, #tpu.memory_space<vmem>>[vector<16xi32>, vector<16xi32>], vector<16xf32>,
            %add3A_1199 = arith.constant 48 : i32
            %add3A_1200 = vector.broadcast %add3A_1199 : i32 to vector<16xi32>
            %add3A_1201 = arith.addi %add3A_1167, %add3A_1200 : vector<16xi32>
            tpu.vector_store_idx %arg9[%add3A_1201], %gather3A_1198 : memref<16384xf32, #tpu.memory_space<vmem>>[vector<16xi32>], vector<16xf32>,
            %add3A_1202 = arith.constant 64 : i32
            %add3A_1203 = vector.broadcast %add3A_1202 : i32 to vector<16xi32>
            %add3A_1204 = arith.addi %add3A_1080, %add3A_1203 : vector<16xi32>
            %gather3A_1205 = tpu.vector_load_idx %arg7[%add3A_1204, %and3A_1173] : memref<512x32xf32, #tpu.memory_space<vmem>>[vector<16xi32>, vector<16xi32>], vector<16xf32>,
            %add3A_1206 = arith.constant 64 : i32
            %add3A_1207 = vector.broadcast %add3A_1206 : i32 to vector<16xi32>
            %add3A_1208 = arith.addi %add3A_1167, %add3A_1207 : vector<16xi32>
            tpu.vector_store_idx %arg9[%add3A_1208], %gather3A_1205 : memref<16384xf32, #tpu.memory_space<vmem>>[vector<16xi32>], vector<16xf32>,
            %add3A_1209 = arith.constant 80 : i32
            %add3A_1210 = vector.broadcast %add3A_1209 : i32 to vector<16xi32>
            %add3A_1211 = arith.addi %add3A_1080, %add3A_1210 : vector<16xi32>
            %gather3A_1212 = tpu.vector_load_idx %arg7[%add3A_1211, %and3A_1173] : memref<512x32xf32, #tpu.memory_space<vmem>>[vector<16xi32>, vector<16xi32>], vector<16xf32>,
            %add3A_1213 = arith.constant 80 : i32
            %add3A_1214 = vector.broadcast %add3A_1213 : i32 to vector<16xi32>
            %add3A_1215 = arith.addi %add3A_1167, %add3A_1214 : vector<16xi32>
            tpu.vector_store_idx %arg9[%add3A_1215], %gather3A_1212 : memref<16384xf32, #tpu.memory_space<vmem>>[vector<16xi32>], vector<16xf32>,
            %add3A_1216 = arith.constant 96 : i32
            %add3A_1217 = vector.broadcast %add3A_1216 : i32 to vector<16xi32>
            %add3A_1218 = arith.addi %add3A_1080, %add3A_1217 : vector<16xi32>
            %gather3A_1219 = tpu.vector_load_idx %arg7[%add3A_1218, %and3A_1173] : memref<512x32xf32, #tpu.memory_space<vmem>>[vector<16xi32>, vector<16xi32>], vector<16xf32>,
            %add3A_1220 = arith.constant 96 : i32
            %add3A_1221 = vector.broadcast %add3A_1220 : i32 to vector<16xi32>
            %add3A_1222 = arith.addi %add3A_1167, %add3A_1221 : vector<16xi32>
            tpu.vector_store_idx %arg9[%add3A_1222], %gather3A_1219 : memref<16384xf32, #tpu.memory_space<vmem>>[vector<16xi32>], vector<16xf32>,
            %add3A_1223 = arith.constant 112 : i32
            %add3A_1224 = vector.broadcast %add3A_1223 : i32 to vector<16xi32>
            %add3A_1225 = arith.addi %add3A_1080, %add3A_1224 : vector<16xi32>
            %gather3A_1226 = tpu.vector_load_idx %arg7[%add3A_1225, %and3A_1173] : memref<512x32xf32, #tpu.memory_space<vmem>>[vector<16xi32>, vector<16xi32>], vector<16xf32>,
            %add3A_1227 = arith.constant 112 : i32
            %add3A_1228 = vector.broadcast %add3A_1227 : i32 to vector<16xi32>
            %add3A_1229 = arith.addi %add3A_1167, %add3A_1228 : vector<16xi32>
            tpu.vector_store_idx %arg9[%add3A_1229], %gather3A_1226 : memref<16384xf32, #tpu.memory_space<vmem>>[vector<16xi32>], vector<16xf32>,
            %eq3A_1230 = arith.constant 31 : i32
            %eq3A_1231 = vector.broadcast %eq3A_1230 : i32 to vector<16xi32>
            %eq3A_1232 = arith.cmpi eq, %and3A_1173, %eq3A_1231 : vector<16xi32>
            %jit3A_1233 = arith.constant -3968 : i32
            %jit3A_1234 = arith.constant 128 : i32
            %broadcast_in_dim3A_1235 = vector.broadcast %jit3A_1233 : i32 to vector<16xi32>
            %broadcast_in_dim3A_1236 = vector.broadcast %jit3A_1234 : i32 to vector<16xi32>
            %select_n3A_1237 = arith.select %eq3A_1232, %broadcast_in_dim3A_1235, %broadcast_in_dim3A_1236 : vector<16xi1>, vector<16xi32>
            %add3A_1238 = arith.addi %add3A_1167, %select_n3A_1237 : vector<16xi32>
            %add3A_1239 = arith.constant 1 : i32
            %add3A_1240 = vector.broadcast %add3A_1239 : i32 to vector<16xi32>
            %add3A_1241 = arith.addi %and3A_1173, %add3A_1240 : vector<16xi32>
            %and3A_1242 = arith.constant 31 : i32
            %and3A_1243 = vector.broadcast %and3A_1242 : i32 to vector<16xi32>
            %and3A_1244 = arith.andi %add3A_1241, %and3A_1243 : vector<16xi32>
            scf.yield %and3A_1244, %add3A_1238 : vector<16xi32>, vector<16xi32>
          }
          %scan3A_1104 = arith.constant 16 : i32
        }
        %scan3A_506 = arith.constant 4 : i32
        %mul3A_507 = arith.constant 4 : i32
        %mul3A_508 = arith.muli %mul3A_410, %mul3A_507 : i32
        %mul3A_509 = arith.constant 4 : i32
        %mul3A_510 = arith.muli %mul3A_508, %mul3A_509 : i32
        %add3A_511 = arith.constant 0 : i32
        %add3A_512 = arith.addi %mul3A_510, %add3A_511 : i32
        %dma_start3A_513 = arith.constant 0 : i32
        %dma_start3A_514 = tpu.memref_slice %arg9[%dma_start3A_513] : memref<16384xf32, #tpu.memory_space<vmem>> -> memref<1024xf32, #tpu.memory_space<vmem>>
        %dma_start3A_515 = arith.constant 0 : i32
        %dma_start3A_516 = tpu.memref_slice %arg4[%add3A_512, %add3A_9, %dma_start3A_515] : memref<800x128x1024xf32, #tpu.memory_space<hbm>> -> memref<1x1x1024xf32, #tpu.memory_space<hbm>>
        %dma_start3A_517 = tpu.memref_squeeze %dma_start3A_516 : memref<1x1x1024xf32, #tpu.memory_space<hbm>> -> memref<1024xf32, #tpu.memory_space<hbm>>
        %dma_start3A_518 = arith.constant 0 : i32
        %dma_start3A_519 = tpu.memref_slice %arg4[%add3A_512, %add3A_9, %dma_start3A_518] : memref<800x128x1024xf32, #tpu.memory_space<hbm>> -> memref<1x1x1024xf32, #tpu.memory_space<hbm>>
        %dma_start3A_520 = tpu.memref_squeeze %dma_start3A_519 : memref<1x1x1024xf32, #tpu.memory_space<hbm>> -> memref<1024xf32, #tpu.memory_space<hbm>>
        %dma_start3A_521 = arith.constant 0 : i32
        %dma_start3A_522 = tpu.memref_slice %arg9[%dma_start3A_521] : memref<16384xf32, #tpu.memory_space<vmem>> -> memref<1024xf32, #tpu.memory_space<vmem>>
        tpu.enqueue_dma source(%dma_start3A_522 : memref<1024xf32, #tpu.memory_space<vmem>>) target(%dma_start3A_520 : memref<1024xf32, #tpu.memory_space<hbm>>) target_semaphore(%arg12 : memref<!tpu.dma_semaphore, #tpu.memory_space<semaphore_mem>>)
        %mul3A_523 = arith.constant 4 : i32
        %mul3A_524 = arith.muli %mul3A_410, %mul3A_523 : i32
        %mul3A_525 = arith.constant 4 : i32
        %mul3A_526 = arith.muli %mul3A_524, %mul3A_525 : i32
        %add3A_527 = arith.constant 1 : i32
        %add3A_528 = arith.addi %mul3A_526, %add3A_527 : i32
        %dma_start3A_529 = arith.constant 1024 : i32
        %dma_start3A_530 = tpu.memref_slice %arg9[%dma_start3A_529] : memref<16384xf32, #tpu.memory_space<vmem>> -> memref<1024xf32, #tpu.memory_space<vmem>>
        %dma_start3A_531 = arith.constant 0 : i32
        %dma_start3A_532 = tpu.memref_slice %arg4[%add3A_528, %add3A_9, %dma_start3A_531] : memref<800x128x1024xf32, #tpu.memory_space<hbm>> -> memref<1x1x1024xf32, #tpu.memory_space<hbm>>
        %dma_start3A_533 = tpu.memref_squeeze %dma_start3A_532 : memref<1x1x1024xf32, #tpu.memory_space<hbm>> -> memref<1024xf32, #tpu.memory_space<hbm>>
        %dma_start3A_534 = arith.constant 0 : i32
        %dma_start3A_535 = tpu.memref_slice %arg4[%add3A_528, %add3A_9, %dma_start3A_534] : memref<800x128x1024xf32, #tpu.memory_space<hbm>> -> memref<1x1x1024xf32, #tpu.memory_space<hbm>>
        %dma_start3A_536 = tpu.memref_squeeze %dma_start3A_535 : memref<1x1x1024xf32, #tpu.memory_space<hbm>> -> memref<1024xf32, #tpu.memory_space<hbm>>
        %dma_start3A_537 = arith.constant 1024 : i32
        %dma_start3A_538 = tpu.memref_slice %arg9[%dma_start3A_537] : memref<16384xf32, #tpu.memory_space<vmem>> -> memref<1024xf32, #tpu.memory_space<vmem>>
        tpu.enqueue_dma source(%dma_start3A_538 : memref<1024xf32, #tpu.memory_space<vmem>>) target(%dma_start3A_536 : memref<1024xf32, #tpu.memory_space<hbm>>) target_semaphore(%arg12 : memref<!tpu.dma_semaphore, #tpu.memory_space<semaphore_mem>>)
        %mul3A_539 = arith.constant 4 : i32
        %mul3A_540 = arith.muli %mul3A_410, %mul3A_539 : i32
        %mul3A_541 = arith.constant 4 : i32
        %mul3A_542 = arith.muli %mul3A_540, %mul3A_541 : i32
        %add3A_543 = arith.constant 2 : i32
        %add3A_544 = arith.addi %mul3A_542, %add3A_543 : i32
        %dma_start3A_545 = arith.constant 2048 : i32
        %dma_start3A_546 = tpu.memref_slice %arg9[%dma_start3A_545] : memref<16384xf32, #tpu.memory_space<vmem>> -> memref<1024xf32, #tpu.memory_space<vmem>>
        %dma_start3A_547 = arith.constant 0 : i32
        %dma_start3A_548 = tpu.memref_slice %arg4[%add3A_544, %add3A_9, %dma_start3A_547] : memref<800x128x1024xf32, #tpu.memory_space<hbm>> -> memref<1x1x1024xf32, #tpu.memory_space<hbm>>
        %dma_start3A_549 = tpu.memref_squeeze %dma_start3A_548 : memref<1x1x1024xf32, #tpu.memory_space<hbm>> -> memref<1024xf32, #tpu.memory_space<hbm>>
        %dma_start3A_550 = arith.constant 0 : i32
        %dma_start3A_551 = tpu.memref_slice %arg4[%add3A_544, %add3A_9, %dma_start3A_550] : memref<800x128x1024xf32, #tpu.memory_space<hbm>> -> memref<1x1x1024xf32, #tpu.memory_space<hbm>>
        %dma_start3A_552 = tpu.memref_squeeze %dma_start3A_551 : memref<1x1x1024xf32, #tpu.memory_space<hbm>> -> memref<1024xf32, #tpu.memory_space<hbm>>
        %dma_start3A_553 = arith.constant 2048 : i32
        %dma_start3A_554 = tpu.memref_slice %arg9[%dma_start3A_553] : memref<16384xf32, #tpu.memory_space<vmem>> -> memref<1024xf32, #tpu.memory_space<vmem>>
        tpu.enqueue_dma source(%dma_start3A_554 : memref<1024xf32, #tpu.memory_space<vmem>>) target(%dma_start3A_552 : memref<1024xf32, #tpu.memory_space<hbm>>) target_semaphore(%arg12 : memref<!tpu.dma_semaphore, #tpu.memory_space<semaphore_mem>>)
        %mul3A_555 = arith.constant 4 : i32
        %mul3A_556 = arith.muli %mul3A_410, %mul3A_555 : i32
        %mul3A_557 = arith.constant 4 : i32
        %mul3A_558 = arith.muli %mul3A_556, %mul3A_557 : i32
        %add3A_559 = arith.constant 3 : i32
        %add3A_560 = arith.addi %mul3A_558, %add3A_559 : i32
        %dma_start3A_561 = arith.constant 3072 : i32
        %dma_start3A_562 = tpu.memref_slice %arg9[%dma_start3A_561] : memref<16384xf32, #tpu.memory_space<vmem>> -> memref<1024xf32, #tpu.memory_space<vmem>>
        %dma_start3A_563 = arith.constant 0 : i32
        %dma_start3A_564 = tpu.memref_slice %arg4[%add3A_560, %add3A_9, %dma_start3A_563] : memref<800x128x1024xf32, #tpu.memory_space<hbm>> -> memref<1x1x1024xf32, #tpu.memory_space<hbm>>
        %dma_start3A_565 = tpu.memref_squeeze %dma_start3A_564 : memref<1x1x1024xf32, #tpu.memory_space<hbm>> -> memref<1024xf32, #tpu.memory_space<hbm>>
        %dma_start3A_566 = arith.constant 0 : i32
        %dma_start3A_567 = tpu.memref_slice %arg4[%add3A_560, %add3A_9, %dma_start3A_566] : memref<800x128x1024xf32, #tpu.memory_space<hbm>> -> memref<1x1x1024xf32, #tpu.memory_space<hbm>>
        %dma_start3A_568 = tpu.memref_squeeze %dma_start3A_567 : memref<1x1x1024xf32, #tpu.memory_space<hbm>> -> memref<1024xf32, #tpu.memory_space<hbm>>
        %dma_start3A_569 = arith.constant 3072 : i32
        %dma_start3A_570 = tpu.memref_slice %arg9[%dma_start3A_569] : memref<16384xf32, #tpu.memory_space<vmem>> -> memref<1024xf32, #tpu.memory_space<vmem>>
        tpu.enqueue_dma source(%dma_start3A_570 : memref<1024xf32, #tpu.memory_space<vmem>>) target(%dma_start3A_568 : memref<1024xf32, #tpu.memory_space<hbm>>) target_semaphore(%arg12 : memref<!tpu.dma_semaphore, #tpu.memory_space<semaphore_mem>>)
        %mul3A_571 = arith.constant 4 : i32
        %mul3A_572 = arith.muli %mul3A_410, %mul3A_571 : i32
        %mul3A_573 = arith.constant 4 : i32
        %mul3A_574 = arith.muli %mul3A_572, %mul3A_573 : i32
        %add3A_575 = arith.constant 4 : i32
        %add3A_576 = arith.addi %mul3A_574, %add3A_575 : i32
        %dma_start3A_577 = arith.constant 4096 : i32
        %dma_start3A_578 = tpu.memref_slice %arg9[%dma_start3A_577] : memref<16384xf32, #tpu.memory_space<vmem>> -> memref<1024xf32, #tpu.memory_space<vmem>>
        %dma_start3A_579 = arith.constant 0 : i32
        %dma_start3A_580 = tpu.memref_slice %arg4[%add3A_576, %add3A_9, %dma_start3A_579] : memref<800x128x1024xf32, #tpu.memory_space<hbm>> -> memref<1x1x1024xf32, #tpu.memory_space<hbm>>
        %dma_start3A_581 = tpu.memref_squeeze %dma_start3A_580 : memref<1x1x1024xf32, #tpu.memory_space<hbm>> -> memref<1024xf32, #tpu.memory_space<hbm>>
        %dma_start3A_582 = arith.constant 0 : i32
        %dma_start3A_583 = tpu.memref_slice %arg4[%add3A_576, %add3A_9, %dma_start3A_582] : memref<800x128x1024xf32, #tpu.memory_space<hbm>> -> memref<1x1x1024xf32, #tpu.memory_space<hbm>>
        %dma_start3A_584 = tpu.memref_squeeze %dma_start3A_583 : memref<1x1x1024xf32, #tpu.memory_space<hbm>> -> memref<1024xf32, #tpu.memory_space<hbm>>
        %dma_start3A_585 = arith.constant 4096 : i32
        %dma_start3A_586 = tpu.memref_slice %arg9[%dma_start3A_585] : memref<16384xf32, #tpu.memory_space<vmem>> -> memref<1024xf32, #tpu.memory_space<vmem>>
        tpu.enqueue_dma source(%dma_start3A_586 : memref<1024xf32, #tpu.memory_space<vmem>>) target(%dma_start3A_584 : memref<1024xf32, #tpu.memory_space<hbm>>) target_semaphore(%arg12 : memref<!tpu.dma_semaphore, #tpu.memory_space<semaphore_mem>>)
        %mul3A_587 = arith.constant 4 : i32
        %mul3A_588 = arith.muli %mul3A_410, %mul3A_587 : i32
        %mul3A_589 = arith.constant 4 : i32
        %mul3A_590 = arith.muli %mul3A_588, %mul3A_589 : i32
        %add3A_591 = arith.constant 5 : i32
        %add3A_592 = arith.addi %mul3A_590, %add3A_591 : i32
        %dma_start3A_593 = arith.constant 5120 : i32
        %dma_start3A_594 = tpu.memref_slice %arg9[%dma_start3A_593] : memref<16384xf32, #tpu.memory_space<vmem>> -> memref<1024xf32, #tpu.memory_space<vmem>>
        %dma_start3A_595 = arith.constant 0 : i32
        %dma_start3A_596 = tpu.memref_slice %arg4[%add3A_592, %add3A_9, %dma_start3A_595] : memref<800x128x1024xf32, #tpu.memory_space<hbm>> -> memref<1x1x1024xf32, #tpu.memory_space<hbm>>
        %dma_start3A_597 = tpu.memref_squeeze %dma_start3A_596 : memref<1x1x1024xf32, #tpu.memory_space<hbm>> -> memref<1024xf32, #tpu.memory_space<hbm>>
        %dma_start3A_598 = arith.constant 0 : i32
        %dma_start3A_599 = tpu.memref_slice %arg4[%add3A_592, %add3A_9, %dma_start3A_598] : memref<800x128x1024xf32, #tpu.memory_space<hbm>> -> memref<1x1x1024xf32, #tpu.memory_space<hbm>>
        %dma_start3A_600 = tpu.memref_squeeze %dma_start3A_599 : memref<1x1x1024xf32, #tpu.memory_space<hbm>> -> memref<1024xf32, #tpu.memory_space<hbm>>
        %dma_start3A_601 = arith.constant 5120 : i32
        %dma_start3A_602 = tpu.memref_slice %arg9[%dma_start3A_601] : memref<16384xf32, #tpu.memory_space<vmem>> -> memref<1024xf32, #tpu.memory_space<vmem>>
        tpu.enqueue_dma source(%dma_start3A_602 : memref<1024xf32, #tpu.memory_space<vmem>>) target(%dma_start3A_600 : memref<1024xf32, #tpu.memory_space<hbm>>) target_semaphore(%arg12 : memref<!tpu.dma_semaphore, #tpu.memory_space<semaphore_mem>>)
        %mul3A_603 = arith.constant 4 : i32
        %mul3A_604 = arith.muli %mul3A_410, %mul3A_603 : i32
        %mul3A_605 = arith.constant 4 : i32
        %mul3A_606 = arith.muli %mul3A_604, %mul3A_605 : i32
        %add3A_607 = arith.constant 6 : i32
        %add3A_608 = arith.addi %mul3A_606, %add3A_607 : i32
        %dma_start3A_609 = arith.constant 6144 : i32
        %dma_start3A_610 = tpu.memref_slice %arg9[%dma_start3A_609] : memref<16384xf32, #tpu.memory_space<vmem>> -> memref<1024xf32, #tpu.memory_space<vmem>>
        %dma_start3A_611 = arith.constant 0 : i32
        %dma_start3A_612 = tpu.memref_slice %arg4[%add3A_608, %add3A_9, %dma_start3A_611] : memref<800x128x1024xf32, #tpu.memory_space<hbm>> -> memref<1x1x1024xf32, #tpu.memory_space<hbm>>
        %dma_start3A_613 = tpu.memref_squeeze %dma_start3A_612 : memref<1x1x1024xf32, #tpu.memory_space<hbm>> -> memref<1024xf32, #tpu.memory_space<hbm>>
        %dma_start3A_614 = arith.constant 0 : i32
        %dma_start3A_615 = tpu.memref_slice %arg4[%add3A_608, %add3A_9, %dma_start3A_614] : memref<800x128x1024xf32, #tpu.memory_space<hbm>> -> memref<1x1x1024xf32, #tpu.memory_space<hbm>>
        %dma_start3A_616 = tpu.memref_squeeze %dma_start3A_615 : memref<1x1x1024xf32, #tpu.memory_space<hbm>> -> memref<1024xf32, #tpu.memory_space<hbm>>
        %dma_start3A_617 = arith.constant 6144 : i32
        %dma_start3A_618 = tpu.memref_slice %arg9[%dma_start3A_617] : memref<16384xf32, #tpu.memory_space<vmem>> -> memref<1024xf32, #tpu.memory_space<vmem>>
        tpu.enqueue_dma source(%dma_start3A_618 : memref<1024xf32, #tpu.memory_space<vmem>>) target(%dma_start3A_616 : memref<1024xf32, #tpu.memory_space<hbm>>) target_semaphore(%arg12 : memref<!tpu.dma_semaphore, #tpu.memory_space<semaphore_mem>>)
        %mul3A_619 = arith.constant 4 : i32
        %mul3A_620 = arith.muli %mul3A_410, %mul3A_619 : i32
        %mul3A_621 = arith.constant 4 : i32
        %mul3A_622 = arith.muli %mul3A_620, %mul3A_621 : i32
        %add3A_623 = arith.constant 7 : i32
        %add3A_624 = arith.addi %mul3A_622, %add3A_623 : i32
        %dma_start3A_625 = arith.constant 7168 : i32
        %dma_start3A_626 = tpu.memref_slice %arg9[%dma_start3A_625] : memref<16384xf32, #tpu.memory_space<vmem>> -> memref<1024xf32, #tpu.memory_space<vmem>>
        %dma_start3A_627 = arith.constant 0 : i32
        %dma_start3A_628 = tpu.memref_slice %arg4[%add3A_624, %add3A_9, %dma_start3A_627] : memref<800x128x1024xf32, #tpu.memory_space<hbm>> -> memref<1x1x1024xf32, #tpu.memory_space<hbm>>
        %dma_start3A_629 = tpu.memref_squeeze %dma_start3A_628 : memref<1x1x1024xf32, #tpu.memory_space<hbm>> -> memref<1024xf32, #tpu.memory_space<hbm>>
        %dma_start3A_630 = arith.constant 0 : i32
        %dma_start3A_631 = tpu.memref_slice %arg4[%add3A_624, %add3A_9, %dma_start3A_630] : memref<800x128x1024xf32, #tpu.memory_space<hbm>> -> memref<1x1x1024xf32, #tpu.memory_space<hbm>>
        %dma_start3A_632 = tpu.memref_squeeze %dma_start3A_631 : memref<1x1x1024xf32, #tpu.memory_space<hbm>> -> memref<1024xf32, #tpu.memory_space<hbm>>
        %dma_start3A_633 = arith.constant 7168 : i32
        %dma_start3A_634 = tpu.memref_slice %arg9[%dma_start3A_633] : memref<16384xf32, #tpu.memory_space<vmem>> -> memref<1024xf32, #tpu.memory_space<vmem>>
        tpu.enqueue_dma source(%dma_start3A_634 : memref<1024xf32, #tpu.memory_space<vmem>>) target(%dma_start3A_632 : memref<1024xf32, #tpu.memory_space<hbm>>) target_semaphore(%arg12 : memref<!tpu.dma_semaphore, #tpu.memory_space<semaphore_mem>>)
        %mul3A_635 = arith.constant 4 : i32
        %mul3A_636 = arith.muli %mul3A_410, %mul3A_635 : i32
        %mul3A_637 = arith.constant 4 : i32
        %mul3A_638 = arith.muli %mul3A_636, %mul3A_637 : i32
        %add3A_639 = arith.constant 8 : i32
        %add3A_640 = arith.addi %mul3A_638, %add3A_639 : i32
        %dma_start3A_641 = arith.constant 8192 : i32
        %dma_start3A_642 = tpu.memref_slice %arg9[%dma_start3A_641] : memref<16384xf32, #tpu.memory_space<vmem>> -> memref<1024xf32, #tpu.memory_space<vmem>>
        %dma_start3A_643 = arith.constant 0 : i32
        %dma_start3A_644 = tpu.memref_slice %arg4[%add3A_640, %add3A_9, %dma_start3A_643] : memref<800x128x1024xf32, #tpu.memory_space<hbm>> -> memref<1x1x1024xf32, #tpu.memory_space<hbm>>
        %dma_start3A_645 = tpu.memref_squeeze %dma_start3A_644 : memref<1x1x1024xf32, #tpu.memory_space<hbm>> -> memref<1024xf32, #tpu.memory_space<hbm>>
        %dma_start3A_646 = arith.constant 0 : i32
        %dma_start3A_647 = tpu.memref_slice %arg4[%add3A_640, %add3A_9, %dma_start3A_646] : memref<800x128x1024xf32, #tpu.memory_space<hbm>> -> memref<1x1x1024xf32, #tpu.memory_space<hbm>>
        %dma_start3A_648 = tpu.memref_squeeze %dma_start3A_647 : memref<1x1x1024xf32, #tpu.memory_space<hbm>> -> memref<1024xf32, #tpu.memory_space<hbm>>
        %dma_start3A_649 = arith.constant 8192 : i32
        %dma_start3A_650 = tpu.memref_slice %arg9[%dma_start3A_649] : memref<16384xf32, #tpu.memory_space<vmem>> -> memref<1024xf32, #tpu.memory_space<vmem>>
        tpu.enqueue_dma source(%dma_start3A_650 : memref<1024xf32, #tpu.memory_space<vmem>>) target(%dma_start3A_648 : memref<1024xf32, #tpu.memory_space<hbm>>) target_semaphore(%arg12 : memref<!tpu.dma_semaphore, #tpu.memory_space<semaphore_mem>>)
        %mul3A_651 = arith.constant 4 : i32
        %mul3A_652 = arith.muli %mul3A_410, %mul3A_651 : i32
        %mul3A_653 = arith.constant 4 : i32
        %mul3A_654 = arith.muli %mul3A_652, %mul3A_653 : i32
        %add3A_655 = arith.constant 9 : i32
        %add3A_656 = arith.addi %mul3A_654, %add3A_655 : i32
        %dma_start3A_657 = arith.constant 9216 : i32
        %dma_start3A_658 = tpu.memref_slice %arg9[%dma_start3A_657] : memref<16384xf32, #tpu.memory_space<vmem>> -> memref<1024xf32, #tpu.memory_space<vmem>>
        %dma_start3A_659 = arith.constant 0 : i32
        %dma_start3A_660 = tpu.memref_slice %arg4[%add3A_656, %add3A_9, %dma_start3A_659] : memref<800x128x1024xf32, #tpu.memory_space<hbm>> -> memref<1x1x1024xf32, #tpu.memory_space<hbm>>
        %dma_start3A_661 = tpu.memref_squeeze %dma_start3A_660 : memref<1x1x1024xf32, #tpu.memory_space<hbm>> -> memref<1024xf32, #tpu.memory_space<hbm>>
        %dma_start3A_662 = arith.constant 0 : i32
        %dma_start3A_663 = tpu.memref_slice %arg4[%add3A_656, %add3A_9, %dma_start3A_662] : memref<800x128x1024xf32, #tpu.memory_space<hbm>> -> memref<1x1x1024xf32, #tpu.memory_space<hbm>>
        %dma_start3A_664 = tpu.memref_squeeze %dma_start3A_663 : memref<1x1x1024xf32, #tpu.memory_space<hbm>> -> memref<1024xf32, #tpu.memory_space<hbm>>
        %dma_start3A_665 = arith.constant 9216 : i32
        %dma_start3A_666 = tpu.memref_slice %arg9[%dma_start3A_665] : memref<16384xf32, #tpu.memory_space<vmem>> -> memref<1024xf32, #tpu.memory_space<vmem>>
        tpu.enqueue_dma source(%dma_start3A_666 : memref<1024xf32, #tpu.memory_space<vmem>>) target(%dma_start3A_664 : memref<1024xf32, #tpu.memory_space<hbm>>) target_semaphore(%arg12 : memref<!tpu.dma_semaphore, #tpu.memory_space<semaphore_mem>>)
        %mul3A_667 = arith.constant 4 : i32
        %mul3A_668 = arith.muli %mul3A_410, %mul3A_667 : i32
        %mul3A_669 = arith.constant 4 : i32
        %mul3A_670 = arith.muli %mul3A_668, %mul3A_669 : i32
        %add3A_671 = arith.constant 10 : i32
        %add3A_672 = arith.addi %mul3A_670, %add3A_671 : i32
        %dma_start3A_673 = arith.constant 10240 : i32
        %dma_start3A_674 = tpu.memref_slice %arg9[%dma_start3A_673] : memref<16384xf32, #tpu.memory_space<vmem>> -> memref<1024xf32, #tpu.memory_space<vmem>>
        %dma_start3A_675 = arith.constant 0 : i32
        %dma_start3A_676 = tpu.memref_slice %arg4[%add3A_672, %add3A_9, %dma_start3A_675] : memref<800x128x1024xf32, #tpu.memory_space<hbm>> -> memref<1x1x1024xf32, #tpu.memory_space<hbm>>
        %dma_start3A_677 = tpu.memref_squeeze %dma_start3A_676 : memref<1x1x1024xf32, #tpu.memory_space<hbm>> -> memref<1024xf32, #tpu.memory_space<hbm>>
        %dma_start3A_678 = arith.constant 0 : i32
        %dma_start3A_679 = tpu.memref_slice %arg4[%add3A_672, %add3A_9, %dma_start3A_678] : memref<800x128x1024xf32, #tpu.memory_space<hbm>> -> memref<1x1x1024xf32, #tpu.memory_space<hbm>>
        %dma_start3A_680 = tpu.memref_squeeze %dma_start3A_679 : memref<1x1x1024xf32, #tpu.memory_space<hbm>> -> memref<1024xf32, #tpu.memory_space<hbm>>
        %dma_start3A_681 = arith.constant 10240 : i32
        %dma_start3A_682 = tpu.memref_slice %arg9[%dma_start3A_681] : memref<16384xf32, #tpu.memory_space<vmem>> -> memref<1024xf32, #tpu.memory_space<vmem>>
        tpu.enqueue_dma source(%dma_start3A_682 : memref<1024xf32, #tpu.memory_space<vmem>>) target(%dma_start3A_680 : memref<1024xf32, #tpu.memory_space<hbm>>) target_semaphore(%arg12 : memref<!tpu.dma_semaphore, #tpu.memory_space<semaphore_mem>>)
        %mul3A_683 = arith.constant 4 : i32
        %mul3A_684 = arith.muli %mul3A_410, %mul3A_683 : i32
        %mul3A_685 = arith.constant 4 : i32
        %mul3A_686 = arith.muli %mul3A_684, %mul3A_685 : i32
        %add3A_687 = arith.constant 11 : i32
        %add3A_688 = arith.addi %mul3A_686, %add3A_687 : i32
        %dma_start3A_689 = arith.constant 11264 : i32
        %dma_start3A_690 = tpu.memref_slice %arg9[%dma_start3A_689] : memref<16384xf32, #tpu.memory_space<vmem>> -> memref<1024xf32, #tpu.memory_space<vmem>>
        %dma_start3A_691 = arith.constant 0 : i32
        %dma_start3A_692 = tpu.memref_slice %arg4[%add3A_688, %add3A_9, %dma_start3A_691] : memref<800x128x1024xf32, #tpu.memory_space<hbm>> -> memref<1x1x1024xf32, #tpu.memory_space<hbm>>
        %dma_start3A_693 = tpu.memref_squeeze %dma_start3A_692 : memref<1x1x1024xf32, #tpu.memory_space<hbm>> -> memref<1024xf32, #tpu.memory_space<hbm>>
        %dma_start3A_694 = arith.constant 0 : i32
        %dma_start3A_695 = tpu.memref_slice %arg4[%add3A_688, %add3A_9, %dma_start3A_694] : memref<800x128x1024xf32, #tpu.memory_space<hbm>> -> memref<1x1x1024xf32, #tpu.memory_space<hbm>>
        %dma_start3A_696 = tpu.memref_squeeze %dma_start3A_695 : memref<1x1x1024xf32, #tpu.memory_space<hbm>> -> memref<1024xf32, #tpu.memory_space<hbm>>
        %dma_start3A_697 = arith.constant 11264 : i32
        %dma_start3A_698 = tpu.memref_slice %arg9[%dma_start3A_697] : memref<16384xf32, #tpu.memory_space<vmem>> -> memref<1024xf32, #tpu.memory_space<vmem>>
        tpu.enqueue_dma source(%dma_start3A_698 : memref<1024xf32, #tpu.memory_space<vmem>>) target(%dma_start3A_696 : memref<1024xf32, #tpu.memory_space<hbm>>) target_semaphore(%arg12 : memref<!tpu.dma_semaphore, #tpu.memory_space<semaphore_mem>>)
        %mul3A_699 = arith.constant 4 : i32
        %mul3A_700 = arith.muli %mul3A_410, %mul3A_699 : i32
        %mul3A_701 = arith.constant 4 : i32
        %mul3A_702 = arith.muli %mul3A_700, %mul3A_701 : i32
        %add3A_703 = arith.constant 12 : i32
        %add3A_704 = arith.addi %mul3A_702, %add3A_703 : i32
        %dma_start3A_705 = arith.constant 12288 : i32
        %dma_start3A_706 = tpu.memref_slice %arg9[%dma_start3A_705] : memref<16384xf32, #tpu.memory_space<vmem>> -> memref<1024xf32, #tpu.memory_space<vmem>>
        %dma_start3A_707 = arith.constant 0 : i32
        %dma_start3A_708 = tpu.memref_slice %arg4[%add3A_704, %add3A_9, %dma_start3A_707] : memref<800x128x1024xf32, #tpu.memory_space<hbm>> -> memref<1x1x1024xf32, #tpu.memory_space<hbm>>
        %dma_start3A_709 = tpu.memref_squeeze %dma_start3A_708 : memref<1x1x1024xf32, #tpu.memory_space<hbm>> -> memref<1024xf32, #tpu.memory_space<hbm>>
        %dma_start3A_710 = arith.constant 0 : i32
        %dma_start3A_711 = tpu.memref_slice %arg4[%add3A_704, %add3A_9, %dma_start3A_710] : memref<800x128x1024xf32, #tpu.memory_space<hbm>> -> memref<1x1x1024xf32, #tpu.memory_space<hbm>>
        %dma_start3A_712 = tpu.memref_squeeze %dma_start3A_711 : memref<1x1x1024xf32, #tpu.memory_space<hbm>> -> memref<1024xf32, #tpu.memory_space<hbm>>
        %dma_start3A_713 = arith.constant 12288 : i32
        %dma_start3A_714 = tpu.memref_slice %arg9[%dma_start3A_713] : memref<16384xf32, #tpu.memory_space<vmem>> -> memref<1024xf32, #tpu.memory_space<vmem>>
        tpu.enqueue_dma source(%dma_start3A_714 : memref<1024xf32, #tpu.memory_space<vmem>>) target(%dma_start3A_712 : memref<1024xf32, #tpu.memory_space<hbm>>) target_semaphore(%arg12 : memref<!tpu.dma_semaphore, #tpu.memory_space<semaphore_mem>>)
        %mul3A_715 = arith.constant 4 : i32
        %mul3A_716 = arith.muli %mul3A_410, %mul3A_715 : i32
        %mul3A_717 = arith.constant 4 : i32
        %mul3A_718 = arith.muli %mul3A_716, %mul3A_717 : i32
        %add3A_719 = arith.constant 13 : i32
        %add3A_720 = arith.addi %mul3A_718, %add3A_719 : i32
        %dma_start3A_721 = arith.constant 13312 : i32
        %dma_start3A_722 = tpu.memref_slice %arg9[%dma_start3A_721] : memref<16384xf32, #tpu.memory_space<vmem>> -> memref<1024xf32, #tpu.memory_space<vmem>>
        %dma_start3A_723 = arith.constant 0 : i32
        %dma_start3A_724 = tpu.memref_slice %arg4[%add3A_720, %add3A_9, %dma_start3A_723] : memref<800x128x1024xf32, #tpu.memory_space<hbm>> -> memref<1x1x1024xf32, #tpu.memory_space<hbm>>
        %dma_start3A_725 = tpu.memref_squeeze %dma_start3A_724 : memref<1x1x1024xf32, #tpu.memory_space<hbm>> -> memref<1024xf32, #tpu.memory_space<hbm>>
        %dma_start3A_726 = arith.constant 0 : i32
        %dma_start3A_727 = tpu.memref_slice %arg4[%add3A_720, %add3A_9, %dma_start3A_726] : memref<800x128x1024xf32, #tpu.memory_space<hbm>> -> memref<1x1x1024xf32, #tpu.memory_space<hbm>>
        %dma_start3A_728 = tpu.memref_squeeze %dma_start3A_727 : memref<1x1x1024xf32, #tpu.memory_space<hbm>> -> memref<1024xf32, #tpu.memory_space<hbm>>
        %dma_start3A_729 = arith.constant 13312 : i32
        %dma_start3A_730 = tpu.memref_slice %arg9[%dma_start3A_729] : memref<16384xf32, #tpu.memory_space<vmem>> -> memref<1024xf32, #tpu.memory_space<vmem>>
        tpu.enqueue_dma source(%dma_start3A_730 : memref<1024xf32, #tpu.memory_space<vmem>>) target(%dma_start3A_728 : memref<1024xf32, #tpu.memory_space<hbm>>) target_semaphore(%arg12 : memref<!tpu.dma_semaphore, #tpu.memory_space<semaphore_mem>>)
        %mul3A_731 = arith.constant 4 : i32
        %mul3A_732 = arith.muli %mul3A_410, %mul3A_731 : i32
        %mul3A_733 = arith.constant 4 : i32
        %mul3A_734 = arith.muli %mul3A_732, %mul3A_733 : i32
        %add3A_735 = arith.constant 14 : i32
        %add3A_736 = arith.addi %mul3A_734, %add3A_735 : i32
        %dma_start3A_737 = arith.constant 14336 : i32
        %dma_start3A_738 = tpu.memref_slice %arg9[%dma_start3A_737] : memref<16384xf32, #tpu.memory_space<vmem>> -> memref<1024xf32, #tpu.memory_space<vmem>>
        %dma_start3A_739 = arith.constant 0 : i32
        %dma_start3A_740 = tpu.memref_slice %arg4[%add3A_736, %add3A_9, %dma_start3A_739] : memref<800x128x1024xf32, #tpu.memory_space<hbm>> -> memref<1x1x1024xf32, #tpu.memory_space<hbm>>
        %dma_start3A_741 = tpu.memref_squeeze %dma_start3A_740 : memref<1x1x1024xf32, #tpu.memory_space<hbm>> -> memref<1024xf32, #tpu.memory_space<hbm>>
        %dma_start3A_742 = arith.constant 0 : i32
        %dma_start3A_743 = tpu.memref_slice %arg4[%add3A_736, %add3A_9, %dma_start3A_742] : memref<800x128x1024xf32, #tpu.memory_space<hbm>> -> memref<1x1x1024xf32, #tpu.memory_space<hbm>>
        %dma_start3A_744 = tpu.memref_squeeze %dma_start3A_743 : memref<1x1x1024xf32, #tpu.memory_space<hbm>> -> memref<1024xf32, #tpu.memory_space<hbm>>
        %dma_start3A_745 = arith.constant 14336 : i32
        %dma_start3A_746 = tpu.memref_slice %arg9[%dma_start3A_745] : memref<16384xf32, #tpu.memory_space<vmem>> -> memref<1024xf32, #tpu.memory_space<vmem>>
        tpu.enqueue_dma source(%dma_start3A_746 : memref<1024xf32, #tpu.memory_space<vmem>>) target(%dma_start3A_744 : memref<1024xf32, #tpu.memory_space<hbm>>) target_semaphore(%arg12 : memref<!tpu.dma_semaphore, #tpu.memory_space<semaphore_mem>>)
        %mul3A_747 = arith.constant 4 : i32
        %mul3A_748 = arith.muli %mul3A_410, %mul3A_747 : i32
        %mul3A_749 = arith.constant 4 : i32
        %mul3A_750 = arith.muli %mul3A_748, %mul3A_749 : i32
        %add3A_751 = arith.constant 15 : i32
        %add3A_752 = arith.addi %mul3A_750, %add3A_751 : i32
        %dma_start3A_753 = arith.constant 15360 : i32
        %dma_start3A_754 = tpu.memref_slice %arg9[%dma_start3A_753] : memref<16384xf32, #tpu.memory_space<vmem>> -> memref<1024xf32, #tpu.memory_space<vmem>>
        %dma_start3A_755 = arith.constant 0 : i32
        %dma_start3A_756 = tpu.memref_slice %arg4[%add3A_752, %add3A_9, %dma_start3A_755] : memref<800x128x1024xf32, #tpu.memory_space<hbm>> -> memref<1x1x1024xf32, #tpu.memory_space<hbm>>
        %dma_start3A_757 = tpu.memref_squeeze %dma_start3A_756 : memref<1x1x1024xf32, #tpu.memory_space<hbm>> -> memref<1024xf32, #tpu.memory_space<hbm>>
        %dma_start3A_758 = arith.constant 0 : i32
        %dma_start3A_759 = tpu.memref_slice %arg4[%add3A_752, %add3A_9, %dma_start3A_758] : memref<800x128x1024xf32, #tpu.memory_space<hbm>> -> memref<1x1x1024xf32, #tpu.memory_space<hbm>>
        %dma_start3A_760 = tpu.memref_squeeze %dma_start3A_759 : memref<1x1x1024xf32, #tpu.memory_space<hbm>> -> memref<1024xf32, #tpu.memory_space<hbm>>
        %dma_start3A_761 = arith.constant 15360 : i32
        %dma_start3A_762 = tpu.memref_slice %arg9[%dma_start3A_761] : memref<16384xf32, #tpu.memory_space<vmem>> -> memref<1024xf32, #tpu.memory_space<vmem>>
        tpu.enqueue_dma source(%dma_start3A_762 : memref<1024xf32, #tpu.memory_space<vmem>>) target(%dma_start3A_760 : memref<1024xf32, #tpu.memory_space<hbm>>) target_semaphore(%arg12 : memref<!tpu.dma_semaphore, #tpu.memory_space<semaphore_mem>>)
        %dma_wait3A_763 = arith.constant 0 : i32
        %dma_wait3A_764 = arith.constant 0 : i32
        %dma_wait3A_765 = arith.constant 0 : i32
        %dma_wait3A_766 = tpu.memref_slice %arg8[%dma_wait3A_764, %dma_wait3A_765] : memref<512x32xf32, #tpu.memory_space<vmem>> -> memref<128x32xf32, #tpu.memory_space<vmem>>
        %dma_wait3A_767 = arith.constant 0 : i32
        %dma_wait3A_768 = tpu.memref_slice %arg6[%dma_wait3A_763, %dma_wait3A_767] : memref<4x128xi32, #tpu.memory_space<vmem>> -> memref<1x128xi32, #tpu.memory_space<vmem>>
        %dma_wait3A_769 = tpu.memref_squeeze %dma_wait3A_768 : memref<1x128xi32, #tpu.memory_space<vmem>> -> memref<128xi32, #tpu.memory_space<vmem>>
        %dma_wait3A_770 = arith.constant 0 : i32
        %dma_wait3A_771 = arith.constant 0 : i32
        %dma_wait3A_772 = tpu.memref_slice %arg3[%dma_wait3A_770, %dma_wait3A_771] : memref<1000001x32xf32, #tpu.memory_space<hbm>> -> memref<1000001x32xf32, #tpu.memory_space<hbm>>
        tpu.wait_indirect_dma semaphore(%arg11 : memref<!tpu.dma_semaphore, #tpu.memory_space<semaphore_mem>>) src(%dma_wait3A_772 : memref<1000001x32xf32, #tpu.memory_space<hbm>>) dst(%dma_wait3A_766 : memref<128x32xf32, #tpu.memory_space<vmem>>)
        %dma_wait3A_773 = arith.constant 1 : i32
        %dma_wait3A_774 = arith.constant 128 : i32
        %dma_wait3A_775 = arith.constant 0 : i32
        %dma_wait3A_776 = tpu.memref_slice %arg8[%dma_wait3A_774, %dma_wait3A_775] : memref<512x32xf32, #tpu.memory_space<vmem>> -> memref<128x32xf32, #tpu.memory_space<vmem>>
        %dma_wait3A_777 = arith.constant 0 : i32
        %dma_wait3A_778 = tpu.memref_slice %arg6[%dma_wait3A_773, %dma_wait3A_777] : memref<4x128xi32, #tpu.memory_space<vmem>> -> memref<1x128xi32, #tpu.memory_space<vmem>>
        %dma_wait3A_779 = tpu.memref_squeeze %dma_wait3A_778 : memref<1x128xi32, #tpu.memory_space<vmem>> -> memref<128xi32, #tpu.memory_space<vmem>>
        %dma_wait3A_780 = arith.constant 0 : i32
        %dma_wait3A_781 = arith.constant 0 : i32
        %dma_wait3A_782 = tpu.memref_slice %arg3[%dma_wait3A_780, %dma_wait3A_781] : memref<1000001x32xf32, #tpu.memory_space<hbm>> -> memref<1000001x32xf32, #tpu.memory_space<hbm>>
        tpu.wait_indirect_dma semaphore(%arg11 : memref<!tpu.dma_semaphore, #tpu.memory_space<semaphore_mem>>) src(%dma_wait3A_782 : memref<1000001x32xf32, #tpu.memory_space<hbm>>) dst(%dma_wait3A_776 : memref<128x32xf32, #tpu.memory_space<vmem>>)
        %dma_wait3A_783 = arith.constant 2 : i32
        %dma_wait3A_784 = arith.constant 256 : i32
        %dma_wait3A_785 = arith.constant 0 : i32
        %dma_wait3A_786 = tpu.memref_slice %arg8[%dma_wait3A_784, %dma_wait3A_785] : memref<512x32xf32, #tpu.memory_space<vmem>> -> memref<128x32xf32, #tpu.memory_space<vmem>>
        %dma_wait3A_787 = arith.constant 0 : i32
        %dma_wait3A_788 = tpu.memref_slice %arg6[%dma_wait3A_783, %dma_wait3A_787] : memref<4x128xi32, #tpu.memory_space<vmem>> -> memref<1x128xi32, #tpu.memory_space<vmem>>
        %dma_wait3A_789 = tpu.memref_squeeze %dma_wait3A_788 : memref<1x128xi32, #tpu.memory_space<vmem>> -> memref<128xi32, #tpu.memory_space<vmem>>
        %dma_wait3A_790 = arith.constant 0 : i32
        %dma_wait3A_791 = arith.constant 0 : i32
        %dma_wait3A_792 = tpu.memref_slice %arg3[%dma_wait3A_790, %dma_wait3A_791] : memref<1000001x32xf32, #tpu.memory_space<hbm>> -> memref<1000001x32xf32, #tpu.memory_space<hbm>>
        tpu.wait_indirect_dma semaphore(%arg11 : memref<!tpu.dma_semaphore, #tpu.memory_space<semaphore_mem>>) src(%dma_wait3A_792 : memref<1000001x32xf32, #tpu.memory_space<hbm>>) dst(%dma_wait3A_786 : memref<128x32xf32, #tpu.memory_space<vmem>>)
        %dma_wait3A_793 = arith.constant 3 : i32
        %dma_wait3A_794 = arith.constant 384 : i32
        %dma_wait3A_795 = arith.constant 0 : i32
        %dma_wait3A_796 = tpu.memref_slice %arg8[%dma_wait3A_794, %dma_wait3A_795] : memref<512x32xf32, #tpu.memory_space<vmem>> -> memref<128x32xf32, #tpu.memory_space<vmem>>
        %dma_wait3A_797 = arith.constant 0 : i32
        %dma_wait3A_798 = tpu.memref_slice %arg6[%dma_wait3A_793, %dma_wait3A_797] : memref<4x128xi32, #tpu.memory_space<vmem>> -> memref<1x128xi32, #tpu.memory_space<vmem>>
        %dma_wait3A_799 = tpu.memref_squeeze %dma_wait3A_798 : memref<1x128xi32, #tpu.memory_space<vmem>> -> memref<128xi32, #tpu.memory_space<vmem>>
        %dma_wait3A_800 = arith.constant 0 : i32
        %dma_wait3A_801 = arith.constant 0 : i32
        %dma_wait3A_802 = tpu.memref_slice %arg3[%dma_wait3A_800, %dma_wait3A_801] : memref<1000001x32xf32, #tpu.memory_space<hbm>> -> memref<1000001x32xf32, #tpu.memory_space<hbm>>
        tpu.wait_indirect_dma semaphore(%arg11 : memref<!tpu.dma_semaphore, #tpu.memory_space<semaphore_mem>>) src(%dma_wait3A_802 : memref<1000001x32xf32, #tpu.memory_space<hbm>>) dst(%dma_wait3A_796 : memref<128x32xf32, #tpu.memory_space<vmem>>)
        %add3A_803 = arith.constant 1 : i32
        %add3A_804 = arith.addi %add3A_414, %add3A_803 : i32
        %lt3A = arith.constant 50 : i32
        %lt3A_805 = arith.cmpi slt, %add3A_804, %lt3A : i32
        %convert_element_type3A_806 = arith.extui %lt3A_805 : i1 to i32
        %cond3A_807 = arith.constant 0 : i32
        %cond3A_808 = arith.cmpi ne, %convert_element_type3A_806, %cond3A_807 : i32
        scf.if %cond3A_808 {
          %add3A_1076 = arith.constant 1 : i32
          %add3A_1077 = arith.addi %add3A_414, %add3A_1076 : i32
          %mul3A_1078 = arith.constant 4 : i32
          %mul3A_1079 = arith.muli %add3A_1077, %mul3A_1078 : i32
          %mul3A_1080 = arith.constant 128 : i32
          %mul3A_1081 = arith.muli %add3A_9, %mul3A_1080 : i32
          "tpu.region"() ({
            %run_scoped3A = tpu.sem_alloc : memref<!tpu.dma_semaphore, #tpu.memory_space<semaphore_mem>>
            %dma_start3A_1122 = tpu.memref_slice %arg2[%mul3A_1079, %mul3A_1081] : memref<200x16384xi32, #tpu.memory_space<hbm>> -> memref<4x128xi32, #tpu.memory_space<hbm>>
            %dma_start3A_1123 = tpu.memref_slice %arg2[%mul3A_1079, %mul3A_1081] : memref<200x16384xi32, #tpu.memory_space<hbm>> -> memref<4x128xi32, #tpu.memory_space<hbm>>
            tpu.enqueue_dma source(%dma_start3A_1123 : memref<4x128xi32, #tpu.memory_space<hbm>>) target(%arg5 : memref<4x128xi32, #tpu.memory_space<vmem>>) target_semaphore(%run_scoped3A : memref<!tpu.dma_semaphore, #tpu.memory_space<semaphore_mem>>)
            %dma_wait3A_1124 = tpu.memref_slice %arg2[%mul3A_1079, %mul3A_1081] : memref<200x16384xi32, #tpu.memory_space<hbm>> -> memref<4x128xi32, #tpu.memory_space<hbm>>
            %dma_wait3A_1125 = tpu.memref_slice %arg2[%mul3A_1079, %mul3A_1081] : memref<200x16384xi32, #tpu.memory_space<hbm>> -> memref<4x128xi32, #tpu.memory_space<hbm>>
            tpu.wait_dma2 semaphore(%run_scoped3A : memref<!tpu.dma_semaphore, #tpu.memory_space<semaphore_mem>>) src(%dma_wait3A_1125 : memref<4x128xi32, #tpu.memory_space<hbm>>) dst(%arg5 : memref<4x128xi32, #tpu.memory_space<vmem>>)
            tpu.yield
          }) : () -> ()
          %dma_start3A_1082 = arith.constant 0 : i32
          %dma_start3A_1083 = arith.constant 0 : i32
          %dma_start3A_1084 = arith.constant 0 : i32
          %dma_start3A_1085 = tpu.memref_slice %arg7[%dma_start3A_1083, %dma_start3A_1084] : memref<512x32xf32, #tpu.memory_space<vmem>> -> memref<128x32xf32, #tpu.memory_space<vmem>>
          %dma_start3A_1086 = arith.constant 0 : i32
          %dma_start3A_1087 = tpu.memref_slice %arg5[%dma_start3A_1082, %dma_start3A_1086] : memref<4x128xi32, #tpu.memory_space<vmem>> -> memref<1x128xi32, #tpu.memory_space<vmem>>
          %dma_start3A_1088 = tpu.memref_squeeze %dma_start3A_1087 : memref<1x128xi32, #tpu.memory_space<vmem>> -> memref<128xi32, #tpu.memory_space<vmem>>
          %dma_start3A_1089 = arith.constant 0 : i32
          %dma_start3A_1090 = arith.constant 0 : i32
          %dma_start3A_1091 = tpu.memref_slice %arg3[%dma_start3A_1089, %dma_start3A_1090] : memref<1000001x32xf32, #tpu.memory_space<hbm>> -> memref<1000001x32xf32, #tpu.memory_space<hbm>>
          tpu.enqueue_indirect_dma source(%dma_start3A_1091 : memref<1000001x32xf32, #tpu.memory_space<hbm>>) target(%dma_start3A_1085 : memref<128x32xf32, #tpu.memory_space<vmem>>) offsets(%dma_start3A_1088 : memref<128xi32, #tpu.memory_space<vmem>>) semaphore(%arg11 : memref<!tpu.dma_semaphore, #tpu.memory_space<semaphore_mem>>)
          %dma_start3A_1092 = arith.constant 1 : i32
          %dma_start3A_1093 = arith.constant 128 : i32
          %dma_start3A_1094 = arith.constant 0 : i32
          %dma_start3A_1095 = tpu.memref_slice %arg7[%dma_start3A_1093, %dma_start3A_1094] : memref<512x32xf32, #tpu.memory_space<vmem>> -> memref<128x32xf32, #tpu.memory_space<vmem>>
          %dma_start3A_1096 = arith.constant 0 : i32
          %dma_start3A_1097 = tpu.memref_slice %arg5[%dma_start3A_1092, %dma_start3A_1096] : memref<4x128xi32, #tpu.memory_space<vmem>> -> memref<1x128xi32, #tpu.memory_space<vmem>>
          %dma_start3A_1098 = tpu.memref_squeeze %dma_start3A_1097 : memref<1x128xi32, #tpu.memory_space<vmem>> -> memref<128xi32, #tpu.memory_space<vmem>>
          %dma_start3A_1099 = arith.constant 0 : i32
          %dma_start3A_1100 = arith.constant 0 : i32
          %dma_start3A_1101 = tpu.memref_slice %arg3[%dma_start3A_1099, %dma_start3A_1100] : memref<1000001x32xf32, #tpu.memory_space<hbm>> -> memref<1000001x32xf32, #tpu.memory_space<hbm>>
          tpu.enqueue_indirect_dma source(%dma_start3A_1101 : memref<1000001x32xf32, #tpu.memory_space<hbm>>) target(%dma_start3A_1095 : memref<128x32xf32, #tpu.memory_space<vmem>>) offsets(%dma_start3A_1098 : memref<128xi32, #tpu.memory_space<vmem>>) semaphore(%arg11 : memref<!tpu.dma_semaphore, #tpu.memory_space<semaphore_mem>>)
          %dma_start3A_1102 = arith.constant 2 : i32
          %dma_start3A_1103 = arith.constant 256 : i32
          %dma_start3A_1104 = arith.constant 0 : i32
          %dma_start3A_1105 = tpu.memref_slice %arg7[%dma_start3A_1103, %dma_start3A_1104] : memref<512x32xf32, #tpu.memory_space<vmem>> -> memref<128x32xf32, #tpu.memory_space<vmem>>
          %dma_start3A_1106 = arith.constant 0 : i32
          %dma_start3A_1107 = tpu.memref_slice %arg5[%dma_start3A_1102, %dma_start3A_1106] : memref<4x128xi32, #tpu.memory_space<vmem>> -> memref<1x128xi32, #tpu.memory_space<vmem>>
          %dma_start3A_1108 = tpu.memref_squeeze %dma_start3A_1107 : memref<1x128xi32, #tpu.memory_space<vmem>> -> memref<128xi32, #tpu.memory_space<vmem>>
          %dma_start3A_1109 = arith.constant 0 : i32
          %dma_start3A_1110 = arith.constant 0 : i32
          %dma_start3A_1111 = tpu.memref_slice %arg3[%dma_start3A_1109, %dma_start3A_1110] : memref<1000001x32xf32, #tpu.memory_space<hbm>> -> memref<1000001x32xf32, #tpu.memory_space<hbm>>
          tpu.enqueue_indirect_dma source(%dma_start3A_1111 : memref<1000001x32xf32, #tpu.memory_space<hbm>>) target(%dma_start3A_1105 : memref<128x32xf32, #tpu.memory_space<vmem>>) offsets(%dma_start3A_1108 : memref<128xi32, #tpu.memory_space<vmem>>) semaphore(%arg11 : memref<!tpu.dma_semaphore, #tpu.memory_space<semaphore_mem>>)
          %dma_start3A_1112 = arith.constant 3 : i32
          %dma_start3A_1113 = arith.constant 384 : i32
          %dma_start3A_1114 = arith.constant 0 : i32
          %dma_start3A_1115 = tpu.memref_slice %arg7[%dma_start3A_1113, %dma_start3A_1114] : memref<512x32xf32, #tpu.memory_space<vmem>> -> memref<128x32xf32, #tpu.memory_space<vmem>>
          %dma_start3A_1116 = arith.constant 0 : i32
          %dma_start3A_1117 = tpu.memref_slice %arg5[%dma_start3A_1112, %dma_start3A_1116] : memref<4x128xi32, #tpu.memory_space<vmem>> -> memref<1x128xi32, #tpu.memory_space<vmem>>
          %dma_start3A_1118 = tpu.memref_squeeze %dma_start3A_1117 : memref<1x128xi32, #tpu.memory_space<vmem>> -> memref<128xi32, #tpu.memory_space<vmem>>
          %dma_start3A_1119 = arith.constant 0 : i32
          %dma_start3A_1120 = arith.constant 0 : i32
          %dma_start3A_1121 = tpu.memref_slice %arg3[%dma_start3A_1119, %dma_start3A_1120] : memref<1000001x32xf32, #tpu.memory_space<hbm>> -> memref<1000001x32xf32, #tpu.memory_space<hbm>>
          tpu.enqueue_indirect_dma source(%dma_start3A_1121 : memref<1000001x32xf32, #tpu.memory_space<hbm>>) target(%dma_start3A_1115 : memref<128x32xf32, #tpu.memory_space<vmem>>) offsets(%dma_start3A_1118 : memref<128xi32, #tpu.memory_space<vmem>>) semaphore(%arg11 : memref<!tpu.dma_semaphore, #tpu.memory_space<semaphore_mem>>)
        } else {
        }
        %gt3A_809 = arith.constant 0 : i32
        %gt3A_810 = arith.cmpi sgt, %scan3A_408, %gt3A_809 : i32
        %convert_element_type3A_811 = arith.extui %gt3A_810 : i1 to i32
        %cond3A_812 = arith.constant 0 : i32
        %cond3A_813 = arith.cmpi ne, %convert_element_type3A_811, %cond3A_812 : i32
        scf.if %cond3A_813 {
          %sub3A = arith.constant 2 : i32
          %sub3A_1076 = arith.subi %add3A_414, %sub3A : i32
          %mul3A_1077 = arith.constant 4 : i32
          %mul3A_1078 = arith.muli %sub3A_1076, %mul3A_1077 : i32
          %mul3A_1079 = arith.constant 4 : i32
          %mul3A_1080 = arith.muli %mul3A_1078, %mul3A_1079 : i32
          %add3A_1081 = arith.constant 0 : i32
          %add3A_1082 = arith.addi %mul3A_1080, %add3A_1081 : i32
          %dma_wait3A_1083 = arith.constant 0 : i32
          %dma_wait3A_1084 = tpu.memref_slice %arg10[%dma_wait3A_1083] : memref<16384xf32, #tpu.memory_space<vmem>> -> memref<1024xf32, #tpu.memory_space<vmem>>
          %dma_wait3A_1085 = arith.constant 0 : i32
          %dma_wait3A_1086 = tpu.memref_slice %arg4[%add3A_1082, %add3A_9, %dma_wait3A_1085] : memref<800x128x1024xf32, #tpu.memory_space<hbm>> -> memref<1x1x1024xf32, #tpu.memory_space<hbm>>
          %dma_wait3A_1087 = tpu.memref_squeeze %dma_wait3A_1086 : memref<1x1x1024xf32, #tpu.memory_space<hbm>> -> memref<1024xf32, #tpu.memory_space<hbm>>
          %dma_wait3A_1088 = arith.constant 0 : i32
          %dma_wait3A_1089 = tpu.memref_slice %arg4[%add3A_1082, %add3A_9, %dma_wait3A_1088] : memref<800x128x1024xf32, #tpu.memory_space<hbm>> -> memref<1x1x1024xf32, #tpu.memory_space<hbm>>
          %dma_wait3A_1090 = tpu.memref_squeeze %dma_wait3A_1089 : memref<1x1x1024xf32, #tpu.memory_space<hbm>> -> memref<1024xf32, #tpu.memory_space<hbm>>
          %dma_wait3A_1091 = arith.constant 0 : i32
          %dma_wait3A_1092 = tpu.memref_slice %arg10[%dma_wait3A_1091] : memref<16384xf32, #tpu.memory_space<vmem>> -> memref<1024xf32, #tpu.memory_space<vmem>>
          tpu.wait_dma2 semaphore(%arg12 : memref<!tpu.dma_semaphore, #tpu.memory_space<semaphore_mem>>) src(%dma_wait3A_1092 : memref<1024xf32, #tpu.memory_space<vmem>>) dst(%dma_wait3A_1090 : memref<1024xf32, #tpu.memory_space<hbm>>)
          %mul3A_1093 = arith.constant 4 : i32
          %mul3A_1094 = arith.muli %sub3A_1076, %mul3A_1093 : i32
          %mul3A_1095 = arith.constant 4 : i32
          %mul3A_1096 = arith.muli %mul3A_1094, %mul3A_1095 : i32
          %add3A_1097 = arith.constant 1 : i32
          %add3A_1098 = arith.addi %mul3A_1096, %add3A_1097 : i32
          %dma_wait3A_1099 = arith.constant 1024 : i32
          %dma_wait3A_1100 = tpu.memref_slice %arg10[%dma_wait3A_1099] : memref<16384xf32, #tpu.memory_space<vmem>> -> memref<1024xf32, #tpu.memory_space<vmem>>
          %dma_wait3A_1101 = arith.constant 0 : i32
          %dma_wait3A_1102 = tpu.memref_slice %arg4[%add3A_1098, %add3A_9, %dma_wait3A_1101] : memref<800x128x1024xf32, #tpu.memory_space<hbm>> -> memref<1x1x1024xf32, #tpu.memory_space<hbm>>
          %dma_wait3A_1103 = tpu.memref_squeeze %dma_wait3A_1102 : memref<1x1x1024xf32, #tpu.memory_space<hbm>> -> memref<1024xf32, #tpu.memory_space<hbm>>
          %dma_wait3A_1104 = arith.constant 0 : i32
          %dma_wait3A_1105 = tpu.memref_slice %arg4[%add3A_1098, %add3A_9, %dma_wait3A_1104] : memref<800x128x1024xf32, #tpu.memory_space<hbm>> -> memref<1x1x1024xf32, #tpu.memory_space<hbm>>
          %dma_wait3A_1106 = tpu.memref_squeeze %dma_wait3A_1105 : memref<1x1x1024xf32, #tpu.memory_space<hbm>> -> memref<1024xf32, #tpu.memory_space<hbm>>
          %dma_wait3A_1107 = arith.constant 1024 : i32
          %dma_wait3A_1108 = tpu.memref_slice %arg10[%dma_wait3A_1107] : memref<16384xf32, #tpu.memory_space<vmem>> -> memref<1024xf32, #tpu.memory_space<vmem>>
          tpu.wait_dma2 semaphore(%arg12 : memref<!tpu.dma_semaphore, #tpu.memory_space<semaphore_mem>>) src(%dma_wait3A_1108 : memref<1024xf32, #tpu.memory_space<vmem>>) dst(%dma_wait3A_1106 : memref<1024xf32, #tpu.memory_space<hbm>>)
          %mul3A_1109 = arith.constant 4 : i32
          %mul3A_1110 = arith.muli %sub3A_1076, %mul3A_1109 : i32
          %mul3A_1111 = arith.constant 4 : i32
          %mul3A_1112 = arith.muli %mul3A_1110, %mul3A_1111 : i32
          %add3A_1113 = arith.constant 2 : i32
          %add3A_1114 = arith.addi %mul3A_1112, %add3A_1113 : i32
          %dma_wait3A_1115 = arith.constant 2048 : i32
          %dma_wait3A_1116 = tpu.memref_slice %arg10[%dma_wait3A_1115] : memref<16384xf32, #tpu.memory_space<vmem>> -> memref<1024xf32, #tpu.memory_space<vmem>>
          %dma_wait3A_1117 = arith.constant 0 : i32
          %dma_wait3A_1118 = tpu.memref_slice %arg4[%add3A_1114, %add3A_9, %dma_wait3A_1117] : memref<800x128x1024xf32, #tpu.memory_space<hbm>> -> memref<1x1x1024xf32, #tpu.memory_space<hbm>>
          %dma_wait3A_1119 = tpu.memref_squeeze %dma_wait3A_1118 : memref<1x1x1024xf32, #tpu.memory_space<hbm>> -> memref<1024xf32, #tpu.memory_space<hbm>>
          %dma_wait3A_1120 = arith.constant 0 : i32
          %dma_wait3A_1121 = tpu.memref_slice %arg4[%add3A_1114, %add3A_9, %dma_wait3A_1120] : memref<800x128x1024xf32, #tpu.memory_space<hbm>> -> memref<1x1x1024xf32, #tpu.memory_space<hbm>>
          %dma_wait3A_1122 = tpu.memref_squeeze %dma_wait3A_1121 : memref<1x1x1024xf32, #tpu.memory_space<hbm>> -> memref<1024xf32, #tpu.memory_space<hbm>>
          %dma_wait3A_1123 = arith.constant 2048 : i32
          %dma_wait3A_1124 = tpu.memref_slice %arg10[%dma_wait3A_1123] : memref<16384xf32, #tpu.memory_space<vmem>> -> memref<1024xf32, #tpu.memory_space<vmem>>
          tpu.wait_dma2 semaphore(%arg12 : memref<!tpu.dma_semaphore, #tpu.memory_space<semaphore_mem>>) src(%dma_wait3A_1124 : memref<1024xf32, #tpu.memory_space<vmem>>) dst(%dma_wait3A_1122 : memref<1024xf32, #tpu.memory_space<hbm>>)
          %mul3A_1125 = arith.constant 4 : i32
          %mul3A_1126 = arith.muli %sub3A_1076, %mul3A_1125 : i32
          %mul3A_1127 = arith.constant 4 : i32
          %mul3A_1128 = arith.muli %mul3A_1126, %mul3A_1127 : i32
          %add3A_1129 = arith.constant 3 : i32
          %add3A_1130 = arith.addi %mul3A_1128, %add3A_1129 : i32
          %dma_wait3A_1131 = arith.constant 3072 : i32
          %dma_wait3A_1132 = tpu.memref_slice %arg10[%dma_wait3A_1131] : memref<16384xf32, #tpu.memory_space<vmem>> -> memref<1024xf32, #tpu.memory_space<vmem>>
          %dma_wait3A_1133 = arith.constant 0 : i32
          %dma_wait3A_1134 = tpu.memref_slice %arg4[%add3A_1130, %add3A_9, %dma_wait3A_1133] : memref<800x128x1024xf32, #tpu.memory_space<hbm>> -> memref<1x1x1024xf32, #tpu.memory_space<hbm>>
          %dma_wait3A_1135 = tpu.memref_squeeze %dma_wait3A_1134 : memref<1x1x1024xf32, #tpu.memory_space<hbm>> -> memref<1024xf32, #tpu.memory_space<hbm>>
          %dma_wait3A_1136 = arith.constant 0 : i32
          %dma_wait3A_1137 = tpu.memref_slice %arg4[%add3A_1130, %add3A_9, %dma_wait3A_1136] : memref<800x128x1024xf32, #tpu.memory_space<hbm>> -> memref<1x1x1024xf32, #tpu.memory_space<hbm>>
          %dma_wait3A_1138 = tpu.memref_squeeze %dma_wait3A_1137 : memref<1x1x1024xf32, #tpu.memory_space<hbm>> -> memref<1024xf32, #tpu.memory_space<hbm>>
          %dma_wait3A_1139 = arith.constant 3072 : i32
          %dma_wait3A_1140 = tpu.memref_slice %arg10[%dma_wait3A_1139] : memref<16384xf32, #tpu.memory_space<vmem>> -> memref<1024xf32, #tpu.memory_space<vmem>>
          tpu.wait_dma2 semaphore(%arg12 : memref<!tpu.dma_semaphore, #tpu.memory_space<semaphore_mem>>) src(%dma_wait3A_1140 : memref<1024xf32, #tpu.memory_space<vmem>>) dst(%dma_wait3A_1138 : memref<1024xf32, #tpu.memory_space<hbm>>)
          %mul3A_1141 = arith.constant 4 : i32
          %mul3A_1142 = arith.muli %sub3A_1076, %mul3A_1141 : i32
          %mul3A_1143 = arith.constant 4 : i32
          %mul3A_1144 = arith.muli %mul3A_1142, %mul3A_1143 : i32
          %add3A_1145 = arith.constant 4 : i32
          %add3A_1146 = arith.addi %mul3A_1144, %add3A_1145 : i32
          %dma_wait3A_1147 = arith.constant 4096 : i32
          %dma_wait3A_1148 = tpu.memref_slice %arg10[%dma_wait3A_1147] : memref<16384xf32, #tpu.memory_space<vmem>> -> memref<1024xf32, #tpu.memory_space<vmem>>
          %dma_wait3A_1149 = arith.constant 0 : i32
          %dma_wait3A_1150 = tpu.memref_slice %arg4[%add3A_1146, %add3A_9, %dma_wait3A_1149] : memref<800x128x1024xf32, #tpu.memory_space<hbm>> -> memref<1x1x1024xf32, #tpu.memory_space<hbm>>
          %dma_wait3A_1151 = tpu.memref_squeeze %dma_wait3A_1150 : memref<1x1x1024xf32, #tpu.memory_space<hbm>> -> memref<1024xf32, #tpu.memory_space<hbm>>
          %dma_wait3A_1152 = arith.constant 0 : i32
          %dma_wait3A_1153 = tpu.memref_slice %arg4[%add3A_1146, %add3A_9, %dma_wait3A_1152] : memref<800x128x1024xf32, #tpu.memory_space<hbm>> -> memref<1x1x1024xf32, #tpu.memory_space<hbm>>
          %dma_wait3A_1154 = tpu.memref_squeeze %dma_wait3A_1153 : memref<1x1x1024xf32, #tpu.memory_space<hbm>> -> memref<1024xf32, #tpu.memory_space<hbm>>
          %dma_wait3A_1155 = arith.constant 4096 : i32
          %dma_wait3A_1156 = tpu.memref_slice %arg10[%dma_wait3A_1155] : memref<16384xf32, #tpu.memory_space<vmem>> -> memref<1024xf32, #tpu.memory_space<vmem>>
          tpu.wait_dma2 semaphore(%arg12 : memref<!tpu.dma_semaphore, #tpu.memory_space<semaphore_mem>>) src(%dma_wait3A_1156 : memref<1024xf32, #tpu.memory_space<vmem>>) dst(%dma_wait3A_1154 : memref<1024xf32, #tpu.memory_space<hbm>>)
          %mul3A_1157 = arith.constant 4 : i32
          %mul3A_1158 = arith.muli %sub3A_1076, %mul3A_1157 : i32
          %mul3A_1159 = arith.constant 4 : i32
          %mul3A_1160 = arith.muli %mul3A_1158, %mul3A_1159 : i32
          %add3A_1161 = arith.constant 5 : i32
          %add3A_1162 = arith.addi %mul3A_1160, %add3A_1161 : i32
          %dma_wait3A_1163 = arith.constant 5120 : i32
          %dma_wait3A_1164 = tpu.memref_slice %arg10[%dma_wait3A_1163] : memref<16384xf32, #tpu.memory_space<vmem>> -> memref<1024xf32, #tpu.memory_space<vmem>>
          %dma_wait3A_1165 = arith.constant 0 : i32
          %dma_wait3A_1166 = tpu.memref_slice %arg4[%add3A_1162, %add3A_9, %dma_wait3A_1165] : memref<800x128x1024xf32, #tpu.memory_space<hbm>> -> memref<1x1x1024xf32, #tpu.memory_space<hbm>>
          %dma_wait3A_1167 = tpu.memref_squeeze %dma_wait3A_1166 : memref<1x1x1024xf32, #tpu.memory_space<hbm>> -> memref<1024xf32, #tpu.memory_space<hbm>>
          %dma_wait3A_1168 = arith.constant 0 : i32
          %dma_wait3A_1169 = tpu.memref_slice %arg4[%add3A_1162, %add3A_9, %dma_wait3A_1168] : memref<800x128x1024xf32, #tpu.memory_space<hbm>> -> memref<1x1x1024xf32, #tpu.memory_space<hbm>>
          %dma_wait3A_1170 = tpu.memref_squeeze %dma_wait3A_1169 : memref<1x1x1024xf32, #tpu.memory_space<hbm>> -> memref<1024xf32, #tpu.memory_space<hbm>>
          %dma_wait3A_1171 = arith.constant 5120 : i32
          %dma_wait3A_1172 = tpu.memref_slice %arg10[%dma_wait3A_1171] : memref<16384xf32, #tpu.memory_space<vmem>> -> memref<1024xf32, #tpu.memory_space<vmem>>
          tpu.wait_dma2 semaphore(%arg12 : memref<!tpu.dma_semaphore, #tpu.memory_space<semaphore_mem>>) src(%dma_wait3A_1172 : memref<1024xf32, #tpu.memory_space<vmem>>) dst(%dma_wait3A_1170 : memref<1024xf32, #tpu.memory_space<hbm>>)
          %mul3A_1173 = arith.constant 4 : i32
          %mul3A_1174 = arith.muli %sub3A_1076, %mul3A_1173 : i32
          %mul3A_1175 = arith.constant 4 : i32
          %mul3A_1176 = arith.muli %mul3A_1174, %mul3A_1175 : i32
          %add3A_1177 = arith.constant 6 : i32
          %add3A_1178 = arith.addi %mul3A_1176, %add3A_1177 : i32
          %dma_wait3A_1179 = arith.constant 6144 : i32
          %dma_wait3A_1180 = tpu.memref_slice %arg10[%dma_wait3A_1179] : memref<16384xf32, #tpu.memory_space<vmem>> -> memref<1024xf32, #tpu.memory_space<vmem>>
          %dma_wait3A_1181 = arith.constant 0 : i32
          %dma_wait3A_1182 = tpu.memref_slice %arg4[%add3A_1178, %add3A_9, %dma_wait3A_1181] : memref<800x128x1024xf32, #tpu.memory_space<hbm>> -> memref<1x1x1024xf32, #tpu.memory_space<hbm>>
          %dma_wait3A_1183 = tpu.memref_squeeze %dma_wait3A_1182 : memref<1x1x1024xf32, #tpu.memory_space<hbm>> -> memref<1024xf32, #tpu.memory_space<hbm>>
          %dma_wait3A_1184 = arith.constant 0 : i32
          %dma_wait3A_1185 = tpu.memref_slice %arg4[%add3A_1178, %add3A_9, %dma_wait3A_1184] : memref<800x128x1024xf32, #tpu.memory_space<hbm>> -> memref<1x1x1024xf32, #tpu.memory_space<hbm>>
          %dma_wait3A_1186 = tpu.memref_squeeze %dma_wait3A_1185 : memref<1x1x1024xf32, #tpu.memory_space<hbm>> -> memref<1024xf32, #tpu.memory_space<hbm>>
          %dma_wait3A_1187 = arith.constant 6144 : i32
          %dma_wait3A_1188 = tpu.memref_slice %arg10[%dma_wait3A_1187] : memref<16384xf32, #tpu.memory_space<vmem>> -> memref<1024xf32, #tpu.memory_space<vmem>>
          tpu.wait_dma2 semaphore(%arg12 : memref<!tpu.dma_semaphore, #tpu.memory_space<semaphore_mem>>) src(%dma_wait3A_1188 : memref<1024xf32, #tpu.memory_space<vmem>>) dst(%dma_wait3A_1186 : memref<1024xf32, #tpu.memory_space<hbm>>)
          %mul3A_1189 = arith.constant 4 : i32
          %mul3A_1190 = arith.muli %sub3A_1076, %mul3A_1189 : i32
          %mul3A_1191 = arith.constant 4 : i32
          %mul3A_1192 = arith.muli %mul3A_1190, %mul3A_1191 : i32
          %add3A_1193 = arith.constant 7 : i32
          %add3A_1194 = arith.addi %mul3A_1192, %add3A_1193 : i32
          %dma_wait3A_1195 = arith.constant 7168 : i32
          %dma_wait3A_1196 = tpu.memref_slice %arg10[%dma_wait3A_1195] : memref<16384xf32, #tpu.memory_space<vmem>> -> memref<1024xf32, #tpu.memory_space<vmem>>
          %dma_wait3A_1197 = arith.constant 0 : i32
          %dma_wait3A_1198 = tpu.memref_slice %arg4[%add3A_1194, %add3A_9, %dma_wait3A_1197] : memref<800x128x1024xf32, #tpu.memory_space<hbm>> -> memref<1x1x1024xf32, #tpu.memory_space<hbm>>
          %dma_wait3A_1199 = tpu.memref_squeeze %dma_wait3A_1198 : memref<1x1x1024xf32, #tpu.memory_space<hbm>> -> memref<1024xf32, #tpu.memory_space<hbm>>
          %dma_wait3A_1200 = arith.constant 0 : i32
          %dma_wait3A_1201 = tpu.memref_slice %arg4[%add3A_1194, %add3A_9, %dma_wait3A_1200] : memref<800x128x1024xf32, #tpu.memory_space<hbm>> -> memref<1x1x1024xf32, #tpu.memory_space<hbm>>
          %dma_wait3A_1202 = tpu.memref_squeeze %dma_wait3A_1201 : memref<1x1x1024xf32, #tpu.memory_space<hbm>> -> memref<1024xf32, #tpu.memory_space<hbm>>
          %dma_wait3A_1203 = arith.constant 7168 : i32
          %dma_wait3A_1204 = tpu.memref_slice %arg10[%dma_wait3A_1203] : memref<16384xf32, #tpu.memory_space<vmem>> -> memref<1024xf32, #tpu.memory_space<vmem>>
          tpu.wait_dma2 semaphore(%arg12 : memref<!tpu.dma_semaphore, #tpu.memory_space<semaphore_mem>>) src(%dma_wait3A_1204 : memref<1024xf32, #tpu.memory_space<vmem>>) dst(%dma_wait3A_1202 : memref<1024xf32, #tpu.memory_space<hbm>>)
          %mul3A_1205 = arith.constant 4 : i32
          %mul3A_1206 = arith.muli %sub3A_1076, %mul3A_1205 : i32
          %mul3A_1207 = arith.constant 4 : i32
          %mul3A_1208 = arith.muli %mul3A_1206, %mul3A_1207 : i32
          %add3A_1209 = arith.constant 8 : i32
          %add3A_1210 = arith.addi %mul3A_1208, %add3A_1209 : i32
          %dma_wait3A_1211 = arith.constant 8192 : i32
          %dma_wait3A_1212 = tpu.memref_slice %arg10[%dma_wait3A_1211] : memref<16384xf32, #tpu.memory_space<vmem>> -> memref<1024xf32, #tpu.memory_space<vmem>>
          %dma_wait3A_1213 = arith.constant 0 : i32
          %dma_wait3A_1214 = tpu.memref_slice %arg4[%add3A_1210, %add3A_9, %dma_wait3A_1213] : memref<800x128x1024xf32, #tpu.memory_space<hbm>> -> memref<1x1x1024xf32, #tpu.memory_space<hbm>>
          %dma_wait3A_1215 = tpu.memref_squeeze %dma_wait3A_1214 : memref<1x1x1024xf32, #tpu.memory_space<hbm>> -> memref<1024xf32, #tpu.memory_space<hbm>>
          %dma_wait3A_1216 = arith.constant 0 : i32
          %dma_wait3A_1217 = tpu.memref_slice %arg4[%add3A_1210, %add3A_9, %dma_wait3A_1216] : memref<800x128x1024xf32, #tpu.memory_space<hbm>> -> memref<1x1x1024xf32, #tpu.memory_space<hbm>>
          %dma_wait3A_1218 = tpu.memref_squeeze %dma_wait3A_1217 : memref<1x1x1024xf32, #tpu.memory_space<hbm>> -> memref<1024xf32, #tpu.memory_space<hbm>>
          %dma_wait3A_1219 = arith.constant 8192 : i32
          %dma_wait3A_1220 = tpu.memref_slice %arg10[%dma_wait3A_1219] : memref<16384xf32, #tpu.memory_space<vmem>> -> memref<1024xf32, #tpu.memory_space<vmem>>
          tpu.wait_dma2 semaphore(%arg12 : memref<!tpu.dma_semaphore, #tpu.memory_space<semaphore_mem>>) src(%dma_wait3A_1220 : memref<1024xf32, #tpu.memory_space<vmem>>) dst(%dma_wait3A_1218 : memref<1024xf32, #tpu.memory_space<hbm>>)
          %mul3A_1221 = arith.constant 4 : i32
          %mul3A_1222 = arith.muli %sub3A_1076, %mul3A_1221 : i32
          %mul3A_1223 = arith.constant 4 : i32
          %mul3A_1224 = arith.muli %mul3A_1222, %mul3A_1223 : i32
          %add3A_1225 = arith.constant 9 : i32
          %add3A_1226 = arith.addi %mul3A_1224, %add3A_1225 : i32
          %dma_wait3A_1227 = arith.constant 9216 : i32
          %dma_wait3A_1228 = tpu.memref_slice %arg10[%dma_wait3A_1227] : memref<16384xf32, #tpu.memory_space<vmem>> -> memref<1024xf32, #tpu.memory_space<vmem>>
          %dma_wait3A_1229 = arith.constant 0 : i32
          %dma_wait3A_1230 = tpu.memref_slice %arg4[%add3A_1226, %add3A_9, %dma_wait3A_1229] : memref<800x128x1024xf32, #tpu.memory_space<hbm>> -> memref<1x1x1024xf32, #tpu.memory_space<hbm>>
          %dma_wait3A_1231 = tpu.memref_squeeze %dma_wait3A_1230 : memref<1x1x1024xf32, #tpu.memory_space<hbm>> -> memref<1024xf32, #tpu.memory_space<hbm>>
          %dma_wait3A_1232 = arith.constant 0 : i32
          %dma_wait3A_1233 = tpu.memref_slice %arg4[%add3A_1226, %add3A_9, %dma_wait3A_1232] : memref<800x128x1024xf32, #tpu.memory_space<hbm>> -> memref<1x1x1024xf32, #tpu.memory_space<hbm>>
          %dma_wait3A_1234 = tpu.memref_squeeze %dma_wait3A_1233 : memref<1x1x1024xf32, #tpu.memory_space<hbm>> -> memref<1024xf32, #tpu.memory_space<hbm>>
          %dma_wait3A_1235 = arith.constant 9216 : i32
          %dma_wait3A_1236 = tpu.memref_slice %arg10[%dma_wait3A_1235] : memref<16384xf32, #tpu.memory_space<vmem>> -> memref<1024xf32, #tpu.memory_space<vmem>>
          tpu.wait_dma2 semaphore(%arg12 : memref<!tpu.dma_semaphore, #tpu.memory_space<semaphore_mem>>) src(%dma_wait3A_1236 : memref<1024xf32, #tpu.memory_space<vmem>>) dst(%dma_wait3A_1234 : memref<1024xf32, #tpu.memory_space<hbm>>)
          %mul3A_1237 = arith.constant 4 : i32
          %mul3A_1238 = arith.muli %sub3A_1076, %mul3A_1237 : i32
          %mul3A_1239 = arith.constant 4 : i32
          %mul3A_1240 = arith.muli %mul3A_1238, %mul3A_1239 : i32
          %add3A_1241 = arith.constant 10 : i32
          %add3A_1242 = arith.addi %mul3A_1240, %add3A_1241 : i32
          %dma_wait3A_1243 = arith.constant 10240 : i32
          %dma_wait3A_1244 = tpu.memref_slice %arg10[%dma_wait3A_1243] : memref<16384xf32, #tpu.memory_space<vmem>> -> memref<1024xf32, #tpu.memory_space<vmem>>
          %dma_wait3A_1245 = arith.constant 0 : i32
          %dma_wait3A_1246 = tpu.memref_slice %arg4[%add3A_1242, %add3A_9, %dma_wait3A_1245] : memref<800x128x1024xf32, #tpu.memory_space<hbm>> -> memref<1x1x1024xf32, #tpu.memory_space<hbm>>
          %dma_wait3A_1247 = tpu.memref_squeeze %dma_wait3A_1246 : memref<1x1x1024xf32, #tpu.memory_space<hbm>> -> memref<1024xf32, #tpu.memory_space<hbm>>
          %dma_wait3A_1248 = arith.constant 0 : i32
          %dma_wait3A_1249 = tpu.memref_slice %arg4[%add3A_1242, %add3A_9, %dma_wait3A_1248] : memref<800x128x1024xf32, #tpu.memory_space<hbm>> -> memref<1x1x1024xf32, #tpu.memory_space<hbm>>
          %dma_wait3A_1250 = tpu.memref_squeeze %dma_wait3A_1249 : memref<1x1x1024xf32, #tpu.memory_space<hbm>> -> memref<1024xf32, #tpu.memory_space<hbm>>
          %dma_wait3A_1251 = arith.constant 10240 : i32
          %dma_wait3A_1252 = tpu.memref_slice %arg10[%dma_wait3A_1251] : memref<16384xf32, #tpu.memory_space<vmem>> -> memref<1024xf32, #tpu.memory_space<vmem>>
          tpu.wait_dma2 semaphore(%arg12 : memref<!tpu.dma_semaphore, #tpu.memory_space<semaphore_mem>>) src(%dma_wait3A_1252 : memref<1024xf32, #tpu.memory_space<vmem>>) dst(%dma_wait3A_1250 : memref<1024xf32, #tpu.memory_space<hbm>>)
          %mul3A_1253 = arith.constant 4 : i32
          %mul3A_1254 = arith.muli %sub3A_1076, %mul3A_1253 : i32
          %mul3A_1255 = arith.constant 4 : i32
          %mul3A_1256 = arith.muli %mul3A_1254, %mul3A_1255 : i32
          %add3A_1257 = arith.constant 11 : i32
          %add3A_1258 = arith.addi %mul3A_1256, %add3A_1257 : i32
          %dma_wait3A_1259 = arith.constant 11264 : i32
          %dma_wait3A_1260 = tpu.memref_slice %arg10[%dma_wait3A_1259] : memref<16384xf32, #tpu.memory_space<vmem>> -> memref<1024xf32, #tpu.memory_space<vmem>>
          %dma_wait3A_1261 = arith.constant 0 : i32
          %dma_wait3A_1262 = tpu.memref_slice %arg4[%add3A_1258, %add3A_9, %dma_wait3A_1261] : memref<800x128x1024xf32, #tpu.memory_space<hbm>> -> memref<1x1x1024xf32, #tpu.memory_space<hbm>>
          %dma_wait3A_1263 = tpu.memref_squeeze %dma_wait3A_1262 : memref<1x1x1024xf32, #tpu.memory_space<hbm>> -> memref<1024xf32, #tpu.memory_space<hbm>>
          %dma_wait3A_1264 = arith.constant 0 : i32
          %dma_wait3A_1265 = tpu.memref_slice %arg4[%add3A_1258, %add3A_9, %dma_wait3A_1264] : memref<800x128x1024xf32, #tpu.memory_space<hbm>> -> memref<1x1x1024xf32, #tpu.memory_space<hbm>>
          %dma_wait3A_1266 = tpu.memref_squeeze %dma_wait3A_1265 : memref<1x1x1024xf32, #tpu.memory_space<hbm>> -> memref<1024xf32, #tpu.memory_space<hbm>>
          %dma_wait3A_1267 = arith.constant 11264 : i32
          %dma_wait3A_1268 = tpu.memref_slice %arg10[%dma_wait3A_1267] : memref<16384xf32, #tpu.memory_space<vmem>> -> memref<1024xf32, #tpu.memory_space<vmem>>
          tpu.wait_dma2 semaphore(%arg12 : memref<!tpu.dma_semaphore, #tpu.memory_space<semaphore_mem>>) src(%dma_wait3A_1268 : memref<1024xf32, #tpu.memory_space<vmem>>) dst(%dma_wait3A_1266 : memref<1024xf32, #tpu.memory_space<hbm>>)
          %mul3A_1269 = arith.constant 4 : i32
          %mul3A_1270 = arith.muli %sub3A_1076, %mul3A_1269 : i32
          %mul3A_1271 = arith.constant 4 : i32
          %mul3A_1272 = arith.muli %mul3A_1270, %mul3A_1271 : i32
          %add3A_1273 = arith.constant 12 : i32
          %add3A_1274 = arith.addi %mul3A_1272, %add3A_1273 : i32
          %dma_wait3A_1275 = arith.constant 12288 : i32
          %dma_wait3A_1276 = tpu.memref_slice %arg10[%dma_wait3A_1275] : memref<16384xf32, #tpu.memory_space<vmem>> -> memref<1024xf32, #tpu.memory_space<vmem>>
          %dma_wait3A_1277 = arith.constant 0 : i32
          %dma_wait3A_1278 = tpu.memref_slice %arg4[%add3A_1274, %add3A_9, %dma_wait3A_1277] : memref<800x128x1024xf32, #tpu.memory_space<hbm>> -> memref<1x1x1024xf32, #tpu.memory_space<hbm>>
          %dma_wait3A_1279 = tpu.memref_squeeze %dma_wait3A_1278 : memref<1x1x1024xf32, #tpu.memory_space<hbm>> -> memref<1024xf32, #tpu.memory_space<hbm>>
          %dma_wait3A_1280 = arith.constant 0 : i32
          %dma_wait3A_1281 = tpu.memref_slice %arg4[%add3A_1274, %add3A_9, %dma_wait3A_1280] : memref<800x128x1024xf32, #tpu.memory_space<hbm>> -> memref<1x1x1024xf32, #tpu.memory_space<hbm>>
          %dma_wait3A_1282 = tpu.memref_squeeze %dma_wait3A_1281 : memref<1x1x1024xf32, #tpu.memory_space<hbm>> -> memref<1024xf32, #tpu.memory_space<hbm>>
          %dma_wait3A_1283 = arith.constant 12288 : i32
          %dma_wait3A_1284 = tpu.memref_slice %arg10[%dma_wait3A_1283] : memref<16384xf32, #tpu.memory_space<vmem>> -> memref<1024xf32, #tpu.memory_space<vmem>>
          tpu.wait_dma2 semaphore(%arg12 : memref<!tpu.dma_semaphore, #tpu.memory_space<semaphore_mem>>) src(%dma_wait3A_1284 : memref<1024xf32, #tpu.memory_space<vmem>>) dst(%dma_wait3A_1282 : memref<1024xf32, #tpu.memory_space<hbm>>)
          %mul3A_1285 = arith.constant 4 : i32
          %mul3A_1286 = arith.muli %sub3A_1076, %mul3A_1285 : i32
          %mul3A_1287 = arith.constant 4 : i32
          %mul3A_1288 = arith.muli %mul3A_1286, %mul3A_1287 : i32
          %add3A_1289 = arith.constant 13 : i32
          %add3A_1290 = arith.addi %mul3A_1288, %add3A_1289 : i32
          %dma_wait3A_1291 = arith.constant 13312 : i32
          %dma_wait3A_1292 = tpu.memref_slice %arg10[%dma_wait3A_1291] : memref<16384xf32, #tpu.memory_space<vmem>> -> memref<1024xf32, #tpu.memory_space<vmem>>
          %dma_wait3A_1293 = arith.constant 0 : i32
          %dma_wait3A_1294 = tpu.memref_slice %arg4[%add3A_1290, %add3A_9, %dma_wait3A_1293] : memref<800x128x1024xf32, #tpu.memory_space<hbm>> -> memref<1x1x1024xf32, #tpu.memory_space<hbm>>
          %dma_wait3A_1295 = tpu.memref_squeeze %dma_wait3A_1294 : memref<1x1x1024xf32, #tpu.memory_space<hbm>> -> memref<1024xf32, #tpu.memory_space<hbm>>
          %dma_wait3A_1296 = arith.constant 0 : i32
          %dma_wait3A_1297 = tpu.memref_slice %arg4[%add3A_1290, %add3A_9, %dma_wait3A_1296] : memref<800x128x1024xf32, #tpu.memory_space<hbm>> -> memref<1x1x1024xf32, #tpu.memory_space<hbm>>
          %dma_wait3A_1298 = tpu.memref_squeeze %dma_wait3A_1297 : memref<1x1x1024xf32, #tpu.memory_space<hbm>> -> memref<1024xf32, #tpu.memory_space<hbm>>
          %dma_wait3A_1299 = arith.constant 13312 : i32
          %dma_wait3A_1300 = tpu.memref_slice %arg10[%dma_wait3A_1299] : memref<16384xf32, #tpu.memory_space<vmem>> -> memref<1024xf32, #tpu.memory_space<vmem>>
          tpu.wait_dma2 semaphore(%arg12 : memref<!tpu.dma_semaphore, #tpu.memory_space<semaphore_mem>>) src(%dma_wait3A_1300 : memref<1024xf32, #tpu.memory_space<vmem>>) dst(%dma_wait3A_1298 : memref<1024xf32, #tpu.memory_space<hbm>>)
          %mul3A_1301 = arith.constant 4 : i32
          %mul3A_1302 = arith.muli %sub3A_1076, %mul3A_1301 : i32
          %mul3A_1303 = arith.constant 4 : i32
          %mul3A_1304 = arith.muli %mul3A_1302, %mul3A_1303 : i32
          %add3A_1305 = arith.constant 14 : i32
          %add3A_1306 = arith.addi %mul3A_1304, %add3A_1305 : i32
          %dma_wait3A_1307 = arith.constant 14336 : i32
          %dma_wait3A_1308 = tpu.memref_slice %arg10[%dma_wait3A_1307] : memref<16384xf32, #tpu.memory_space<vmem>> -> memref<1024xf32, #tpu.memory_space<vmem>>
          %dma_wait3A_1309 = arith.constant 0 : i32
          %dma_wait3A_1310 = tpu.memref_slice %arg4[%add3A_1306, %add3A_9, %dma_wait3A_1309] : memref<800x128x1024xf32, #tpu.memory_space<hbm>> -> memref<1x1x1024xf32, #tpu.memory_space<hbm>>
          %dma_wait3A_1311 = tpu.memref_squeeze %dma_wait3A_1310 : memref<1x1x1024xf32, #tpu.memory_space<hbm>> -> memref<1024xf32, #tpu.memory_space<hbm>>
          %dma_wait3A_1312 = arith.constant 0 : i32
          %dma_wait3A_1313 = tpu.memref_slice %arg4[%add3A_1306, %add3A_9, %dma_wait3A_1312] : memref<800x128x1024xf32, #tpu.memory_space<hbm>> -> memref<1x1x1024xf32, #tpu.memory_space<hbm>>
          %dma_wait3A_1314 = tpu.memref_squeeze %dma_wait3A_1313 : memref<1x1x1024xf32, #tpu.memory_space<hbm>> -> memref<1024xf32, #tpu.memory_space<hbm>>
          %dma_wait3A_1315 = arith.constant 14336 : i32
          %dma_wait3A_1316 = tpu.memref_slice %arg10[%dma_wait3A_1315] : memref<16384xf32, #tpu.memory_space<vmem>> -> memref<1024xf32, #tpu.memory_space<vmem>>
          tpu.wait_dma2 semaphore(%arg12 : memref<!tpu.dma_semaphore, #tpu.memory_space<semaphore_mem>>) src(%dma_wait3A_1316 : memref<1024xf32, #tpu.memory_space<vmem>>) dst(%dma_wait3A_1314 : memref<1024xf32, #tpu.memory_space<hbm>>)
          %mul3A_1317 = arith.constant 4 : i32
          %mul3A_1318 = arith.muli %sub3A_1076, %mul3A_1317 : i32
          %mul3A_1319 = arith.constant 4 : i32
          %mul3A_1320 = arith.muli %mul3A_1318, %mul3A_1319 : i32
          %add3A_1321 = arith.constant 15 : i32
          %add3A_1322 = arith.addi %mul3A_1320, %add3A_1321 : i32
          %dma_wait3A_1323 = arith.constant 15360 : i32
          %dma_wait3A_1324 = tpu.memref_slice %arg10[%dma_wait3A_1323] : memref<16384xf32, #tpu.memory_space<vmem>> -> memref<1024xf32, #tpu.memory_space<vmem>>
          %dma_wait3A_1325 = arith.constant 0 : i32
          %dma_wait3A_1326 = tpu.memref_slice %arg4[%add3A_1322, %add3A_9, %dma_wait3A_1325] : memref<800x128x1024xf32, #tpu.memory_space<hbm>> -> memref<1x1x1024xf32, #tpu.memory_space<hbm>>
          %dma_wait3A_1327 = tpu.memref_squeeze %dma_wait3A_1326 : memref<1x1x1024xf32, #tpu.memory_space<hbm>> -> memref<1024xf32, #tpu.memory_space<hbm>>
          %dma_wait3A_1328 = arith.constant 0 : i32
          %dma_wait3A_1329 = tpu.memref_slice %arg4[%add3A_1322, %add3A_9, %dma_wait3A_1328] : memref<800x128x1024xf32, #tpu.memory_space<hbm>> -> memref<1x1x1024xf32, #tpu.memory_space<hbm>>
          %dma_wait3A_1330 = tpu.memref_squeeze %dma_wait3A_1329 : memref<1x1x1024xf32, #tpu.memory_space<hbm>> -> memref<1024xf32, #tpu.memory_space<hbm>>
          %dma_wait3A_1331 = arith.constant 15360 : i32
          %dma_wait3A_1332 = tpu.memref_slice %arg10[%dma_wait3A_1331] : memref<16384xf32, #tpu.memory_space<vmem>> -> memref<1024xf32, #tpu.memory_space<vmem>>
          tpu.wait_dma2 semaphore(%arg12 : memref<!tpu.dma_semaphore, #tpu.memory_space<semaphore_mem>>) src(%dma_wait3A_1332 : memref<1024xf32, #tpu.memory_space<vmem>>) dst(%dma_wait3A_1330 : memref<1024xf32, #tpu.memory_space<hbm>>)
        } else {
        }
        %scan3A_814 = arith.constant 0 : i32
        %scan3A_815 = arith.constant 0 : i32
        %scan3A_816 = arith.constant 4 : i32
        %scan3A_817 = arith.addi %scan3A_815, %scan3A_816 : i32
        %scan3A_818 = arith.constant 1 : i32
        scf.for %scan3A_1076 = %scan3A_815 to %scan3A_817 step %scan3A_818  : i32 {
          %mul3A_1077 = arith.constant 128 : i32
          %mul3A_1078 = arith.muli %scan3A_1076, %mul3A_1077 : i32
          %add3A_1079 = vector.broadcast %mul3A_1078 : i32 to vector<16xi32>
          %add3A_1080 = arith.addi %iota3A, %add3A_1079 : vector<16xi32>
          %mul3A_1081 = arith.constant 4 : i32
          %mul3A_1082 = arith.muli %scan3A_1076, %mul3A_1081 : i32
          %shift_right_arithmetic3A = arith.constant 3 : i32
          %shift_right_arithmetic3A_1083 = vector.broadcast %shift_right_arithmetic3A : i32 to vector<16xi32>
          %shift_right_arithmetic3A_1084 = arith.shrsi %iota3A, %shift_right_arithmetic3A_1083 : vector<16xi32>
          %add3A_1085 = vector.broadcast %mul3A_1082 : i32 to vector<16xi32>
          %add3A_1086 = arith.addi %add3A_1085, %shift_right_arithmetic3A_1084 : vector<16xi32>
          %shift_left3A = arith.constant 10 : i32
          %shift_left3A_1087 = vector.broadcast %shift_left3A : i32 to vector<16xi32>
          %shift_left3A_1088 = arith.shli %add3A_1086, %shift_left3A_1087 : vector<16xi32>
          %and3A = arith.constant 7 : i32
          %and3A_1089 = vector.broadcast %and3A : i32 to vector<16xi32>
          %and3A_1090 = arith.andi %iota3A, %and3A_1089 : vector<16xi32>
          %shift_left3A_1091 = arith.constant 7 : i32
          %shift_left3A_1092 = vector.broadcast %shift_left3A_1091 : i32 to vector<16xi32>
          %shift_left3A_1093 = arith.shli %and3A_1090, %shift_left3A_1092 : vector<16xi32>
          %add3A_1094 = arith.addi %shift_left3A_1088, %shift_left3A_1093 : vector<16xi32>
          %add3A_1095 = arith.addi %add3A_1094, %iota3A : vector<16xi32>
          %and3A_1096 = arith.constant 31 : i32
          %and3A_1097 = vector.broadcast %and3A_1096 : i32 to vector<16xi32>
          %and3A_1098 = arith.andi %iota3A, %and3A_1097 : vector<16xi32>
          %scan3A_1099 = arith.constant 0 : i32
          %scan3A_1100 = arith.constant 16 : i32
          %scan3A_1101 = arith.addi %scan3A_1099, %scan3A_1100 : i32
          %scan3A_1102 = arith.constant 1 : i32
          %scan3A_1103:2 = scf.for %scan3A_1105 = %scan3A_1099 to %scan3A_1101 step %scan3A_1102 iter_args(%scan3A_1106 = %and3A_1098, %scan3A_1107 = %add3A_1095) -> (vector<16xi32>, vector<16xi32>)  : i32 {
            %add3A_1108 = arith.constant 0 : i32
            %add3A_1109 = vector.broadcast %add3A_1108 : i32 to vector<16xi32>
            %add3A_1110 = arith.addi %add3A_1080, %add3A_1109 : vector<16xi32>
            %gather3A = tpu.vector_load_idx %arg8[%add3A_1110, %scan3A_1106] : memref<512x32xf32, #tpu.memory_space<vmem>>[vector<16xi32>, vector<16xi32>], vector<16xf32>,
            %add3A_1111 = arith.constant 0 : i32
            %add3A_1112 = vector.broadcast %add3A_1111 : i32 to vector<16xi32>
            %add3A_1113 = arith.addi %scan3A_1107, %add3A_1112 : vector<16xi32>
            tpu.vector_store_idx %arg10[%add3A_1113], %gather3A : memref<16384xf32, #tpu.memory_space<vmem>>[vector<16xi32>], vector<16xf32>,
            %add3A_1114 = arith.constant 16 : i32
            %add3A_1115 = vector.broadcast %add3A_1114 : i32 to vector<16xi32>
            %add3A_1116 = arith.addi %add3A_1080, %add3A_1115 : vector<16xi32>
            %gather3A_1117 = tpu.vector_load_idx %arg8[%add3A_1116, %scan3A_1106] : memref<512x32xf32, #tpu.memory_space<vmem>>[vector<16xi32>, vector<16xi32>], vector<16xf32>,
            %add3A_1118 = arith.constant 16 : i32
            %add3A_1119 = vector.broadcast %add3A_1118 : i32 to vector<16xi32>
            %add3A_1120 = arith.addi %scan3A_1107, %add3A_1119 : vector<16xi32>
            tpu.vector_store_idx %arg10[%add3A_1120], %gather3A_1117 : memref<16384xf32, #tpu.memory_space<vmem>>[vector<16xi32>], vector<16xf32>,
            %add3A_1121 = arith.constant 32 : i32
            %add3A_1122 = vector.broadcast %add3A_1121 : i32 to vector<16xi32>
            %add3A_1123 = arith.addi %add3A_1080, %add3A_1122 : vector<16xi32>
            %gather3A_1124 = tpu.vector_load_idx %arg8[%add3A_1123, %scan3A_1106] : memref<512x32xf32, #tpu.memory_space<vmem>>[vector<16xi32>, vector<16xi32>], vector<16xf32>,
            %add3A_1125 = arith.constant 32 : i32
            %add3A_1126 = vector.broadcast %add3A_1125 : i32 to vector<16xi32>
            %add3A_1127 = arith.addi %scan3A_1107, %add3A_1126 : vector<16xi32>
            tpu.vector_store_idx %arg10[%add3A_1127], %gather3A_1124 : memref<16384xf32, #tpu.memory_space<vmem>>[vector<16xi32>], vector<16xf32>,
            %add3A_1128 = arith.constant 48 : i32
            %add3A_1129 = vector.broadcast %add3A_1128 : i32 to vector<16xi32>
            %add3A_1130 = arith.addi %add3A_1080, %add3A_1129 : vector<16xi32>
            %gather3A_1131 = tpu.vector_load_idx %arg8[%add3A_1130, %scan3A_1106] : memref<512x32xf32, #tpu.memory_space<vmem>>[vector<16xi32>, vector<16xi32>], vector<16xf32>,
            %add3A_1132 = arith.constant 48 : i32
            %add3A_1133 = vector.broadcast %add3A_1132 : i32 to vector<16xi32>
            %add3A_1134 = arith.addi %scan3A_1107, %add3A_1133 : vector<16xi32>
            tpu.vector_store_idx %arg10[%add3A_1134], %gather3A_1131 : memref<16384xf32, #tpu.memory_space<vmem>>[vector<16xi32>], vector<16xf32>,
            %add3A_1135 = arith.constant 64 : i32
            %add3A_1136 = vector.broadcast %add3A_1135 : i32 to vector<16xi32>
            %add3A_1137 = arith.addi %add3A_1080, %add3A_1136 : vector<16xi32>
            %gather3A_1138 = tpu.vector_load_idx %arg8[%add3A_1137, %scan3A_1106] : memref<512x32xf32, #tpu.memory_space<vmem>>[vector<16xi32>, vector<16xi32>], vector<16xf32>,
            %add3A_1139 = arith.constant 64 : i32
            %add3A_1140 = vector.broadcast %add3A_1139 : i32 to vector<16xi32>
            %add3A_1141 = arith.addi %scan3A_1107, %add3A_1140 : vector<16xi32>
            tpu.vector_store_idx %arg10[%add3A_1141], %gather3A_1138 : memref<16384xf32, #tpu.memory_space<vmem>>[vector<16xi32>], vector<16xf32>,
            %add3A_1142 = arith.constant 80 : i32
            %add3A_1143 = vector.broadcast %add3A_1142 : i32 to vector<16xi32>
            %add3A_1144 = arith.addi %add3A_1080, %add3A_1143 : vector<16xi32>
            %gather3A_1145 = tpu.vector_load_idx %arg8[%add3A_1144, %scan3A_1106] : memref<512x32xf32, #tpu.memory_space<vmem>>[vector<16xi32>, vector<16xi32>], vector<16xf32>,
            %add3A_1146 = arith.constant 80 : i32
            %add3A_1147 = vector.broadcast %add3A_1146 : i32 to vector<16xi32>
            %add3A_1148 = arith.addi %scan3A_1107, %add3A_1147 : vector<16xi32>
            tpu.vector_store_idx %arg10[%add3A_1148], %gather3A_1145 : memref<16384xf32, #tpu.memory_space<vmem>>[vector<16xi32>], vector<16xf32>,
            %add3A_1149 = arith.constant 96 : i32
            %add3A_1150 = vector.broadcast %add3A_1149 : i32 to vector<16xi32>
            %add3A_1151 = arith.addi %add3A_1080, %add3A_1150 : vector<16xi32>
            %gather3A_1152 = tpu.vector_load_idx %arg8[%add3A_1151, %scan3A_1106] : memref<512x32xf32, #tpu.memory_space<vmem>>[vector<16xi32>, vector<16xi32>], vector<16xf32>,
            %add3A_1153 = arith.constant 96 : i32
            %add3A_1154 = vector.broadcast %add3A_1153 : i32 to vector<16xi32>
            %add3A_1155 = arith.addi %scan3A_1107, %add3A_1154 : vector<16xi32>
            tpu.vector_store_idx %arg10[%add3A_1155], %gather3A_1152 : memref<16384xf32, #tpu.memory_space<vmem>>[vector<16xi32>], vector<16xf32>,
            %add3A_1156 = arith.constant 112 : i32
            %add3A_1157 = vector.broadcast %add3A_1156 : i32 to vector<16xi32>
            %add3A_1158 = arith.addi %add3A_1080, %add3A_1157 : vector<16xi32>
            %gather3A_1159 = tpu.vector_load_idx %arg8[%add3A_1158, %scan3A_1106] : memref<512x32xf32, #tpu.memory_space<vmem>>[vector<16xi32>, vector<16xi32>], vector<16xf32>,
            %add3A_1160 = arith.constant 112 : i32
            %add3A_1161 = vector.broadcast %add3A_1160 : i32 to vector<16xi32>
            %add3A_1162 = arith.addi %scan3A_1107, %add3A_1161 : vector<16xi32>
            tpu.vector_store_idx %arg10[%add3A_1162], %gather3A_1159 : memref<16384xf32, #tpu.memory_space<vmem>>[vector<16xi32>], vector<16xf32>,
            %eq3A = arith.constant 31 : i32
            %eq3A_1163 = vector.broadcast %eq3A : i32 to vector<16xi32>
            %eq3A_1164 = arith.cmpi eq, %scan3A_1106, %eq3A_1163 : vector<16xi32>
            %jit3A = arith.constant -3968 : i32
            %jit3A_1165 = arith.constant 128 : i32
            %broadcast_in_dim3A = vector.broadcast %jit3A : i32 to vector<16xi32>
            %broadcast_in_dim3A_1166 = vector.broadcast %jit3A_1165 : i32 to vector<16xi32>
            %select_n3A = arith.select %eq3A_1164, %broadcast_in_dim3A, %broadcast_in_dim3A_1166 : vector<16xi1>, vector<16xi32>
            %add3A_1167 = arith.addi %scan3A_1107, %select_n3A : vector<16xi32>
            %add3A_1168 = arith.constant 1 : i32
            %add3A_1169 = vector.broadcast %add3A_1168 : i32 to vector<16xi32>
            %add3A_1170 = arith.addi %scan3A_1106, %add3A_1169 : vector<16xi32>
            %and3A_1171 = arith.constant 31 : i32
            %and3A_1172 = vector.broadcast %and3A_1171 : i32 to vector<16xi32>
            %and3A_1173 = arith.andi %add3A_1170, %and3A_1172 : vector<16xi32>
            %add3A_1174 = arith.constant 0 : i32
            %add3A_1175 = vector.broadcast %add3A_1174 : i32 to vector<16xi32>
            %add3A_1176 = arith.addi %add3A_1080, %add3A_1175 : vector<16xi32>
            %gather3A_1177 = tpu.vector_load_idx %arg8[%add3A_1176, %and3A_1173] : memref<512x32xf32, #tpu.memory_space<vmem>>[vector<16xi32>, vector<16xi32>], vector<16xf32>,
            %add3A_1178 = arith.constant 0 : i32
            %add3A_1179 = vector.broadcast %add3A_1178 : i32 to vector<16xi32>
            %add3A_1180 = arith.addi %add3A_1167, %add3A_1179 : vector<16xi32>
            tpu.vector_store_idx %arg10[%add3A_1180], %gather3A_1177 : memref<16384xf32, #tpu.memory_space<vmem>>[vector<16xi32>], vector<16xf32>,
            %add3A_1181 = arith.constant 16 : i32
            %add3A_1182 = vector.broadcast %add3A_1181 : i32 to vector<16xi32>
            %add3A_1183 = arith.addi %add3A_1080, %add3A_1182 : vector<16xi32>
            %gather3A_1184 = tpu.vector_load_idx %arg8[%add3A_1183, %and3A_1173] : memref<512x32xf32, #tpu.memory_space<vmem>>[vector<16xi32>, vector<16xi32>], vector<16xf32>,
            %add3A_1185 = arith.constant 16 : i32
            %add3A_1186 = vector.broadcast %add3A_1185 : i32 to vector<16xi32>
            %add3A_1187 = arith.addi %add3A_1167, %add3A_1186 : vector<16xi32>
            tpu.vector_store_idx %arg10[%add3A_1187], %gather3A_1184 : memref<16384xf32, #tpu.memory_space<vmem>>[vector<16xi32>], vector<16xf32>,
            %add3A_1188 = arith.constant 32 : i32
            %add3A_1189 = vector.broadcast %add3A_1188 : i32 to vector<16xi32>
            %add3A_1190 = arith.addi %add3A_1080, %add3A_1189 : vector<16xi32>
            %gather3A_1191 = tpu.vector_load_idx %arg8[%add3A_1190, %and3A_1173] : memref<512x32xf32, #tpu.memory_space<vmem>>[vector<16xi32>, vector<16xi32>], vector<16xf32>,
            %add3A_1192 = arith.constant 32 : i32
            %add3A_1193 = vector.broadcast %add3A_1192 : i32 to vector<16xi32>
            %add3A_1194 = arith.addi %add3A_1167, %add3A_1193 : vector<16xi32>
            tpu.vector_store_idx %arg10[%add3A_1194], %gather3A_1191 : memref<16384xf32, #tpu.memory_space<vmem>>[vector<16xi32>], vector<16xf32>,
            %add3A_1195 = arith.constant 48 : i32
            %add3A_1196 = vector.broadcast %add3A_1195 : i32 to vector<16xi32>
            %add3A_1197 = arith.addi %add3A_1080, %add3A_1196 : vector<16xi32>
            %gather3A_1198 = tpu.vector_load_idx %arg8[%add3A_1197, %and3A_1173] : memref<512x32xf32, #tpu.memory_space<vmem>>[vector<16xi32>, vector<16xi32>], vector<16xf32>,
            %add3A_1199 = arith.constant 48 : i32
            %add3A_1200 = vector.broadcast %add3A_1199 : i32 to vector<16xi32>
            %add3A_1201 = arith.addi %add3A_1167, %add3A_1200 : vector<16xi32>
            tpu.vector_store_idx %arg10[%add3A_1201], %gather3A_1198 : memref<16384xf32, #tpu.memory_space<vmem>>[vector<16xi32>], vector<16xf32>,
            %add3A_1202 = arith.constant 64 : i32
            %add3A_1203 = vector.broadcast %add3A_1202 : i32 to vector<16xi32>
            %add3A_1204 = arith.addi %add3A_1080, %add3A_1203 : vector<16xi32>
            %gather3A_1205 = tpu.vector_load_idx %arg8[%add3A_1204, %and3A_1173] : memref<512x32xf32, #tpu.memory_space<vmem>>[vector<16xi32>, vector<16xi32>], vector<16xf32>,
            %add3A_1206 = arith.constant 64 : i32
            %add3A_1207 = vector.broadcast %add3A_1206 : i32 to vector<16xi32>
            %add3A_1208 = arith.addi %add3A_1167, %add3A_1207 : vector<16xi32>
            tpu.vector_store_idx %arg10[%add3A_1208], %gather3A_1205 : memref<16384xf32, #tpu.memory_space<vmem>>[vector<16xi32>], vector<16xf32>,
            %add3A_1209 = arith.constant 80 : i32
            %add3A_1210 = vector.broadcast %add3A_1209 : i32 to vector<16xi32>
            %add3A_1211 = arith.addi %add3A_1080, %add3A_1210 : vector<16xi32>
            %gather3A_1212 = tpu.vector_load_idx %arg8[%add3A_1211, %and3A_1173] : memref<512x32xf32, #tpu.memory_space<vmem>>[vector<16xi32>, vector<16xi32>], vector<16xf32>,
            %add3A_1213 = arith.constant 80 : i32
            %add3A_1214 = vector.broadcast %add3A_1213 : i32 to vector<16xi32>
            %add3A_1215 = arith.addi %add3A_1167, %add3A_1214 : vector<16xi32>
            tpu.vector_store_idx %arg10[%add3A_1215], %gather3A_1212 : memref<16384xf32, #tpu.memory_space<vmem>>[vector<16xi32>], vector<16xf32>,
            %add3A_1216 = arith.constant 96 : i32
            %add3A_1217 = vector.broadcast %add3A_1216 : i32 to vector<16xi32>
            %add3A_1218 = arith.addi %add3A_1080, %add3A_1217 : vector<16xi32>
            %gather3A_1219 = tpu.vector_load_idx %arg8[%add3A_1218, %and3A_1173] : memref<512x32xf32, #tpu.memory_space<vmem>>[vector<16xi32>, vector<16xi32>], vector<16xf32>,
            %add3A_1220 = arith.constant 96 : i32
            %add3A_1221 = vector.broadcast %add3A_1220 : i32 to vector<16xi32>
            %add3A_1222 = arith.addi %add3A_1167, %add3A_1221 : vector<16xi32>
            tpu.vector_store_idx %arg10[%add3A_1222], %gather3A_1219 : memref<16384xf32, #tpu.memory_space<vmem>>[vector<16xi32>], vector<16xf32>,
            %add3A_1223 = arith.constant 112 : i32
            %add3A_1224 = vector.broadcast %add3A_1223 : i32 to vector<16xi32>
            %add3A_1225 = arith.addi %add3A_1080, %add3A_1224 : vector<16xi32>
            %gather3A_1226 = tpu.vector_load_idx %arg8[%add3A_1225, %and3A_1173] : memref<512x32xf32, #tpu.memory_space<vmem>>[vector<16xi32>, vector<16xi32>], vector<16xf32>,
            %add3A_1227 = arith.constant 112 : i32
            %add3A_1228 = vector.broadcast %add3A_1227 : i32 to vector<16xi32>
            %add3A_1229 = arith.addi %add3A_1167, %add3A_1228 : vector<16xi32>
            tpu.vector_store_idx %arg10[%add3A_1229], %gather3A_1226 : memref<16384xf32, #tpu.memory_space<vmem>>[vector<16xi32>], vector<16xf32>,
            %eq3A_1230 = arith.constant 31 : i32
            %eq3A_1231 = vector.broadcast %eq3A_1230 : i32 to vector<16xi32>
            %eq3A_1232 = arith.cmpi eq, %and3A_1173, %eq3A_1231 : vector<16xi32>
            %jit3A_1233 = arith.constant -3968 : i32
            %jit3A_1234 = arith.constant 128 : i32
            %broadcast_in_dim3A_1235 = vector.broadcast %jit3A_1233 : i32 to vector<16xi32>
            %broadcast_in_dim3A_1236 = vector.broadcast %jit3A_1234 : i32 to vector<16xi32>
            %select_n3A_1237 = arith.select %eq3A_1232, %broadcast_in_dim3A_1235, %broadcast_in_dim3A_1236 : vector<16xi1>, vector<16xi32>
            %add3A_1238 = arith.addi %add3A_1167, %select_n3A_1237 : vector<16xi32>
            %add3A_1239 = arith.constant 1 : i32
            %add3A_1240 = vector.broadcast %add3A_1239 : i32 to vector<16xi32>
            %add3A_1241 = arith.addi %and3A_1173, %add3A_1240 : vector<16xi32>
            %and3A_1242 = arith.constant 31 : i32
            %and3A_1243 = vector.broadcast %and3A_1242 : i32 to vector<16xi32>
            %and3A_1244 = arith.andi %add3A_1241, %and3A_1243 : vector<16xi32>
            scf.yield %and3A_1244, %add3A_1238 : vector<16xi32>, vector<16xi32>
          }
          %scan3A_1104 = arith.constant 16 : i32
        }
        %scan3A_819 = arith.constant 4 : i32
        %mul3A_820 = arith.constant 4 : i32
        %mul3A_821 = arith.muli %add3A_414, %mul3A_820 : i32
        %mul3A_822 = arith.constant 4 : i32
        %mul3A_823 = arith.muli %mul3A_821, %mul3A_822 : i32
        %add3A_824 = arith.constant 0 : i32
        %add3A_825 = arith.addi %mul3A_823, %add3A_824 : i32
        %dma_start3A_826 = arith.constant 0 : i32
        %dma_start3A_827 = tpu.memref_slice %arg10[%dma_start3A_826] : memref<16384xf32, #tpu.memory_space<vmem>> -> memref<1024xf32, #tpu.memory_space<vmem>>
        %dma_start3A_828 = arith.constant 0 : i32
        %dma_start3A_829 = tpu.memref_slice %arg4[%add3A_825, %add3A_9, %dma_start3A_828] : memref<800x128x1024xf32, #tpu.memory_space<hbm>> -> memref<1x1x1024xf32, #tpu.memory_space<hbm>>
        %dma_start3A_830 = tpu.memref_squeeze %dma_start3A_829 : memref<1x1x1024xf32, #tpu.memory_space<hbm>> -> memref<1024xf32, #tpu.memory_space<hbm>>
        %dma_start3A_831 = arith.constant 0 : i32
        %dma_start3A_832 = tpu.memref_slice %arg4[%add3A_825, %add3A_9, %dma_start3A_831] : memref<800x128x1024xf32, #tpu.memory_space<hbm>> -> memref<1x1x1024xf32, #tpu.memory_space<hbm>>
        %dma_start3A_833 = tpu.memref_squeeze %dma_start3A_832 : memref<1x1x1024xf32, #tpu.memory_space<hbm>> -> memref<1024xf32, #tpu.memory_space<hbm>>
        %dma_start3A_834 = arith.constant 0 : i32
        %dma_start3A_835 = tpu.memref_slice %arg10[%dma_start3A_834] : memref<16384xf32, #tpu.memory_space<vmem>> -> memref<1024xf32, #tpu.memory_space<vmem>>
        tpu.enqueue_dma source(%dma_start3A_835 : memref<1024xf32, #tpu.memory_space<vmem>>) target(%dma_start3A_833 : memref<1024xf32, #tpu.memory_space<hbm>>) target_semaphore(%arg12 : memref<!tpu.dma_semaphore, #tpu.memory_space<semaphore_mem>>)
        %mul3A_836 = arith.constant 4 : i32
        %mul3A_837 = arith.muli %add3A_414, %mul3A_836 : i32
        %mul3A_838 = arith.constant 4 : i32
        %mul3A_839 = arith.muli %mul3A_837, %mul3A_838 : i32
        %add3A_840 = arith.constant 1 : i32
        %add3A_841 = arith.addi %mul3A_839, %add3A_840 : i32
        %dma_start3A_842 = arith.constant 1024 : i32
        %dma_start3A_843 = tpu.memref_slice %arg10[%dma_start3A_842] : memref<16384xf32, #tpu.memory_space<vmem>> -> memref<1024xf32, #tpu.memory_space<vmem>>
        %dma_start3A_844 = arith.constant 0 : i32
        %dma_start3A_845 = tpu.memref_slice %arg4[%add3A_841, %add3A_9, %dma_start3A_844] : memref<800x128x1024xf32, #tpu.memory_space<hbm>> -> memref<1x1x1024xf32, #tpu.memory_space<hbm>>
        %dma_start3A_846 = tpu.memref_squeeze %dma_start3A_845 : memref<1x1x1024xf32, #tpu.memory_space<hbm>> -> memref<1024xf32, #tpu.memory_space<hbm>>
        %dma_start3A_847 = arith.constant 0 : i32
        %dma_start3A_848 = tpu.memref_slice %arg4[%add3A_841, %add3A_9, %dma_start3A_847] : memref<800x128x1024xf32, #tpu.memory_space<hbm>> -> memref<1x1x1024xf32, #tpu.memory_space<hbm>>
        %dma_start3A_849 = tpu.memref_squeeze %dma_start3A_848 : memref<1x1x1024xf32, #tpu.memory_space<hbm>> -> memref<1024xf32, #tpu.memory_space<hbm>>
        %dma_start3A_850 = arith.constant 1024 : i32
        %dma_start3A_851 = tpu.memref_slice %arg10[%dma_start3A_850] : memref<16384xf32, #tpu.memory_space<vmem>> -> memref<1024xf32, #tpu.memory_space<vmem>>
        tpu.enqueue_dma source(%dma_start3A_851 : memref<1024xf32, #tpu.memory_space<vmem>>) target(%dma_start3A_849 : memref<1024xf32, #tpu.memory_space<hbm>>) target_semaphore(%arg12 : memref<!tpu.dma_semaphore, #tpu.memory_space<semaphore_mem>>)
        %mul3A_852 = arith.constant 4 : i32
        %mul3A_853 = arith.muli %add3A_414, %mul3A_852 : i32
        %mul3A_854 = arith.constant 4 : i32
        %mul3A_855 = arith.muli %mul3A_853, %mul3A_854 : i32
        %add3A_856 = arith.constant 2 : i32
        %add3A_857 = arith.addi %mul3A_855, %add3A_856 : i32
        %dma_start3A_858 = arith.constant 2048 : i32
        %dma_start3A_859 = tpu.memref_slice %arg10[%dma_start3A_858] : memref<16384xf32, #tpu.memory_space<vmem>> -> memref<1024xf32, #tpu.memory_space<vmem>>
        %dma_start3A_860 = arith.constant 0 : i32
        %dma_start3A_861 = tpu.memref_slice %arg4[%add3A_857, %add3A_9, %dma_start3A_860] : memref<800x128x1024xf32, #tpu.memory_space<hbm>> -> memref<1x1x1024xf32, #tpu.memory_space<hbm>>
        %dma_start3A_862 = tpu.memref_squeeze %dma_start3A_861 : memref<1x1x1024xf32, #tpu.memory_space<hbm>> -> memref<1024xf32, #tpu.memory_space<hbm>>
        %dma_start3A_863 = arith.constant 0 : i32
        %dma_start3A_864 = tpu.memref_slice %arg4[%add3A_857, %add3A_9, %dma_start3A_863] : memref<800x128x1024xf32, #tpu.memory_space<hbm>> -> memref<1x1x1024xf32, #tpu.memory_space<hbm>>
        %dma_start3A_865 = tpu.memref_squeeze %dma_start3A_864 : memref<1x1x1024xf32, #tpu.memory_space<hbm>> -> memref<1024xf32, #tpu.memory_space<hbm>>
        %dma_start3A_866 = arith.constant 2048 : i32
        %dma_start3A_867 = tpu.memref_slice %arg10[%dma_start3A_866] : memref<16384xf32, #tpu.memory_space<vmem>> -> memref<1024xf32, #tpu.memory_space<vmem>>
        tpu.enqueue_dma source(%dma_start3A_867 : memref<1024xf32, #tpu.memory_space<vmem>>) target(%dma_start3A_865 : memref<1024xf32, #tpu.memory_space<hbm>>) target_semaphore(%arg12 : memref<!tpu.dma_semaphore, #tpu.memory_space<semaphore_mem>>)
        %mul3A_868 = arith.constant 4 : i32
        %mul3A_869 = arith.muli %add3A_414, %mul3A_868 : i32
        %mul3A_870 = arith.constant 4 : i32
        %mul3A_871 = arith.muli %mul3A_869, %mul3A_870 : i32
        %add3A_872 = arith.constant 3 : i32
        %add3A_873 = arith.addi %mul3A_871, %add3A_872 : i32
        %dma_start3A_874 = arith.constant 3072 : i32
        %dma_start3A_875 = tpu.memref_slice %arg10[%dma_start3A_874] : memref<16384xf32, #tpu.memory_space<vmem>> -> memref<1024xf32, #tpu.memory_space<vmem>>
        %dma_start3A_876 = arith.constant 0 : i32
        %dma_start3A_877 = tpu.memref_slice %arg4[%add3A_873, %add3A_9, %dma_start3A_876] : memref<800x128x1024xf32, #tpu.memory_space<hbm>> -> memref<1x1x1024xf32, #tpu.memory_space<hbm>>
        %dma_start3A_878 = tpu.memref_squeeze %dma_start3A_877 : memref<1x1x1024xf32, #tpu.memory_space<hbm>> -> memref<1024xf32, #tpu.memory_space<hbm>>
        %dma_start3A_879 = arith.constant 0 : i32
        %dma_start3A_880 = tpu.memref_slice %arg4[%add3A_873, %add3A_9, %dma_start3A_879] : memref<800x128x1024xf32, #tpu.memory_space<hbm>> -> memref<1x1x1024xf32, #tpu.memory_space<hbm>>
        %dma_start3A_881 = tpu.memref_squeeze %dma_start3A_880 : memref<1x1x1024xf32, #tpu.memory_space<hbm>> -> memref<1024xf32, #tpu.memory_space<hbm>>
        %dma_start3A_882 = arith.constant 3072 : i32
        %dma_start3A_883 = tpu.memref_slice %arg10[%dma_start3A_882] : memref<16384xf32, #tpu.memory_space<vmem>> -> memref<1024xf32, #tpu.memory_space<vmem>>
        tpu.enqueue_dma source(%dma_start3A_883 : memref<1024xf32, #tpu.memory_space<vmem>>) target(%dma_start3A_881 : memref<1024xf32, #tpu.memory_space<hbm>>) target_semaphore(%arg12 : memref<!tpu.dma_semaphore, #tpu.memory_space<semaphore_mem>>)
        %mul3A_884 = arith.constant 4 : i32
        %mul3A_885 = arith.muli %add3A_414, %mul3A_884 : i32
        %mul3A_886 = arith.constant 4 : i32
        %mul3A_887 = arith.muli %mul3A_885, %mul3A_886 : i32
        %add3A_888 = arith.constant 4 : i32
        %add3A_889 = arith.addi %mul3A_887, %add3A_888 : i32
        %dma_start3A_890 = arith.constant 4096 : i32
        %dma_start3A_891 = tpu.memref_slice %arg10[%dma_start3A_890] : memref<16384xf32, #tpu.memory_space<vmem>> -> memref<1024xf32, #tpu.memory_space<vmem>>
        %dma_start3A_892 = arith.constant 0 : i32
        %dma_start3A_893 = tpu.memref_slice %arg4[%add3A_889, %add3A_9, %dma_start3A_892] : memref<800x128x1024xf32, #tpu.memory_space<hbm>> -> memref<1x1x1024xf32, #tpu.memory_space<hbm>>
        %dma_start3A_894 = tpu.memref_squeeze %dma_start3A_893 : memref<1x1x1024xf32, #tpu.memory_space<hbm>> -> memref<1024xf32, #tpu.memory_space<hbm>>
        %dma_start3A_895 = arith.constant 0 : i32
        %dma_start3A_896 = tpu.memref_slice %arg4[%add3A_889, %add3A_9, %dma_start3A_895] : memref<800x128x1024xf32, #tpu.memory_space<hbm>> -> memref<1x1x1024xf32, #tpu.memory_space<hbm>>
        %dma_start3A_897 = tpu.memref_squeeze %dma_start3A_896 : memref<1x1x1024xf32, #tpu.memory_space<hbm>> -> memref<1024xf32, #tpu.memory_space<hbm>>
        %dma_start3A_898 = arith.constant 4096 : i32
        %dma_start3A_899 = tpu.memref_slice %arg10[%dma_start3A_898] : memref<16384xf32, #tpu.memory_space<vmem>> -> memref<1024xf32, #tpu.memory_space<vmem>>
        tpu.enqueue_dma source(%dma_start3A_899 : memref<1024xf32, #tpu.memory_space<vmem>>) target(%dma_start3A_897 : memref<1024xf32, #tpu.memory_space<hbm>>) target_semaphore(%arg12 : memref<!tpu.dma_semaphore, #tpu.memory_space<semaphore_mem>>)
        %mul3A_900 = arith.constant 4 : i32
        %mul3A_901 = arith.muli %add3A_414, %mul3A_900 : i32
        %mul3A_902 = arith.constant 4 : i32
        %mul3A_903 = arith.muli %mul3A_901, %mul3A_902 : i32
        %add3A_904 = arith.constant 5 : i32
        %add3A_905 = arith.addi %mul3A_903, %add3A_904 : i32
        %dma_start3A_906 = arith.constant 5120 : i32
        %dma_start3A_907 = tpu.memref_slice %arg10[%dma_start3A_906] : memref<16384xf32, #tpu.memory_space<vmem>> -> memref<1024xf32, #tpu.memory_space<vmem>>
        %dma_start3A_908 = arith.constant 0 : i32
        %dma_start3A_909 = tpu.memref_slice %arg4[%add3A_905, %add3A_9, %dma_start3A_908] : memref<800x128x1024xf32, #tpu.memory_space<hbm>> -> memref<1x1x1024xf32, #tpu.memory_space<hbm>>
        %dma_start3A_910 = tpu.memref_squeeze %dma_start3A_909 : memref<1x1x1024xf32, #tpu.memory_space<hbm>> -> memref<1024xf32, #tpu.memory_space<hbm>>
        %dma_start3A_911 = arith.constant 0 : i32
        %dma_start3A_912 = tpu.memref_slice %arg4[%add3A_905, %add3A_9, %dma_start3A_911] : memref<800x128x1024xf32, #tpu.memory_space<hbm>> -> memref<1x1x1024xf32, #tpu.memory_space<hbm>>
        %dma_start3A_913 = tpu.memref_squeeze %dma_start3A_912 : memref<1x1x1024xf32, #tpu.memory_space<hbm>> -> memref<1024xf32, #tpu.memory_space<hbm>>
        %dma_start3A_914 = arith.constant 5120 : i32
        %dma_start3A_915 = tpu.memref_slice %arg10[%dma_start3A_914] : memref<16384xf32, #tpu.memory_space<vmem>> -> memref<1024xf32, #tpu.memory_space<vmem>>
        tpu.enqueue_dma source(%dma_start3A_915 : memref<1024xf32, #tpu.memory_space<vmem>>) target(%dma_start3A_913 : memref<1024xf32, #tpu.memory_space<hbm>>) target_semaphore(%arg12 : memref<!tpu.dma_semaphore, #tpu.memory_space<semaphore_mem>>)
        %mul3A_916 = arith.constant 4 : i32
        %mul3A_917 = arith.muli %add3A_414, %mul3A_916 : i32
        %mul3A_918 = arith.constant 4 : i32
        %mul3A_919 = arith.muli %mul3A_917, %mul3A_918 : i32
        %add3A_920 = arith.constant 6 : i32
        %add3A_921 = arith.addi %mul3A_919, %add3A_920 : i32
        %dma_start3A_922 = arith.constant 6144 : i32
        %dma_start3A_923 = tpu.memref_slice %arg10[%dma_start3A_922] : memref<16384xf32, #tpu.memory_space<vmem>> -> memref<1024xf32, #tpu.memory_space<vmem>>
        %dma_start3A_924 = arith.constant 0 : i32
        %dma_start3A_925 = tpu.memref_slice %arg4[%add3A_921, %add3A_9, %dma_start3A_924] : memref<800x128x1024xf32, #tpu.memory_space<hbm>> -> memref<1x1x1024xf32, #tpu.memory_space<hbm>>
        %dma_start3A_926 = tpu.memref_squeeze %dma_start3A_925 : memref<1x1x1024xf32, #tpu.memory_space<hbm>> -> memref<1024xf32, #tpu.memory_space<hbm>>
        %dma_start3A_927 = arith.constant 0 : i32
        %dma_start3A_928 = tpu.memref_slice %arg4[%add3A_921, %add3A_9, %dma_start3A_927] : memref<800x128x1024xf32, #tpu.memory_space<hbm>> -> memref<1x1x1024xf32, #tpu.memory_space<hbm>>
        %dma_start3A_929 = tpu.memref_squeeze %dma_start3A_928 : memref<1x1x1024xf32, #tpu.memory_space<hbm>> -> memref<1024xf32, #tpu.memory_space<hbm>>
        %dma_start3A_930 = arith.constant 6144 : i32
        %dma_start3A_931 = tpu.memref_slice %arg10[%dma_start3A_930] : memref<16384xf32, #tpu.memory_space<vmem>> -> memref<1024xf32, #tpu.memory_space<vmem>>
        tpu.enqueue_dma source(%dma_start3A_931 : memref<1024xf32, #tpu.memory_space<vmem>>) target(%dma_start3A_929 : memref<1024xf32, #tpu.memory_space<hbm>>) target_semaphore(%arg12 : memref<!tpu.dma_semaphore, #tpu.memory_space<semaphore_mem>>)
        %mul3A_932 = arith.constant 4 : i32
        %mul3A_933 = arith.muli %add3A_414, %mul3A_932 : i32
        %mul3A_934 = arith.constant 4 : i32
        %mul3A_935 = arith.muli %mul3A_933, %mul3A_934 : i32
        %add3A_936 = arith.constant 7 : i32
        %add3A_937 = arith.addi %mul3A_935, %add3A_936 : i32
        %dma_start3A_938 = arith.constant 7168 : i32
        %dma_start3A_939 = tpu.memref_slice %arg10[%dma_start3A_938] : memref<16384xf32, #tpu.memory_space<vmem>> -> memref<1024xf32, #tpu.memory_space<vmem>>
        %dma_start3A_940 = arith.constant 0 : i32
        %dma_start3A_941 = tpu.memref_slice %arg4[%add3A_937, %add3A_9, %dma_start3A_940] : memref<800x128x1024xf32, #tpu.memory_space<hbm>> -> memref<1x1x1024xf32, #tpu.memory_space<hbm>>
        %dma_start3A_942 = tpu.memref_squeeze %dma_start3A_941 : memref<1x1x1024xf32, #tpu.memory_space<hbm>> -> memref<1024xf32, #tpu.memory_space<hbm>>
        %dma_start3A_943 = arith.constant 0 : i32
        %dma_start3A_944 = tpu.memref_slice %arg4[%add3A_937, %add3A_9, %dma_start3A_943] : memref<800x128x1024xf32, #tpu.memory_space<hbm>> -> memref<1x1x1024xf32, #tpu.memory_space<hbm>>
        %dma_start3A_945 = tpu.memref_squeeze %dma_start3A_944 : memref<1x1x1024xf32, #tpu.memory_space<hbm>> -> memref<1024xf32, #tpu.memory_space<hbm>>
        %dma_start3A_946 = arith.constant 7168 : i32
        %dma_start3A_947 = tpu.memref_slice %arg10[%dma_start3A_946] : memref<16384xf32, #tpu.memory_space<vmem>> -> memref<1024xf32, #tpu.memory_space<vmem>>
        tpu.enqueue_dma source(%dma_start3A_947 : memref<1024xf32, #tpu.memory_space<vmem>>) target(%dma_start3A_945 : memref<1024xf32, #tpu.memory_space<hbm>>) target_semaphore(%arg12 : memref<!tpu.dma_semaphore, #tpu.memory_space<semaphore_mem>>)
        %mul3A_948 = arith.constant 4 : i32
        %mul3A_949 = arith.muli %add3A_414, %mul3A_948 : i32
        %mul3A_950 = arith.constant 4 : i32
        %mul3A_951 = arith.muli %mul3A_949, %mul3A_950 : i32
        %add3A_952 = arith.constant 8 : i32
        %add3A_953 = arith.addi %mul3A_951, %add3A_952 : i32
        %dma_start3A_954 = arith.constant 8192 : i32
        %dma_start3A_955 = tpu.memref_slice %arg10[%dma_start3A_954] : memref<16384xf32, #tpu.memory_space<vmem>> -> memref<1024xf32, #tpu.memory_space<vmem>>
        %dma_start3A_956 = arith.constant 0 : i32
        %dma_start3A_957 = tpu.memref_slice %arg4[%add3A_953, %add3A_9, %dma_start3A_956] : memref<800x128x1024xf32, #tpu.memory_space<hbm>> -> memref<1x1x1024xf32, #tpu.memory_space<hbm>>
        %dma_start3A_958 = tpu.memref_squeeze %dma_start3A_957 : memref<1x1x1024xf32, #tpu.memory_space<hbm>> -> memref<1024xf32, #tpu.memory_space<hbm>>
        %dma_start3A_959 = arith.constant 0 : i32
        %dma_start3A_960 = tpu.memref_slice %arg4[%add3A_953, %add3A_9, %dma_start3A_959] : memref<800x128x1024xf32, #tpu.memory_space<hbm>> -> memref<1x1x1024xf32, #tpu.memory_space<hbm>>
        %dma_start3A_961 = tpu.memref_squeeze %dma_start3A_960 : memref<1x1x1024xf32, #tpu.memory_space<hbm>> -> memref<1024xf32, #tpu.memory_space<hbm>>
        %dma_start3A_962 = arith.constant 8192 : i32
        %dma_start3A_963 = tpu.memref_slice %arg10[%dma_start3A_962] : memref<16384xf32, #tpu.memory_space<vmem>> -> memref<1024xf32, #tpu.memory_space<vmem>>
        tpu.enqueue_dma source(%dma_start3A_963 : memref<1024xf32, #tpu.memory_space<vmem>>) target(%dma_start3A_961 : memref<1024xf32, #tpu.memory_space<hbm>>) target_semaphore(%arg12 : memref<!tpu.dma_semaphore, #tpu.memory_space<semaphore_mem>>)
        %mul3A_964 = arith.constant 4 : i32
        %mul3A_965 = arith.muli %add3A_414, %mul3A_964 : i32
        %mul3A_966 = arith.constant 4 : i32
        %mul3A_967 = arith.muli %mul3A_965, %mul3A_966 : i32
        %add3A_968 = arith.constant 9 : i32
        %add3A_969 = arith.addi %mul3A_967, %add3A_968 : i32
        %dma_start3A_970 = arith.constant 9216 : i32
        %dma_start3A_971 = tpu.memref_slice %arg10[%dma_start3A_970] : memref<16384xf32, #tpu.memory_space<vmem>> -> memref<1024xf32, #tpu.memory_space<vmem>>
        %dma_start3A_972 = arith.constant 0 : i32
        %dma_start3A_973 = tpu.memref_slice %arg4[%add3A_969, %add3A_9, %dma_start3A_972] : memref<800x128x1024xf32, #tpu.memory_space<hbm>> -> memref<1x1x1024xf32, #tpu.memory_space<hbm>>
        %dma_start3A_974 = tpu.memref_squeeze %dma_start3A_973 : memref<1x1x1024xf32, #tpu.memory_space<hbm>> -> memref<1024xf32, #tpu.memory_space<hbm>>
        %dma_start3A_975 = arith.constant 0 : i32
        %dma_start3A_976 = tpu.memref_slice %arg4[%add3A_969, %add3A_9, %dma_start3A_975] : memref<800x128x1024xf32, #tpu.memory_space<hbm>> -> memref<1x1x1024xf32, #tpu.memory_space<hbm>>
        %dma_start3A_977 = tpu.memref_squeeze %dma_start3A_976 : memref<1x1x1024xf32, #tpu.memory_space<hbm>> -> memref<1024xf32, #tpu.memory_space<hbm>>
        %dma_start3A_978 = arith.constant 9216 : i32
        %dma_start3A_979 = tpu.memref_slice %arg10[%dma_start3A_978] : memref<16384xf32, #tpu.memory_space<vmem>> -> memref<1024xf32, #tpu.memory_space<vmem>>
        tpu.enqueue_dma source(%dma_start3A_979 : memref<1024xf32, #tpu.memory_space<vmem>>) target(%dma_start3A_977 : memref<1024xf32, #tpu.memory_space<hbm>>) target_semaphore(%arg12 : memref<!tpu.dma_semaphore, #tpu.memory_space<semaphore_mem>>)
        %mul3A_980 = arith.constant 4 : i32
        %mul3A_981 = arith.muli %add3A_414, %mul3A_980 : i32
        %mul3A_982 = arith.constant 4 : i32
        %mul3A_983 = arith.muli %mul3A_981, %mul3A_982 : i32
        %add3A_984 = arith.constant 10 : i32
        %add3A_985 = arith.addi %mul3A_983, %add3A_984 : i32
        %dma_start3A_986 = arith.constant 10240 : i32
        %dma_start3A_987 = tpu.memref_slice %arg10[%dma_start3A_986] : memref<16384xf32, #tpu.memory_space<vmem>> -> memref<1024xf32, #tpu.memory_space<vmem>>
        %dma_start3A_988 = arith.constant 0 : i32
        %dma_start3A_989 = tpu.memref_slice %arg4[%add3A_985, %add3A_9, %dma_start3A_988] : memref<800x128x1024xf32, #tpu.memory_space<hbm>> -> memref<1x1x1024xf32, #tpu.memory_space<hbm>>
        %dma_start3A_990 = tpu.memref_squeeze %dma_start3A_989 : memref<1x1x1024xf32, #tpu.memory_space<hbm>> -> memref<1024xf32, #tpu.memory_space<hbm>>
        %dma_start3A_991 = arith.constant 0 : i32
        %dma_start3A_992 = tpu.memref_slice %arg4[%add3A_985, %add3A_9, %dma_start3A_991] : memref<800x128x1024xf32, #tpu.memory_space<hbm>> -> memref<1x1x1024xf32, #tpu.memory_space<hbm>>
        %dma_start3A_993 = tpu.memref_squeeze %dma_start3A_992 : memref<1x1x1024xf32, #tpu.memory_space<hbm>> -> memref<1024xf32, #tpu.memory_space<hbm>>
        %dma_start3A_994 = arith.constant 10240 : i32
        %dma_start3A_995 = tpu.memref_slice %arg10[%dma_start3A_994] : memref<16384xf32, #tpu.memory_space<vmem>> -> memref<1024xf32, #tpu.memory_space<vmem>>
        tpu.enqueue_dma source(%dma_start3A_995 : memref<1024xf32, #tpu.memory_space<vmem>>) target(%dma_start3A_993 : memref<1024xf32, #tpu.memory_space<hbm>>) target_semaphore(%arg12 : memref<!tpu.dma_semaphore, #tpu.memory_space<semaphore_mem>>)
        %mul3A_996 = arith.constant 4 : i32
        %mul3A_997 = arith.muli %add3A_414, %mul3A_996 : i32
        %mul3A_998 = arith.constant 4 : i32
        %mul3A_999 = arith.muli %mul3A_997, %mul3A_998 : i32
        %add3A_1000 = arith.constant 11 : i32
        %add3A_1001 = arith.addi %mul3A_999, %add3A_1000 : i32
        %dma_start3A_1002 = arith.constant 11264 : i32
        %dma_start3A_1003 = tpu.memref_slice %arg10[%dma_start3A_1002] : memref<16384xf32, #tpu.memory_space<vmem>> -> memref<1024xf32, #tpu.memory_space<vmem>>
        %dma_start3A_1004 = arith.constant 0 : i32
        %dma_start3A_1005 = tpu.memref_slice %arg4[%add3A_1001, %add3A_9, %dma_start3A_1004] : memref<800x128x1024xf32, #tpu.memory_space<hbm>> -> memref<1x1x1024xf32, #tpu.memory_space<hbm>>
        %dma_start3A_1006 = tpu.memref_squeeze %dma_start3A_1005 : memref<1x1x1024xf32, #tpu.memory_space<hbm>> -> memref<1024xf32, #tpu.memory_space<hbm>>
        %dma_start3A_1007 = arith.constant 0 : i32
        %dma_start3A_1008 = tpu.memref_slice %arg4[%add3A_1001, %add3A_9, %dma_start3A_1007] : memref<800x128x1024xf32, #tpu.memory_space<hbm>> -> memref<1x1x1024xf32, #tpu.memory_space<hbm>>
        %dma_start3A_1009 = tpu.memref_squeeze %dma_start3A_1008 : memref<1x1x1024xf32, #tpu.memory_space<hbm>> -> memref<1024xf32, #tpu.memory_space<hbm>>
        %dma_start3A_1010 = arith.constant 11264 : i32
        %dma_start3A_1011 = tpu.memref_slice %arg10[%dma_start3A_1010] : memref<16384xf32, #tpu.memory_space<vmem>> -> memref<1024xf32, #tpu.memory_space<vmem>>
        tpu.enqueue_dma source(%dma_start3A_1011 : memref<1024xf32, #tpu.memory_space<vmem>>) target(%dma_start3A_1009 : memref<1024xf32, #tpu.memory_space<hbm>>) target_semaphore(%arg12 : memref<!tpu.dma_semaphore, #tpu.memory_space<semaphore_mem>>)
        %mul3A_1012 = arith.constant 4 : i32
        %mul3A_1013 = arith.muli %add3A_414, %mul3A_1012 : i32
        %mul3A_1014 = arith.constant 4 : i32
        %mul3A_1015 = arith.muli %mul3A_1013, %mul3A_1014 : i32
        %add3A_1016 = arith.constant 12 : i32
        %add3A_1017 = arith.addi %mul3A_1015, %add3A_1016 : i32
        %dma_start3A_1018 = arith.constant 12288 : i32
        %dma_start3A_1019 = tpu.memref_slice %arg10[%dma_start3A_1018] : memref<16384xf32, #tpu.memory_space<vmem>> -> memref<1024xf32, #tpu.memory_space<vmem>>
        %dma_start3A_1020 = arith.constant 0 : i32
        %dma_start3A_1021 = tpu.memref_slice %arg4[%add3A_1017, %add3A_9, %dma_start3A_1020] : memref<800x128x1024xf32, #tpu.memory_space<hbm>> -> memref<1x1x1024xf32, #tpu.memory_space<hbm>>
        %dma_start3A_1022 = tpu.memref_squeeze %dma_start3A_1021 : memref<1x1x1024xf32, #tpu.memory_space<hbm>> -> memref<1024xf32, #tpu.memory_space<hbm>>
        %dma_start3A_1023 = arith.constant 0 : i32
        %dma_start3A_1024 = tpu.memref_slice %arg4[%add3A_1017, %add3A_9, %dma_start3A_1023] : memref<800x128x1024xf32, #tpu.memory_space<hbm>> -> memref<1x1x1024xf32, #tpu.memory_space<hbm>>
        %dma_start3A_1025 = tpu.memref_squeeze %dma_start3A_1024 : memref<1x1x1024xf32, #tpu.memory_space<hbm>> -> memref<1024xf32, #tpu.memory_space<hbm>>
        %dma_start3A_1026 = arith.constant 12288 : i32
        %dma_start3A_1027 = tpu.memref_slice %arg10[%dma_start3A_1026] : memref<16384xf32, #tpu.memory_space<vmem>> -> memref<1024xf32, #tpu.memory_space<vmem>>
        tpu.enqueue_dma source(%dma_start3A_1027 : memref<1024xf32, #tpu.memory_space<vmem>>) target(%dma_start3A_1025 : memref<1024xf32, #tpu.memory_space<hbm>>) target_semaphore(%arg12 : memref<!tpu.dma_semaphore, #tpu.memory_space<semaphore_mem>>)
        %mul3A_1028 = arith.constant 4 : i32
        %mul3A_1029 = arith.muli %add3A_414, %mul3A_1028 : i32
        %mul3A_1030 = arith.constant 4 : i32
        %mul3A_1031 = arith.muli %mul3A_1029, %mul3A_1030 : i32
        %add3A_1032 = arith.constant 13 : i32
        %add3A_1033 = arith.addi %mul3A_1031, %add3A_1032 : i32
        %dma_start3A_1034 = arith.constant 13312 : i32
        %dma_start3A_1035 = tpu.memref_slice %arg10[%dma_start3A_1034] : memref<16384xf32, #tpu.memory_space<vmem>> -> memref<1024xf32, #tpu.memory_space<vmem>>
        %dma_start3A_1036 = arith.constant 0 : i32
        %dma_start3A_1037 = tpu.memref_slice %arg4[%add3A_1033, %add3A_9, %dma_start3A_1036] : memref<800x128x1024xf32, #tpu.memory_space<hbm>> -> memref<1x1x1024xf32, #tpu.memory_space<hbm>>
        %dma_start3A_1038 = tpu.memref_squeeze %dma_start3A_1037 : memref<1x1x1024xf32, #tpu.memory_space<hbm>> -> memref<1024xf32, #tpu.memory_space<hbm>>
        %dma_start3A_1039 = arith.constant 0 : i32
        %dma_start3A_1040 = tpu.memref_slice %arg4[%add3A_1033, %add3A_9, %dma_start3A_1039] : memref<800x128x1024xf32, #tpu.memory_space<hbm>> -> memref<1x1x1024xf32, #tpu.memory_space<hbm>>
        %dma_start3A_1041 = tpu.memref_squeeze %dma_start3A_1040 : memref<1x1x1024xf32, #tpu.memory_space<hbm>> -> memref<1024xf32, #tpu.memory_space<hbm>>
        %dma_start3A_1042 = arith.constant 13312 : i32
        %dma_start3A_1043 = tpu.memref_slice %arg10[%dma_start3A_1042] : memref<16384xf32, #tpu.memory_space<vmem>> -> memref<1024xf32, #tpu.memory_space<vmem>>
        tpu.enqueue_dma source(%dma_start3A_1043 : memref<1024xf32, #tpu.memory_space<vmem>>) target(%dma_start3A_1041 : memref<1024xf32, #tpu.memory_space<hbm>>) target_semaphore(%arg12 : memref<!tpu.dma_semaphore, #tpu.memory_space<semaphore_mem>>)
        %mul3A_1044 = arith.constant 4 : i32
        %mul3A_1045 = arith.muli %add3A_414, %mul3A_1044 : i32
        %mul3A_1046 = arith.constant 4 : i32
        %mul3A_1047 = arith.muli %mul3A_1045, %mul3A_1046 : i32
        %add3A_1048 = arith.constant 14 : i32
        %add3A_1049 = arith.addi %mul3A_1047, %add3A_1048 : i32
        %dma_start3A_1050 = arith.constant 14336 : i32
        %dma_start3A_1051 = tpu.memref_slice %arg10[%dma_start3A_1050] : memref<16384xf32, #tpu.memory_space<vmem>> -> memref<1024xf32, #tpu.memory_space<vmem>>
        %dma_start3A_1052 = arith.constant 0 : i32
        %dma_start3A_1053 = tpu.memref_slice %arg4[%add3A_1049, %add3A_9, %dma_start3A_1052] : memref<800x128x1024xf32, #tpu.memory_space<hbm>> -> memref<1x1x1024xf32, #tpu.memory_space<hbm>>
        %dma_start3A_1054 = tpu.memref_squeeze %dma_start3A_1053 : memref<1x1x1024xf32, #tpu.memory_space<hbm>> -> memref<1024xf32, #tpu.memory_space<hbm>>
        %dma_start3A_1055 = arith.constant 0 : i32
        %dma_start3A_1056 = tpu.memref_slice %arg4[%add3A_1049, %add3A_9, %dma_start3A_1055] : memref<800x128x1024xf32, #tpu.memory_space<hbm>> -> memref<1x1x1024xf32, #tpu.memory_space<hbm>>
        %dma_start3A_1057 = tpu.memref_squeeze %dma_start3A_1056 : memref<1x1x1024xf32, #tpu.memory_space<hbm>> -> memref<1024xf32, #tpu.memory_space<hbm>>
        %dma_start3A_1058 = arith.constant 14336 : i32
        %dma_start3A_1059 = tpu.memref_slice %arg10[%dma_start3A_1058] : memref<16384xf32, #tpu.memory_space<vmem>> -> memref<1024xf32, #tpu.memory_space<vmem>>
        tpu.enqueue_dma source(%dma_start3A_1059 : memref<1024xf32, #tpu.memory_space<vmem>>) target(%dma_start3A_1057 : memref<1024xf32, #tpu.memory_space<hbm>>) target_semaphore(%arg12 : memref<!tpu.dma_semaphore, #tpu.memory_space<semaphore_mem>>)
        %mul3A_1060 = arith.constant 4 : i32
        %mul3A_1061 = arith.muli %add3A_414, %mul3A_1060 : i32
        %mul3A_1062 = arith.constant 4 : i32
        %mul3A_1063 = arith.muli %mul3A_1061, %mul3A_1062 : i32
        %add3A_1064 = arith.constant 15 : i32
        %add3A_1065 = arith.addi %mul3A_1063, %add3A_1064 : i32
        %dma_start3A_1066 = arith.constant 15360 : i32
        %dma_start3A_1067 = tpu.memref_slice %arg10[%dma_start3A_1066] : memref<16384xf32, #tpu.memory_space<vmem>> -> memref<1024xf32, #tpu.memory_space<vmem>>
        %dma_start3A_1068 = arith.constant 0 : i32
        %dma_start3A_1069 = tpu.memref_slice %arg4[%add3A_1065, %add3A_9, %dma_start3A_1068] : memref<800x128x1024xf32, #tpu.memory_space<hbm>> -> memref<1x1x1024xf32, #tpu.memory_space<hbm>>
        %dma_start3A_1070 = tpu.memref_squeeze %dma_start3A_1069 : memref<1x1x1024xf32, #tpu.memory_space<hbm>> -> memref<1024xf32, #tpu.memory_space<hbm>>
        %dma_start3A_1071 = arith.constant 0 : i32
        %dma_start3A_1072 = tpu.memref_slice %arg4[%add3A_1065, %add3A_9, %dma_start3A_1071] : memref<800x128x1024xf32, #tpu.memory_space<hbm>> -> memref<1x1x1024xf32, #tpu.memory_space<hbm>>
        %dma_start3A_1073 = tpu.memref_squeeze %dma_start3A_1072 : memref<1x1x1024xf32, #tpu.memory_space<hbm>> -> memref<1024xf32, #tpu.memory_space<hbm>>
        %dma_start3A_1074 = arith.constant 15360 : i32
        %dma_start3A_1075 = tpu.memref_slice %arg10[%dma_start3A_1074] : memref<16384xf32, #tpu.memory_space<vmem>> -> memref<1024xf32, #tpu.memory_space<vmem>>
        tpu.enqueue_dma source(%dma_start3A_1075 : memref<1024xf32, #tpu.memory_space<vmem>>) target(%dma_start3A_1073 : memref<1024xf32, #tpu.memory_space<hbm>>) target_semaphore(%arg12 : memref<!tpu.dma_semaphore, #tpu.memory_space<semaphore_mem>>)
      }
      %scan3A_56 = arith.constant 25 : i32
      %dma_wait3A = arith.constant 768 : i32
      %dma_wait3A_57 = arith.constant 0 : i32
      %dma_wait3A_58 = tpu.memref_slice %arg9[%dma_wait3A_57] : memref<16384xf32, #tpu.memory_space<vmem>> -> memref<1024xf32, #tpu.memory_space<vmem>>
      %dma_wait3A_59 = arith.constant 0 : i32
      %dma_wait3A_60 = tpu.memref_slice %arg4[%dma_wait3A, %add3A_9, %dma_wait3A_59] : memref<800x128x1024xf32, #tpu.memory_space<hbm>> -> memref<1x1x1024xf32, #tpu.memory_space<hbm>>
      %dma_wait3A_61 = tpu.memref_squeeze %dma_wait3A_60 : memref<1x1x1024xf32, #tpu.memory_space<hbm>> -> memref<1024xf32, #tpu.memory_space<hbm>>
      %dma_wait3A_62 = arith.constant 0 : i32
      %dma_wait3A_63 = tpu.memref_slice %arg4[%dma_wait3A, %add3A_9, %dma_wait3A_62] : memref<800x128x1024xf32, #tpu.memory_space<hbm>> -> memref<1x1x1024xf32, #tpu.memory_space<hbm>>
      %dma_wait3A_64 = tpu.memref_squeeze %dma_wait3A_63 : memref<1x1x1024xf32, #tpu.memory_space<hbm>> -> memref<1024xf32, #tpu.memory_space<hbm>>
      %dma_wait3A_65 = arith.constant 0 : i32
      %dma_wait3A_66 = tpu.memref_slice %arg9[%dma_wait3A_65] : memref<16384xf32, #tpu.memory_space<vmem>> -> memref<1024xf32, #tpu.memory_space<vmem>>
      tpu.wait_dma2 semaphore(%arg12 : memref<!tpu.dma_semaphore, #tpu.memory_space<semaphore_mem>>) src(%dma_wait3A_66 : memref<1024xf32, #tpu.memory_space<vmem>>) dst(%dma_wait3A_64 : memref<1024xf32, #tpu.memory_space<hbm>>)
      %dma_wait3A_67 = arith.constant 769 : i32
      %dma_wait3A_68 = arith.constant 1024 : i32
      %dma_wait3A_69 = tpu.memref_slice %arg9[%dma_wait3A_68] : memref<16384xf32, #tpu.memory_space<vmem>> -> memref<1024xf32, #tpu.memory_space<vmem>>
      %dma_wait3A_70 = arith.constant 0 : i32
      %dma_wait3A_71 = tpu.memref_slice %arg4[%dma_wait3A_67, %add3A_9, %dma_wait3A_70] : memref<800x128x1024xf32, #tpu.memory_space<hbm>> -> memref<1x1x1024xf32, #tpu.memory_space<hbm>>
      %dma_wait3A_72 = tpu.memref_squeeze %dma_wait3A_71 : memref<1x1x1024xf32, #tpu.memory_space<hbm>> -> memref<1024xf32, #tpu.memory_space<hbm>>
      %dma_wait3A_73 = arith.constant 0 : i32
      %dma_wait3A_74 = tpu.memref_slice %arg4[%dma_wait3A_67, %add3A_9, %dma_wait3A_73] : memref<800x128x1024xf32, #tpu.memory_space<hbm>> -> memref<1x1x1024xf32, #tpu.memory_space<hbm>>
      %dma_wait3A_75 = tpu.memref_squeeze %dma_wait3A_74 : memref<1x1x1024xf32, #tpu.memory_space<hbm>> -> memref<1024xf32, #tpu.memory_space<hbm>>
      %dma_wait3A_76 = arith.constant 1024 : i32
      %dma_wait3A_77 = tpu.memref_slice %arg9[%dma_wait3A_76] : memref<16384xf32, #tpu.memory_space<vmem>> -> memref<1024xf32, #tpu.memory_space<vmem>>
      tpu.wait_dma2 semaphore(%arg12 : memref<!tpu.dma_semaphore, #tpu.memory_space<semaphore_mem>>) src(%dma_wait3A_77 : memref<1024xf32, #tpu.memory_space<vmem>>) dst(%dma_wait3A_75 : memref<1024xf32, #tpu.memory_space<hbm>>)
      %dma_wait3A_78 = arith.constant 770 : i32
      %dma_wait3A_79 = arith.constant 2048 : i32
      %dma_wait3A_80 = tpu.memref_slice %arg9[%dma_wait3A_79] : memref<16384xf32, #tpu.memory_space<vmem>> -> memref<1024xf32, #tpu.memory_space<vmem>>
      %dma_wait3A_81 = arith.constant 0 : i32
      %dma_wait3A_82 = tpu.memref_slice %arg4[%dma_wait3A_78, %add3A_9, %dma_wait3A_81] : memref<800x128x1024xf32, #tpu.memory_space<hbm>> -> memref<1x1x1024xf32, #tpu.memory_space<hbm>>
      %dma_wait3A_83 = tpu.memref_squeeze %dma_wait3A_82 : memref<1x1x1024xf32, #tpu.memory_space<hbm>> -> memref<1024xf32, #tpu.memory_space<hbm>>
      %dma_wait3A_84 = arith.constant 0 : i32
      %dma_wait3A_85 = tpu.memref_slice %arg4[%dma_wait3A_78, %add3A_9, %dma_wait3A_84] : memref<800x128x1024xf32, #tpu.memory_space<hbm>> -> memref<1x1x1024xf32, #tpu.memory_space<hbm>>
      %dma_wait3A_86 = tpu.memref_squeeze %dma_wait3A_85 : memref<1x1x1024xf32, #tpu.memory_space<hbm>> -> memref<1024xf32, #tpu.memory_space<hbm>>
      %dma_wait3A_87 = arith.constant 2048 : i32
      %dma_wait3A_88 = tpu.memref_slice %arg9[%dma_wait3A_87] : memref<16384xf32, #tpu.memory_space<vmem>> -> memref<1024xf32, #tpu.memory_space<vmem>>
      tpu.wait_dma2 semaphore(%arg12 : memref<!tpu.dma_semaphore, #tpu.memory_space<semaphore_mem>>) src(%dma_wait3A_88 : memref<1024xf32, #tpu.memory_space<vmem>>) dst(%dma_wait3A_86 : memref<1024xf32, #tpu.memory_space<hbm>>)
      %dma_wait3A_89 = arith.constant 771 : i32
      %dma_wait3A_90 = arith.constant 3072 : i32
      %dma_wait3A_91 = tpu.memref_slice %arg9[%dma_wait3A_90] : memref<16384xf32, #tpu.memory_space<vmem>> -> memref<1024xf32, #tpu.memory_space<vmem>>
      %dma_wait3A_92 = arith.constant 0 : i32
      %dma_wait3A_93 = tpu.memref_slice %arg4[%dma_wait3A_89, %add3A_9, %dma_wait3A_92] : memref<800x128x1024xf32, #tpu.memory_space<hbm>> -> memref<1x1x1024xf32, #tpu.memory_space<hbm>>
      %dma_wait3A_94 = tpu.memref_squeeze %dma_wait3A_93 : memref<1x1x1024xf32, #tpu.memory_space<hbm>> -> memref<1024xf32, #tpu.memory_space<hbm>>
      %dma_wait3A_95 = arith.constant 0 : i32
      %dma_wait3A_96 = tpu.memref_slice %arg4[%dma_wait3A_89, %add3A_9, %dma_wait3A_95] : memref<800x128x1024xf32, #tpu.memory_space<hbm>> -> memref<1x1x1024xf32, #tpu.memory_space<hbm>>
      %dma_wait3A_97 = tpu.memref_squeeze %dma_wait3A_96 : memref<1x1x1024xf32, #tpu.memory_space<hbm>> -> memref<1024xf32, #tpu.memory_space<hbm>>
      %dma_wait3A_98 = arith.constant 3072 : i32
      %dma_wait3A_99 = tpu.memref_slice %arg9[%dma_wait3A_98] : memref<16384xf32, #tpu.memory_space<vmem>> -> memref<1024xf32, #tpu.memory_space<vmem>>
      tpu.wait_dma2 semaphore(%arg12 : memref<!tpu.dma_semaphore, #tpu.memory_space<semaphore_mem>>) src(%dma_wait3A_99 : memref<1024xf32, #tpu.memory_space<vmem>>) dst(%dma_wait3A_97 : memref<1024xf32, #tpu.memory_space<hbm>>)
      %dma_wait3A_100 = arith.constant 772 : i32
      %dma_wait3A_101 = arith.constant 4096 : i32
      %dma_wait3A_102 = tpu.memref_slice %arg9[%dma_wait3A_101] : memref<16384xf32, #tpu.memory_space<vmem>> -> memref<1024xf32, #tpu.memory_space<vmem>>
      %dma_wait3A_103 = arith.constant 0 : i32
      %dma_wait3A_104 = tpu.memref_slice %arg4[%dma_wait3A_100, %add3A_9, %dma_wait3A_103] : memref<800x128x1024xf32, #tpu.memory_space<hbm>> -> memref<1x1x1024xf32, #tpu.memory_space<hbm>>
      %dma_wait3A_105 = tpu.memref_squeeze %dma_wait3A_104 : memref<1x1x1024xf32, #tpu.memory_space<hbm>> -> memref<1024xf32, #tpu.memory_space<hbm>>
      %dma_wait3A_106 = arith.constant 0 : i32
      %dma_wait3A_107 = tpu.memref_slice %arg4[%dma_wait3A_100, %add3A_9, %dma_wait3A_106] : memref<800x128x1024xf32, #tpu.memory_space<hbm>> -> memref<1x1x1024xf32, #tpu.memory_space<hbm>>
      %dma_wait3A_108 = tpu.memref_squeeze %dma_wait3A_107 : memref<1x1x1024xf32, #tpu.memory_space<hbm>> -> memref<1024xf32, #tpu.memory_space<hbm>>
      %dma_wait3A_109 = arith.constant 4096 : i32
      %dma_wait3A_110 = tpu.memref_slice %arg9[%dma_wait3A_109] : memref<16384xf32, #tpu.memory_space<vmem>> -> memref<1024xf32, #tpu.memory_space<vmem>>
      tpu.wait_dma2 semaphore(%arg12 : memref<!tpu.dma_semaphore, #tpu.memory_space<semaphore_mem>>) src(%dma_wait3A_110 : memref<1024xf32, #tpu.memory_space<vmem>>) dst(%dma_wait3A_108 : memref<1024xf32, #tpu.memory_space<hbm>>)
      %dma_wait3A_111 = arith.constant 773 : i32
      %dma_wait3A_112 = arith.constant 5120 : i32
      %dma_wait3A_113 = tpu.memref_slice %arg9[%dma_wait3A_112] : memref<16384xf32, #tpu.memory_space<vmem>> -> memref<1024xf32, #tpu.memory_space<vmem>>
      %dma_wait3A_114 = arith.constant 0 : i32
      %dma_wait3A_115 = tpu.memref_slice %arg4[%dma_wait3A_111, %add3A_9, %dma_wait3A_114] : memref<800x128x1024xf32, #tpu.memory_space<hbm>> -> memref<1x1x1024xf32, #tpu.memory_space<hbm>>
      %dma_wait3A_116 = tpu.memref_squeeze %dma_wait3A_115 : memref<1x1x1024xf32, #tpu.memory_space<hbm>> -> memref<1024xf32, #tpu.memory_space<hbm>>
      %dma_wait3A_117 = arith.constant 0 : i32
      %dma_wait3A_118 = tpu.memref_slice %arg4[%dma_wait3A_111, %add3A_9, %dma_wait3A_117] : memref<800x128x1024xf32, #tpu.memory_space<hbm>> -> memref<1x1x1024xf32, #tpu.memory_space<hbm>>
      %dma_wait3A_119 = tpu.memref_squeeze %dma_wait3A_118 : memref<1x1x1024xf32, #tpu.memory_space<hbm>> -> memref<1024xf32, #tpu.memory_space<hbm>>
      %dma_wait3A_120 = arith.constant 5120 : i32
      %dma_wait3A_121 = tpu.memref_slice %arg9[%dma_wait3A_120] : memref<16384xf32, #tpu.memory_space<vmem>> -> memref<1024xf32, #tpu.memory_space<vmem>>
      tpu.wait_dma2 semaphore(%arg12 : memref<!tpu.dma_semaphore, #tpu.memory_space<semaphore_mem>>) src(%dma_wait3A_121 : memref<1024xf32, #tpu.memory_space<vmem>>) dst(%dma_wait3A_119 : memref<1024xf32, #tpu.memory_space<hbm>>)
      %dma_wait3A_122 = arith.constant 774 : i32
      %dma_wait3A_123 = arith.constant 6144 : i32
      %dma_wait3A_124 = tpu.memref_slice %arg9[%dma_wait3A_123] : memref<16384xf32, #tpu.memory_space<vmem>> -> memref<1024xf32, #tpu.memory_space<vmem>>
      %dma_wait3A_125 = arith.constant 0 : i32
      %dma_wait3A_126 = tpu.memref_slice %arg4[%dma_wait3A_122, %add3A_9, %dma_wait3A_125] : memref<800x128x1024xf32, #tpu.memory_space<hbm>> -> memref<1x1x1024xf32, #tpu.memory_space<hbm>>
      %dma_wait3A_127 = tpu.memref_squeeze %dma_wait3A_126 : memref<1x1x1024xf32, #tpu.memory_space<hbm>> -> memref<1024xf32, #tpu.memory_space<hbm>>
      %dma_wait3A_128 = arith.constant 0 : i32
      %dma_wait3A_129 = tpu.memref_slice %arg4[%dma_wait3A_122, %add3A_9, %dma_wait3A_128] : memref<800x128x1024xf32, #tpu.memory_space<hbm>> -> memref<1x1x1024xf32, #tpu.memory_space<hbm>>
      %dma_wait3A_130 = tpu.memref_squeeze %dma_wait3A_129 : memref<1x1x1024xf32, #tpu.memory_space<hbm>> -> memref<1024xf32, #tpu.memory_space<hbm>>
      %dma_wait3A_131 = arith.constant 6144 : i32
      %dma_wait3A_132 = tpu.memref_slice %arg9[%dma_wait3A_131] : memref<16384xf32, #tpu.memory_space<vmem>> -> memref<1024xf32, #tpu.memory_space<vmem>>
      tpu.wait_dma2 semaphore(%arg12 : memref<!tpu.dma_semaphore, #tpu.memory_space<semaphore_mem>>) src(%dma_wait3A_132 : memref<1024xf32, #tpu.memory_space<vmem>>) dst(%dma_wait3A_130 : memref<1024xf32, #tpu.memory_space<hbm>>)
      %dma_wait3A_133 = arith.constant 775 : i32
      %dma_wait3A_134 = arith.constant 7168 : i32
      %dma_wait3A_135 = tpu.memref_slice %arg9[%dma_wait3A_134] : memref<16384xf32, #tpu.memory_space<vmem>> -> memref<1024xf32, #tpu.memory_space<vmem>>
      %dma_wait3A_136 = arith.constant 0 : i32
      %dma_wait3A_137 = tpu.memref_slice %arg4[%dma_wait3A_133, %add3A_9, %dma_wait3A_136] : memref<800x128x1024xf32, #tpu.memory_space<hbm>> -> memref<1x1x1024xf32, #tpu.memory_space<hbm>>
      %dma_wait3A_138 = tpu.memref_squeeze %dma_wait3A_137 : memref<1x1x1024xf32, #tpu.memory_space<hbm>> -> memref<1024xf32, #tpu.memory_space<hbm>>
      %dma_wait3A_139 = arith.constant 0 : i32
      %dma_wait3A_140 = tpu.memref_slice %arg4[%dma_wait3A_133, %add3A_9, %dma_wait3A_139] : memref<800x128x1024xf32, #tpu.memory_space<hbm>> -> memref<1x1x1024xf32, #tpu.memory_space<hbm>>
      %dma_wait3A_141 = tpu.memref_squeeze %dma_wait3A_140 : memref<1x1x1024xf32, #tpu.memory_space<hbm>> -> memref<1024xf32, #tpu.memory_space<hbm>>
      %dma_wait3A_142 = arith.constant 7168 : i32
      %dma_wait3A_143 = tpu.memref_slice %arg9[%dma_wait3A_142] : memref<16384xf32, #tpu.memory_space<vmem>> -> memref<1024xf32, #tpu.memory_space<vmem>>
      tpu.wait_dma2 semaphore(%arg12 : memref<!tpu.dma_semaphore, #tpu.memory_space<semaphore_mem>>) src(%dma_wait3A_143 : memref<1024xf32, #tpu.memory_space<vmem>>) dst(%dma_wait3A_141 : memref<1024xf32, #tpu.memory_space<hbm>>)
      %dma_wait3A_144 = arith.constant 776 : i32
      %dma_wait3A_145 = arith.constant 8192 : i32
      %dma_wait3A_146 = tpu.memref_slice %arg9[%dma_wait3A_145] : memref<16384xf32, #tpu.memory_space<vmem>> -> memref<1024xf32, #tpu.memory_space<vmem>>
      %dma_wait3A_147 = arith.constant 0 : i32
      %dma_wait3A_148 = tpu.memref_slice %arg4[%dma_wait3A_144, %add3A_9, %dma_wait3A_147] : memref<800x128x1024xf32, #tpu.memory_space<hbm>> -> memref<1x1x1024xf32, #tpu.memory_space<hbm>>
      %dma_wait3A_149 = tpu.memref_squeeze %dma_wait3A_148 : memref<1x1x1024xf32, #tpu.memory_space<hbm>> -> memref<1024xf32, #tpu.memory_space<hbm>>
      %dma_wait3A_150 = arith.constant 0 : i32
      %dma_wait3A_151 = tpu.memref_slice %arg4[%dma_wait3A_144, %add3A_9, %dma_wait3A_150] : memref<800x128x1024xf32, #tpu.memory_space<hbm>> -> memref<1x1x1024xf32, #tpu.memory_space<hbm>>
      %dma_wait3A_152 = tpu.memref_squeeze %dma_wait3A_151 : memref<1x1x1024xf32, #tpu.memory_space<hbm>> -> memref<1024xf32, #tpu.memory_space<hbm>>
      %dma_wait3A_153 = arith.constant 8192 : i32
      %dma_wait3A_154 = tpu.memref_slice %arg9[%dma_wait3A_153] : memref<16384xf32, #tpu.memory_space<vmem>> -> memref<1024xf32, #tpu.memory_space<vmem>>
      tpu.wait_dma2 semaphore(%arg12 : memref<!tpu.dma_semaphore, #tpu.memory_space<semaphore_mem>>) src(%dma_wait3A_154 : memref<1024xf32, #tpu.memory_space<vmem>>) dst(%dma_wait3A_152 : memref<1024xf32, #tpu.memory_space<hbm>>)
      %dma_wait3A_155 = arith.constant 777 : i32
      %dma_wait3A_156 = arith.constant 9216 : i32
      %dma_wait3A_157 = tpu.memref_slice %arg9[%dma_wait3A_156] : memref<16384xf32, #tpu.memory_space<vmem>> -> memref<1024xf32, #tpu.memory_space<vmem>>
      %dma_wait3A_158 = arith.constant 0 : i32
      %dma_wait3A_159 = tpu.memref_slice %arg4[%dma_wait3A_155, %add3A_9, %dma_wait3A_158] : memref<800x128x1024xf32, #tpu.memory_space<hbm>> -> memref<1x1x1024xf32, #tpu.memory_space<hbm>>
      %dma_wait3A_160 = tpu.memref_squeeze %dma_wait3A_159 : memref<1x1x1024xf32, #tpu.memory_space<hbm>> -> memref<1024xf32, #tpu.memory_space<hbm>>
      %dma_wait3A_161 = arith.constant 0 : i32
      %dma_wait3A_162 = tpu.memref_slice %arg4[%dma_wait3A_155, %add3A_9, %dma_wait3A_161] : memref<800x128x1024xf32, #tpu.memory_space<hbm>> -> memref<1x1x1024xf32, #tpu.memory_space<hbm>>
      %dma_wait3A_163 = tpu.memref_squeeze %dma_wait3A_162 : memref<1x1x1024xf32, #tpu.memory_space<hbm>> -> memref<1024xf32, #tpu.memory_space<hbm>>
      %dma_wait3A_164 = arith.constant 9216 : i32
      %dma_wait3A_165 = tpu.memref_slice %arg9[%dma_wait3A_164] : memref<16384xf32, #tpu.memory_space<vmem>> -> memref<1024xf32, #tpu.memory_space<vmem>>
      tpu.wait_dma2 semaphore(%arg12 : memref<!tpu.dma_semaphore, #tpu.memory_space<semaphore_mem>>) src(%dma_wait3A_165 : memref<1024xf32, #tpu.memory_space<vmem>>) dst(%dma_wait3A_163 : memref<1024xf32, #tpu.memory_space<hbm>>)
      %dma_wait3A_166 = arith.constant 778 : i32
      %dma_wait3A_167 = arith.constant 10240 : i32
      %dma_wait3A_168 = tpu.memref_slice %arg9[%dma_wait3A_167] : memref<16384xf32, #tpu.memory_space<vmem>> -> memref<1024xf32, #tpu.memory_space<vmem>>
      %dma_wait3A_169 = arith.constant 0 : i32
      %dma_wait3A_170 = tpu.memref_slice %arg4[%dma_wait3A_166, %add3A_9, %dma_wait3A_169] : memref<800x128x1024xf32, #tpu.memory_space<hbm>> -> memref<1x1x1024xf32, #tpu.memory_space<hbm>>
      %dma_wait3A_171 = tpu.memref_squeeze %dma_wait3A_170 : memref<1x1x1024xf32, #tpu.memory_space<hbm>> -> memref<1024xf32, #tpu.memory_space<hbm>>
      %dma_wait3A_172 = arith.constant 0 : i32
      %dma_wait3A_173 = tpu.memref_slice %arg4[%dma_wait3A_166, %add3A_9, %dma_wait3A_172] : memref<800x128x1024xf32, #tpu.memory_space<hbm>> -> memref<1x1x1024xf32, #tpu.memory_space<hbm>>
      %dma_wait3A_174 = tpu.memref_squeeze %dma_wait3A_173 : memref<1x1x1024xf32, #tpu.memory_space<hbm>> -> memref<1024xf32, #tpu.memory_space<hbm>>
      %dma_wait3A_175 = arith.constant 10240 : i32
      %dma_wait3A_176 = tpu.memref_slice %arg9[%dma_wait3A_175] : memref<16384xf32, #tpu.memory_space<vmem>> -> memref<1024xf32, #tpu.memory_space<vmem>>
      tpu.wait_dma2 semaphore(%arg12 : memref<!tpu.dma_semaphore, #tpu.memory_space<semaphore_mem>>) src(%dma_wait3A_176 : memref<1024xf32, #tpu.memory_space<vmem>>) dst(%dma_wait3A_174 : memref<1024xf32, #tpu.memory_space<hbm>>)
      %dma_wait3A_177 = arith.constant 779 : i32
      %dma_wait3A_178 = arith.constant 11264 : i32
      %dma_wait3A_179 = tpu.memref_slice %arg9[%dma_wait3A_178] : memref<16384xf32, #tpu.memory_space<vmem>> -> memref<1024xf32, #tpu.memory_space<vmem>>
      %dma_wait3A_180 = arith.constant 0 : i32
      %dma_wait3A_181 = tpu.memref_slice %arg4[%dma_wait3A_177, %add3A_9, %dma_wait3A_180] : memref<800x128x1024xf32, #tpu.memory_space<hbm>> -> memref<1x1x1024xf32, #tpu.memory_space<hbm>>
      %dma_wait3A_182 = tpu.memref_squeeze %dma_wait3A_181 : memref<1x1x1024xf32, #tpu.memory_space<hbm>> -> memref<1024xf32, #tpu.memory_space<hbm>>
      %dma_wait3A_183 = arith.constant 0 : i32
      %dma_wait3A_184 = tpu.memref_slice %arg4[%dma_wait3A_177, %add3A_9, %dma_wait3A_183] : memref<800x128x1024xf32, #tpu.memory_space<hbm>> -> memref<1x1x1024xf32, #tpu.memory_space<hbm>>
      %dma_wait3A_185 = tpu.memref_squeeze %dma_wait3A_184 : memref<1x1x1024xf32, #tpu.memory_space<hbm>> -> memref<1024xf32, #tpu.memory_space<hbm>>
      %dma_wait3A_186 = arith.constant 11264 : i32
      %dma_wait3A_187 = tpu.memref_slice %arg9[%dma_wait3A_186] : memref<16384xf32, #tpu.memory_space<vmem>> -> memref<1024xf32, #tpu.memory_space<vmem>>
      tpu.wait_dma2 semaphore(%arg12 : memref<!tpu.dma_semaphore, #tpu.memory_space<semaphore_mem>>) src(%dma_wait3A_187 : memref<1024xf32, #tpu.memory_space<vmem>>) dst(%dma_wait3A_185 : memref<1024xf32, #tpu.memory_space<hbm>>)
      %dma_wait3A_188 = arith.constant 780 : i32
      %dma_wait3A_189 = arith.constant 12288 : i32
      %dma_wait3A_190 = tpu.memref_slice %arg9[%dma_wait3A_189] : memref<16384xf32, #tpu.memory_space<vmem>> -> memref<1024xf32, #tpu.memory_space<vmem>>
      %dma_wait3A_191 = arith.constant 0 : i32
      %dma_wait3A_192 = tpu.memref_slice %arg4[%dma_wait3A_188, %add3A_9, %dma_wait3A_191] : memref<800x128x1024xf32, #tpu.memory_space<hbm>> -> memref<1x1x1024xf32, #tpu.memory_space<hbm>>
      %dma_wait3A_193 = tpu.memref_squeeze %dma_wait3A_192 : memref<1x1x1024xf32, #tpu.memory_space<hbm>> -> memref<1024xf32, #tpu.memory_space<hbm>>
      %dma_wait3A_194 = arith.constant 0 : i32
      %dma_wait3A_195 = tpu.memref_slice %arg4[%dma_wait3A_188, %add3A_9, %dma_wait3A_194] : memref<800x128x1024xf32, #tpu.memory_space<hbm>> -> memref<1x1x1024xf32, #tpu.memory_space<hbm>>
      %dma_wait3A_196 = tpu.memref_squeeze %dma_wait3A_195 : memref<1x1x1024xf32, #tpu.memory_space<hbm>> -> memref<1024xf32, #tpu.memory_space<hbm>>
      %dma_wait3A_197 = arith.constant 12288 : i32
      %dma_wait3A_198 = tpu.memref_slice %arg9[%dma_wait3A_197] : memref<16384xf32, #tpu.memory_space<vmem>> -> memref<1024xf32, #tpu.memory_space<vmem>>
      tpu.wait_dma2 semaphore(%arg12 : memref<!tpu.dma_semaphore, #tpu.memory_space<semaphore_mem>>) src(%dma_wait3A_198 : memref<1024xf32, #tpu.memory_space<vmem>>) dst(%dma_wait3A_196 : memref<1024xf32, #tpu.memory_space<hbm>>)
      %dma_wait3A_199 = arith.constant 781 : i32
      %dma_wait3A_200 = arith.constant 13312 : i32
      %dma_wait3A_201 = tpu.memref_slice %arg9[%dma_wait3A_200] : memref<16384xf32, #tpu.memory_space<vmem>> -> memref<1024xf32, #tpu.memory_space<vmem>>
      %dma_wait3A_202 = arith.constant 0 : i32
      %dma_wait3A_203 = tpu.memref_slice %arg4[%dma_wait3A_199, %add3A_9, %dma_wait3A_202] : memref<800x128x1024xf32, #tpu.memory_space<hbm>> -> memref<1x1x1024xf32, #tpu.memory_space<hbm>>
      %dma_wait3A_204 = tpu.memref_squeeze %dma_wait3A_203 : memref<1x1x1024xf32, #tpu.memory_space<hbm>> -> memref<1024xf32, #tpu.memory_space<hbm>>
      %dma_wait3A_205 = arith.constant 0 : i32
      %dma_wait3A_206 = tpu.memref_slice %arg4[%dma_wait3A_199, %add3A_9, %dma_wait3A_205] : memref<800x128x1024xf32, #tpu.memory_space<hbm>> -> memref<1x1x1024xf32, #tpu.memory_space<hbm>>
      %dma_wait3A_207 = tpu.memref_squeeze %dma_wait3A_206 : memref<1x1x1024xf32, #tpu.memory_space<hbm>> -> memref<1024xf32, #tpu.memory_space<hbm>>
      %dma_wait3A_208 = arith.constant 13312 : i32
      %dma_wait3A_209 = tpu.memref_slice %arg9[%dma_wait3A_208] : memref<16384xf32, #tpu.memory_space<vmem>> -> memref<1024xf32, #tpu.memory_space<vmem>>
      tpu.wait_dma2 semaphore(%arg12 : memref<!tpu.dma_semaphore, #tpu.memory_space<semaphore_mem>>) src(%dma_wait3A_209 : memref<1024xf32, #tpu.memory_space<vmem>>) dst(%dma_wait3A_207 : memref<1024xf32, #tpu.memory_space<hbm>>)
      %dma_wait3A_210 = arith.constant 782 : i32
      %dma_wait3A_211 = arith.constant 14336 : i32
      %dma_wait3A_212 = tpu.memref_slice %arg9[%dma_wait3A_211] : memref<16384xf32, #tpu.memory_space<vmem>> -> memref<1024xf32, #tpu.memory_space<vmem>>
      %dma_wait3A_213 = arith.constant 0 : i32
      %dma_wait3A_214 = tpu.memref_slice %arg4[%dma_wait3A_210, %add3A_9, %dma_wait3A_213] : memref<800x128x1024xf32, #tpu.memory_space<hbm>> -> memref<1x1x1024xf32, #tpu.memory_space<hbm>>
      %dma_wait3A_215 = tpu.memref_squeeze %dma_wait3A_214 : memref<1x1x1024xf32, #tpu.memory_space<hbm>> -> memref<1024xf32, #tpu.memory_space<hbm>>
      %dma_wait3A_216 = arith.constant 0 : i32
      %dma_wait3A_217 = tpu.memref_slice %arg4[%dma_wait3A_210, %add3A_9, %dma_wait3A_216] : memref<800x128x1024xf32, #tpu.memory_space<hbm>> -> memref<1x1x1024xf32, #tpu.memory_space<hbm>>
      %dma_wait3A_218 = tpu.memref_squeeze %dma_wait3A_217 : memref<1x1x1024xf32, #tpu.memory_space<hbm>> -> memref<1024xf32, #tpu.memory_space<hbm>>
      %dma_wait3A_219 = arith.constant 14336 : i32
      %dma_wait3A_220 = tpu.memref_slice %arg9[%dma_wait3A_219] : memref<16384xf32, #tpu.memory_space<vmem>> -> memref<1024xf32, #tpu.memory_space<vmem>>
      tpu.wait_dma2 semaphore(%arg12 : memref<!tpu.dma_semaphore, #tpu.memory_space<semaphore_mem>>) src(%dma_wait3A_220 : memref<1024xf32, #tpu.memory_space<vmem>>) dst(%dma_wait3A_218 : memref<1024xf32, #tpu.memory_space<hbm>>)
      %dma_wait3A_221 = arith.constant 783 : i32
      %dma_wait3A_222 = arith.constant 15360 : i32
      %dma_wait3A_223 = tpu.memref_slice %arg9[%dma_wait3A_222] : memref<16384xf32, #tpu.memory_space<vmem>> -> memref<1024xf32, #tpu.memory_space<vmem>>
      %dma_wait3A_224 = arith.constant 0 : i32
      %dma_wait3A_225 = tpu.memref_slice %arg4[%dma_wait3A_221, %add3A_9, %dma_wait3A_224] : memref<800x128x1024xf32, #tpu.memory_space<hbm>> -> memref<1x1x1024xf32, #tpu.memory_space<hbm>>
      %dma_wait3A_226 = tpu.memref_squeeze %dma_wait3A_225 : memref<1x1x1024xf32, #tpu.memory_space<hbm>> -> memref<1024xf32, #tpu.memory_space<hbm>>
      %dma_wait3A_227 = arith.constant 0 : i32
      %dma_wait3A_228 = tpu.memref_slice %arg4[%dma_wait3A_221, %add3A_9, %dma_wait3A_227] : memref<800x128x1024xf32, #tpu.memory_space<hbm>> -> memref<1x1x1024xf32, #tpu.memory_space<hbm>>
      %dma_wait3A_229 = tpu.memref_squeeze %dma_wait3A_228 : memref<1x1x1024xf32, #tpu.memory_space<hbm>> -> memref<1024xf32, #tpu.memory_space<hbm>>
      %dma_wait3A_230 = arith.constant 15360 : i32
      %dma_wait3A_231 = tpu.memref_slice %arg9[%dma_wait3A_230] : memref<16384xf32, #tpu.memory_space<vmem>> -> memref<1024xf32, #tpu.memory_space<vmem>>
      tpu.wait_dma2 semaphore(%arg12 : memref<!tpu.dma_semaphore, #tpu.memory_space<semaphore_mem>>) src(%dma_wait3A_231 : memref<1024xf32, #tpu.memory_space<vmem>>) dst(%dma_wait3A_229 : memref<1024xf32, #tpu.memory_space<hbm>>)
      %dma_wait3A_232 = arith.constant 784 : i32
      %dma_wait3A_233 = arith.constant 0 : i32
      %dma_wait3A_234 = tpu.memref_slice %arg10[%dma_wait3A_233] : memref<16384xf32, #tpu.memory_space<vmem>> -> memref<1024xf32, #tpu.memory_space<vmem>>
      %dma_wait3A_235 = arith.constant 0 : i32
      %dma_wait3A_236 = tpu.memref_slice %arg4[%dma_wait3A_232, %add3A_9, %dma_wait3A_235] : memref<800x128x1024xf32, #tpu.memory_space<hbm>> -> memref<1x1x1024xf32, #tpu.memory_space<hbm>>
      %dma_wait3A_237 = tpu.memref_squeeze %dma_wait3A_236 : memref<1x1x1024xf32, #tpu.memory_space<hbm>> -> memref<1024xf32, #tpu.memory_space<hbm>>
      %dma_wait3A_238 = arith.constant 0 : i32
      %dma_wait3A_239 = tpu.memref_slice %arg4[%dma_wait3A_232, %add3A_9, %dma_wait3A_238] : memref<800x128x1024xf32, #tpu.memory_space<hbm>> -> memref<1x1x1024xf32, #tpu.memory_space<hbm>>
      %dma_wait3A_240 = tpu.memref_squeeze %dma_wait3A_239 : memref<1x1x1024xf32, #tpu.memory_space<hbm>> -> memref<1024xf32, #tpu.memory_space<hbm>>
      %dma_wait3A_241 = arith.constant 0 : i32
      %dma_wait3A_242 = tpu.memref_slice %arg10[%dma_wait3A_241] : memref<16384xf32, #tpu.memory_space<vmem>> -> memref<1024xf32, #tpu.memory_space<vmem>>
      tpu.wait_dma2 semaphore(%arg12 : memref<!tpu.dma_semaphore, #tpu.memory_space<semaphore_mem>>) src(%dma_wait3A_242 : memref<1024xf32, #tpu.memory_space<vmem>>) dst(%dma_wait3A_240 : memref<1024xf32, #tpu.memory_space<hbm>>)
      %dma_wait3A_243 = arith.constant 785 : i32
      %dma_wait3A_244 = arith.constant 1024 : i32
      %dma_wait3A_245 = tpu.memref_slice %arg10[%dma_wait3A_244] : memref<16384xf32, #tpu.memory_space<vmem>> -> memref<1024xf32, #tpu.memory_space<vmem>>
      %dma_wait3A_246 = arith.constant 0 : i32
      %dma_wait3A_247 = tpu.memref_slice %arg4[%dma_wait3A_243, %add3A_9, %dma_wait3A_246] : memref<800x128x1024xf32, #tpu.memory_space<hbm>> -> memref<1x1x1024xf32, #tpu.memory_space<hbm>>
      %dma_wait3A_248 = tpu.memref_squeeze %dma_wait3A_247 : memref<1x1x1024xf32, #tpu.memory_space<hbm>> -> memref<1024xf32, #tpu.memory_space<hbm>>
      %dma_wait3A_249 = arith.constant 0 : i32
      %dma_wait3A_250 = tpu.memref_slice %arg4[%dma_wait3A_243, %add3A_9, %dma_wait3A_249] : memref<800x128x1024xf32, #tpu.memory_space<hbm>> -> memref<1x1x1024xf32, #tpu.memory_space<hbm>>
      %dma_wait3A_251 = tpu.memref_squeeze %dma_wait3A_250 : memref<1x1x1024xf32, #tpu.memory_space<hbm>> -> memref<1024xf32, #tpu.memory_space<hbm>>
      %dma_wait3A_252 = arith.constant 1024 : i32
      %dma_wait3A_253 = tpu.memref_slice %arg10[%dma_wait3A_252] : memref<16384xf32, #tpu.memory_space<vmem>> -> memref<1024xf32, #tpu.memory_space<vmem>>
      tpu.wait_dma2 semaphore(%arg12 : memref<!tpu.dma_semaphore, #tpu.memory_space<semaphore_mem>>) src(%dma_wait3A_253 : memref<1024xf32, #tpu.memory_space<vmem>>) dst(%dma_wait3A_251 : memref<1024xf32, #tpu.memory_space<hbm>>)
      %dma_wait3A_254 = arith.constant 786 : i32
      %dma_wait3A_255 = arith.constant 2048 : i32
      %dma_wait3A_256 = tpu.memref_slice %arg10[%dma_wait3A_255] : memref<16384xf32, #tpu.memory_space<vmem>> -> memref<1024xf32, #tpu.memory_space<vmem>>
      %dma_wait3A_257 = arith.constant 0 : i32
      %dma_wait3A_258 = tpu.memref_slice %arg4[%dma_wait3A_254, %add3A_9, %dma_wait3A_257] : memref<800x128x1024xf32, #tpu.memory_space<hbm>> -> memref<1x1x1024xf32, #tpu.memory_space<hbm>>
      %dma_wait3A_259 = tpu.memref_squeeze %dma_wait3A_258 : memref<1x1x1024xf32, #tpu.memory_space<hbm>> -> memref<1024xf32, #tpu.memory_space<hbm>>
      %dma_wait3A_260 = arith.constant 0 : i32
      %dma_wait3A_261 = tpu.memref_slice %arg4[%dma_wait3A_254, %add3A_9, %dma_wait3A_260] : memref<800x128x1024xf32, #tpu.memory_space<hbm>> -> memref<1x1x1024xf32, #tpu.memory_space<hbm>>
      %dma_wait3A_262 = tpu.memref_squeeze %dma_wait3A_261 : memref<1x1x1024xf32, #tpu.memory_space<hbm>> -> memref<1024xf32, #tpu.memory_space<hbm>>
      %dma_wait3A_263 = arith.constant 2048 : i32
      %dma_wait3A_264 = tpu.memref_slice %arg10[%dma_wait3A_263] : memref<16384xf32, #tpu.memory_space<vmem>> -> memref<1024xf32, #tpu.memory_space<vmem>>
      tpu.wait_dma2 semaphore(%arg12 : memref<!tpu.dma_semaphore, #tpu.memory_space<semaphore_mem>>) src(%dma_wait3A_264 : memref<1024xf32, #tpu.memory_space<vmem>>) dst(%dma_wait3A_262 : memref<1024xf32, #tpu.memory_space<hbm>>)
      %dma_wait3A_265 = arith.constant 787 : i32
      %dma_wait3A_266 = arith.constant 3072 : i32
      %dma_wait3A_267 = tpu.memref_slice %arg10[%dma_wait3A_266] : memref<16384xf32, #tpu.memory_space<vmem>> -> memref<1024xf32, #tpu.memory_space<vmem>>
      %dma_wait3A_268 = arith.constant 0 : i32
      %dma_wait3A_269 = tpu.memref_slice %arg4[%dma_wait3A_265, %add3A_9, %dma_wait3A_268] : memref<800x128x1024xf32, #tpu.memory_space<hbm>> -> memref<1x1x1024xf32, #tpu.memory_space<hbm>>
      %dma_wait3A_270 = tpu.memref_squeeze %dma_wait3A_269 : memref<1x1x1024xf32, #tpu.memory_space<hbm>> -> memref<1024xf32, #tpu.memory_space<hbm>>
      %dma_wait3A_271 = arith.constant 0 : i32
      %dma_wait3A_272 = tpu.memref_slice %arg4[%dma_wait3A_265, %add3A_9, %dma_wait3A_271] : memref<800x128x1024xf32, #tpu.memory_space<hbm>> -> memref<1x1x1024xf32, #tpu.memory_space<hbm>>
      %dma_wait3A_273 = tpu.memref_squeeze %dma_wait3A_272 : memref<1x1x1024xf32, #tpu.memory_space<hbm>> -> memref<1024xf32, #tpu.memory_space<hbm>>
      %dma_wait3A_274 = arith.constant 3072 : i32
      %dma_wait3A_275 = tpu.memref_slice %arg10[%dma_wait3A_274] : memref<16384xf32, #tpu.memory_space<vmem>> -> memref<1024xf32, #tpu.memory_space<vmem>>
      tpu.wait_dma2 semaphore(%arg12 : memref<!tpu.dma_semaphore, #tpu.memory_space<semaphore_mem>>) src(%dma_wait3A_275 : memref<1024xf32, #tpu.memory_space<vmem>>) dst(%dma_wait3A_273 : memref<1024xf32, #tpu.memory_space<hbm>>)
      %dma_wait3A_276 = arith.constant 788 : i32
      %dma_wait3A_277 = arith.constant 4096 : i32
      %dma_wait3A_278 = tpu.memref_slice %arg10[%dma_wait3A_277] : memref<16384xf32, #tpu.memory_space<vmem>> -> memref<1024xf32, #tpu.memory_space<vmem>>
      %dma_wait3A_279 = arith.constant 0 : i32
      %dma_wait3A_280 = tpu.memref_slice %arg4[%dma_wait3A_276, %add3A_9, %dma_wait3A_279] : memref<800x128x1024xf32, #tpu.memory_space<hbm>> -> memref<1x1x1024xf32, #tpu.memory_space<hbm>>
      %dma_wait3A_281 = tpu.memref_squeeze %dma_wait3A_280 : memref<1x1x1024xf32, #tpu.memory_space<hbm>> -> memref<1024xf32, #tpu.memory_space<hbm>>
      %dma_wait3A_282 = arith.constant 0 : i32
      %dma_wait3A_283 = tpu.memref_slice %arg4[%dma_wait3A_276, %add3A_9, %dma_wait3A_282] : memref<800x128x1024xf32, #tpu.memory_space<hbm>> -> memref<1x1x1024xf32, #tpu.memory_space<hbm>>
      %dma_wait3A_284 = tpu.memref_squeeze %dma_wait3A_283 : memref<1x1x1024xf32, #tpu.memory_space<hbm>> -> memref<1024xf32, #tpu.memory_space<hbm>>
      %dma_wait3A_285 = arith.constant 4096 : i32
      %dma_wait3A_286 = tpu.memref_slice %arg10[%dma_wait3A_285] : memref<16384xf32, #tpu.memory_space<vmem>> -> memref<1024xf32, #tpu.memory_space<vmem>>
      tpu.wait_dma2 semaphore(%arg12 : memref<!tpu.dma_semaphore, #tpu.memory_space<semaphore_mem>>) src(%dma_wait3A_286 : memref<1024xf32, #tpu.memory_space<vmem>>) dst(%dma_wait3A_284 : memref<1024xf32, #tpu.memory_space<hbm>>)
      %dma_wait3A_287 = arith.constant 789 : i32
      %dma_wait3A_288 = arith.constant 5120 : i32
      %dma_wait3A_289 = tpu.memref_slice %arg10[%dma_wait3A_288] : memref<16384xf32, #tpu.memory_space<vmem>> -> memref<1024xf32, #tpu.memory_space<vmem>>
      %dma_wait3A_290 = arith.constant 0 : i32
      %dma_wait3A_291 = tpu.memref_slice %arg4[%dma_wait3A_287, %add3A_9, %dma_wait3A_290] : memref<800x128x1024xf32, #tpu.memory_space<hbm>> -> memref<1x1x1024xf32, #tpu.memory_space<hbm>>
      %dma_wait3A_292 = tpu.memref_squeeze %dma_wait3A_291 : memref<1x1x1024xf32, #tpu.memory_space<hbm>> -> memref<1024xf32, #tpu.memory_space<hbm>>
      %dma_wait3A_293 = arith.constant 0 : i32
      %dma_wait3A_294 = tpu.memref_slice %arg4[%dma_wait3A_287, %add3A_9, %dma_wait3A_293] : memref<800x128x1024xf32, #tpu.memory_space<hbm>> -> memref<1x1x1024xf32, #tpu.memory_space<hbm>>
      %dma_wait3A_295 = tpu.memref_squeeze %dma_wait3A_294 : memref<1x1x1024xf32, #tpu.memory_space<hbm>> -> memref<1024xf32, #tpu.memory_space<hbm>>
      %dma_wait3A_296 = arith.constant 5120 : i32
      %dma_wait3A_297 = tpu.memref_slice %arg10[%dma_wait3A_296] : memref<16384xf32, #tpu.memory_space<vmem>> -> memref<1024xf32, #tpu.memory_space<vmem>>
      tpu.wait_dma2 semaphore(%arg12 : memref<!tpu.dma_semaphore, #tpu.memory_space<semaphore_mem>>) src(%dma_wait3A_297 : memref<1024xf32, #tpu.memory_space<vmem>>) dst(%dma_wait3A_295 : memref<1024xf32, #tpu.memory_space<hbm>>)
      %dma_wait3A_298 = arith.constant 790 : i32
      %dma_wait3A_299 = arith.constant 6144 : i32
      %dma_wait3A_300 = tpu.memref_slice %arg10[%dma_wait3A_299] : memref<16384xf32, #tpu.memory_space<vmem>> -> memref<1024xf32, #tpu.memory_space<vmem>>
      %dma_wait3A_301 = arith.constant 0 : i32
      %dma_wait3A_302 = tpu.memref_slice %arg4[%dma_wait3A_298, %add3A_9, %dma_wait3A_301] : memref<800x128x1024xf32, #tpu.memory_space<hbm>> -> memref<1x1x1024xf32, #tpu.memory_space<hbm>>
      %dma_wait3A_303 = tpu.memref_squeeze %dma_wait3A_302 : memref<1x1x1024xf32, #tpu.memory_space<hbm>> -> memref<1024xf32, #tpu.memory_space<hbm>>
      %dma_wait3A_304 = arith.constant 0 : i32
      %dma_wait3A_305 = tpu.memref_slice %arg4[%dma_wait3A_298, %add3A_9, %dma_wait3A_304] : memref<800x128x1024xf32, #tpu.memory_space<hbm>> -> memref<1x1x1024xf32, #tpu.memory_space<hbm>>
      %dma_wait3A_306 = tpu.memref_squeeze %dma_wait3A_305 : memref<1x1x1024xf32, #tpu.memory_space<hbm>> -> memref<1024xf32, #tpu.memory_space<hbm>>
      %dma_wait3A_307 = arith.constant 6144 : i32
      %dma_wait3A_308 = tpu.memref_slice %arg10[%dma_wait3A_307] : memref<16384xf32, #tpu.memory_space<vmem>> -> memref<1024xf32, #tpu.memory_space<vmem>>
      tpu.wait_dma2 semaphore(%arg12 : memref<!tpu.dma_semaphore, #tpu.memory_space<semaphore_mem>>) src(%dma_wait3A_308 : memref<1024xf32, #tpu.memory_space<vmem>>) dst(%dma_wait3A_306 : memref<1024xf32, #tpu.memory_space<hbm>>)
      %dma_wait3A_309 = arith.constant 791 : i32
      %dma_wait3A_310 = arith.constant 7168 : i32
      %dma_wait3A_311 = tpu.memref_slice %arg10[%dma_wait3A_310] : memref<16384xf32, #tpu.memory_space<vmem>> -> memref<1024xf32, #tpu.memory_space<vmem>>
      %dma_wait3A_312 = arith.constant 0 : i32
      %dma_wait3A_313 = tpu.memref_slice %arg4[%dma_wait3A_309, %add3A_9, %dma_wait3A_312] : memref<800x128x1024xf32, #tpu.memory_space<hbm>> -> memref<1x1x1024xf32, #tpu.memory_space<hbm>>
      %dma_wait3A_314 = tpu.memref_squeeze %dma_wait3A_313 : memref<1x1x1024xf32, #tpu.memory_space<hbm>> -> memref<1024xf32, #tpu.memory_space<hbm>>
      %dma_wait3A_315 = arith.constant 0 : i32
      %dma_wait3A_316 = tpu.memref_slice %arg4[%dma_wait3A_309, %add3A_9, %dma_wait3A_315] : memref<800x128x1024xf32, #tpu.memory_space<hbm>> -> memref<1x1x1024xf32, #tpu.memory_space<hbm>>
      %dma_wait3A_317 = tpu.memref_squeeze %dma_wait3A_316 : memref<1x1x1024xf32, #tpu.memory_space<hbm>> -> memref<1024xf32, #tpu.memory_space<hbm>>
      %dma_wait3A_318 = arith.constant 7168 : i32
      %dma_wait3A_319 = tpu.memref_slice %arg10[%dma_wait3A_318] : memref<16384xf32, #tpu.memory_space<vmem>> -> memref<1024xf32, #tpu.memory_space<vmem>>
      tpu.wait_dma2 semaphore(%arg12 : memref<!tpu.dma_semaphore, #tpu.memory_space<semaphore_mem>>) src(%dma_wait3A_319 : memref<1024xf32, #tpu.memory_space<vmem>>) dst(%dma_wait3A_317 : memref<1024xf32, #tpu.memory_space<hbm>>)
      %dma_wait3A_320 = arith.constant 792 : i32
      %dma_wait3A_321 = arith.constant 8192 : i32
      %dma_wait3A_322 = tpu.memref_slice %arg10[%dma_wait3A_321] : memref<16384xf32, #tpu.memory_space<vmem>> -> memref<1024xf32, #tpu.memory_space<vmem>>
      %dma_wait3A_323 = arith.constant 0 : i32
      %dma_wait3A_324 = tpu.memref_slice %arg4[%dma_wait3A_320, %add3A_9, %dma_wait3A_323] : memref<800x128x1024xf32, #tpu.memory_space<hbm>> -> memref<1x1x1024xf32, #tpu.memory_space<hbm>>
      %dma_wait3A_325 = tpu.memref_squeeze %dma_wait3A_324 : memref<1x1x1024xf32, #tpu.memory_space<hbm>> -> memref<1024xf32, #tpu.memory_space<hbm>>
      %dma_wait3A_326 = arith.constant 0 : i32
      %dma_wait3A_327 = tpu.memref_slice %arg4[%dma_wait3A_320, %add3A_9, %dma_wait3A_326] : memref<800x128x1024xf32, #tpu.memory_space<hbm>> -> memref<1x1x1024xf32, #tpu.memory_space<hbm>>
      %dma_wait3A_328 = tpu.memref_squeeze %dma_wait3A_327 : memref<1x1x1024xf32, #tpu.memory_space<hbm>> -> memref<1024xf32, #tpu.memory_space<hbm>>
      %dma_wait3A_329 = arith.constant 8192 : i32
      %dma_wait3A_330 = tpu.memref_slice %arg10[%dma_wait3A_329] : memref<16384xf32, #tpu.memory_space<vmem>> -> memref<1024xf32, #tpu.memory_space<vmem>>
      tpu.wait_dma2 semaphore(%arg12 : memref<!tpu.dma_semaphore, #tpu.memory_space<semaphore_mem>>) src(%dma_wait3A_330 : memref<1024xf32, #tpu.memory_space<vmem>>) dst(%dma_wait3A_328 : memref<1024xf32, #tpu.memory_space<hbm>>)
      %dma_wait3A_331 = arith.constant 793 : i32
      %dma_wait3A_332 = arith.constant 9216 : i32
      %dma_wait3A_333 = tpu.memref_slice %arg10[%dma_wait3A_332] : memref<16384xf32, #tpu.memory_space<vmem>> -> memref<1024xf32, #tpu.memory_space<vmem>>
      %dma_wait3A_334 = arith.constant 0 : i32
      %dma_wait3A_335 = tpu.memref_slice %arg4[%dma_wait3A_331, %add3A_9, %dma_wait3A_334] : memref<800x128x1024xf32, #tpu.memory_space<hbm>> -> memref<1x1x1024xf32, #tpu.memory_space<hbm>>
      %dma_wait3A_336 = tpu.memref_squeeze %dma_wait3A_335 : memref<1x1x1024xf32, #tpu.memory_space<hbm>> -> memref<1024xf32, #tpu.memory_space<hbm>>
      %dma_wait3A_337 = arith.constant 0 : i32
      %dma_wait3A_338 = tpu.memref_slice %arg4[%dma_wait3A_331, %add3A_9, %dma_wait3A_337] : memref<800x128x1024xf32, #tpu.memory_space<hbm>> -> memref<1x1x1024xf32, #tpu.memory_space<hbm>>
      %dma_wait3A_339 = tpu.memref_squeeze %dma_wait3A_338 : memref<1x1x1024xf32, #tpu.memory_space<hbm>> -> memref<1024xf32, #tpu.memory_space<hbm>>
      %dma_wait3A_340 = arith.constant 9216 : i32
      %dma_wait3A_341 = tpu.memref_slice %arg10[%dma_wait3A_340] : memref<16384xf32, #tpu.memory_space<vmem>> -> memref<1024xf32, #tpu.memory_space<vmem>>
      tpu.wait_dma2 semaphore(%arg12 : memref<!tpu.dma_semaphore, #tpu.memory_space<semaphore_mem>>) src(%dma_wait3A_341 : memref<1024xf32, #tpu.memory_space<vmem>>) dst(%dma_wait3A_339 : memref<1024xf32, #tpu.memory_space<hbm>>)
      %dma_wait3A_342 = arith.constant 794 : i32
      %dma_wait3A_343 = arith.constant 10240 : i32
      %dma_wait3A_344 = tpu.memref_slice %arg10[%dma_wait3A_343] : memref<16384xf32, #tpu.memory_space<vmem>> -> memref<1024xf32, #tpu.memory_space<vmem>>
      %dma_wait3A_345 = arith.constant 0 : i32
      %dma_wait3A_346 = tpu.memref_slice %arg4[%dma_wait3A_342, %add3A_9, %dma_wait3A_345] : memref<800x128x1024xf32, #tpu.memory_space<hbm>> -> memref<1x1x1024xf32, #tpu.memory_space<hbm>>
      %dma_wait3A_347 = tpu.memref_squeeze %dma_wait3A_346 : memref<1x1x1024xf32, #tpu.memory_space<hbm>> -> memref<1024xf32, #tpu.memory_space<hbm>>
      %dma_wait3A_348 = arith.constant 0 : i32
      %dma_wait3A_349 = tpu.memref_slice %arg4[%dma_wait3A_342, %add3A_9, %dma_wait3A_348] : memref<800x128x1024xf32, #tpu.memory_space<hbm>> -> memref<1x1x1024xf32, #tpu.memory_space<hbm>>
      %dma_wait3A_350 = tpu.memref_squeeze %dma_wait3A_349 : memref<1x1x1024xf32, #tpu.memory_space<hbm>> -> memref<1024xf32, #tpu.memory_space<hbm>>
      %dma_wait3A_351 = arith.constant 10240 : i32
      %dma_wait3A_352 = tpu.memref_slice %arg10[%dma_wait3A_351] : memref<16384xf32, #tpu.memory_space<vmem>> -> memref<1024xf32, #tpu.memory_space<vmem>>
      tpu.wait_dma2 semaphore(%arg12 : memref<!tpu.dma_semaphore, #tpu.memory_space<semaphore_mem>>) src(%dma_wait3A_352 : memref<1024xf32, #tpu.memory_space<vmem>>) dst(%dma_wait3A_350 : memref<1024xf32, #tpu.memory_space<hbm>>)
      %dma_wait3A_353 = arith.constant 795 : i32
      %dma_wait3A_354 = arith.constant 11264 : i32
      %dma_wait3A_355 = tpu.memref_slice %arg10[%dma_wait3A_354] : memref<16384xf32, #tpu.memory_space<vmem>> -> memref<1024xf32, #tpu.memory_space<vmem>>
      %dma_wait3A_356 = arith.constant 0 : i32
      %dma_wait3A_357 = tpu.memref_slice %arg4[%dma_wait3A_353, %add3A_9, %dma_wait3A_356] : memref<800x128x1024xf32, #tpu.memory_space<hbm>> -> memref<1x1x1024xf32, #tpu.memory_space<hbm>>
      %dma_wait3A_358 = tpu.memref_squeeze %dma_wait3A_357 : memref<1x1x1024xf32, #tpu.memory_space<hbm>> -> memref<1024xf32, #tpu.memory_space<hbm>>
      %dma_wait3A_359 = arith.constant 0 : i32
      %dma_wait3A_360 = tpu.memref_slice %arg4[%dma_wait3A_353, %add3A_9, %dma_wait3A_359] : memref<800x128x1024xf32, #tpu.memory_space<hbm>> -> memref<1x1x1024xf32, #tpu.memory_space<hbm>>
      %dma_wait3A_361 = tpu.memref_squeeze %dma_wait3A_360 : memref<1x1x1024xf32, #tpu.memory_space<hbm>> -> memref<1024xf32, #tpu.memory_space<hbm>>
      %dma_wait3A_362 = arith.constant 11264 : i32
      %dma_wait3A_363 = tpu.memref_slice %arg10[%dma_wait3A_362] : memref<16384xf32, #tpu.memory_space<vmem>> -> memref<1024xf32, #tpu.memory_space<vmem>>
      tpu.wait_dma2 semaphore(%arg12 : memref<!tpu.dma_semaphore, #tpu.memory_space<semaphore_mem>>) src(%dma_wait3A_363 : memref<1024xf32, #tpu.memory_space<vmem>>) dst(%dma_wait3A_361 : memref<1024xf32, #tpu.memory_space<hbm>>)
      %dma_wait3A_364 = arith.constant 796 : i32
      %dma_wait3A_365 = arith.constant 12288 : i32
      %dma_wait3A_366 = tpu.memref_slice %arg10[%dma_wait3A_365] : memref<16384xf32, #tpu.memory_space<vmem>> -> memref<1024xf32, #tpu.memory_space<vmem>>
      %dma_wait3A_367 = arith.constant 0 : i32
      %dma_wait3A_368 = tpu.memref_slice %arg4[%dma_wait3A_364, %add3A_9, %dma_wait3A_367] : memref<800x128x1024xf32, #tpu.memory_space<hbm>> -> memref<1x1x1024xf32, #tpu.memory_space<hbm>>
      %dma_wait3A_369 = tpu.memref_squeeze %dma_wait3A_368 : memref<1x1x1024xf32, #tpu.memory_space<hbm>> -> memref<1024xf32, #tpu.memory_space<hbm>>
      %dma_wait3A_370 = arith.constant 0 : i32
      %dma_wait3A_371 = tpu.memref_slice %arg4[%dma_wait3A_364, %add3A_9, %dma_wait3A_370] : memref<800x128x1024xf32, #tpu.memory_space<hbm>> -> memref<1x1x1024xf32, #tpu.memory_space<hbm>>
      %dma_wait3A_372 = tpu.memref_squeeze %dma_wait3A_371 : memref<1x1x1024xf32, #tpu.memory_space<hbm>> -> memref<1024xf32, #tpu.memory_space<hbm>>
      %dma_wait3A_373 = arith.constant 12288 : i32
      %dma_wait3A_374 = tpu.memref_slice %arg10[%dma_wait3A_373] : memref<16384xf32, #tpu.memory_space<vmem>> -> memref<1024xf32, #tpu.memory_space<vmem>>
      tpu.wait_dma2 semaphore(%arg12 : memref<!tpu.dma_semaphore, #tpu.memory_space<semaphore_mem>>) src(%dma_wait3A_374 : memref<1024xf32, #tpu.memory_space<vmem>>) dst(%dma_wait3A_372 : memref<1024xf32, #tpu.memory_space<hbm>>)
      %dma_wait3A_375 = arith.constant 797 : i32
      %dma_wait3A_376 = arith.constant 13312 : i32
      %dma_wait3A_377 = tpu.memref_slice %arg10[%dma_wait3A_376] : memref<16384xf32, #tpu.memory_space<vmem>> -> memref<1024xf32, #tpu.memory_space<vmem>>
      %dma_wait3A_378 = arith.constant 0 : i32
      %dma_wait3A_379 = tpu.memref_slice %arg4[%dma_wait3A_375, %add3A_9, %dma_wait3A_378] : memref<800x128x1024xf32, #tpu.memory_space<hbm>> -> memref<1x1x1024xf32, #tpu.memory_space<hbm>>
      %dma_wait3A_380 = tpu.memref_squeeze %dma_wait3A_379 : memref<1x1x1024xf32, #tpu.memory_space<hbm>> -> memref<1024xf32, #tpu.memory_space<hbm>>
      %dma_wait3A_381 = arith.constant 0 : i32
      %dma_wait3A_382 = tpu.memref_slice %arg4[%dma_wait3A_375, %add3A_9, %dma_wait3A_381] : memref<800x128x1024xf32, #tpu.memory_space<hbm>> -> memref<1x1x1024xf32, #tpu.memory_space<hbm>>
      %dma_wait3A_383 = tpu.memref_squeeze %dma_wait3A_382 : memref<1x1x1024xf32, #tpu.memory_space<hbm>> -> memref<1024xf32, #tpu.memory_space<hbm>>
      %dma_wait3A_384 = arith.constant 13312 : i32
      %dma_wait3A_385 = tpu.memref_slice %arg10[%dma_wait3A_384] : memref<16384xf32, #tpu.memory_space<vmem>> -> memref<1024xf32, #tpu.memory_space<vmem>>
      tpu.wait_dma2 semaphore(%arg12 : memref<!tpu.dma_semaphore, #tpu.memory_space<semaphore_mem>>) src(%dma_wait3A_385 : memref<1024xf32, #tpu.memory_space<vmem>>) dst(%dma_wait3A_383 : memref<1024xf32, #tpu.memory_space<hbm>>)
      %dma_wait3A_386 = arith.constant 798 : i32
      %dma_wait3A_387 = arith.constant 14336 : i32
      %dma_wait3A_388 = tpu.memref_slice %arg10[%dma_wait3A_387] : memref<16384xf32, #tpu.memory_space<vmem>> -> memref<1024xf32, #tpu.memory_space<vmem>>
      %dma_wait3A_389 = arith.constant 0 : i32
      %dma_wait3A_390 = tpu.memref_slice %arg4[%dma_wait3A_386, %add3A_9, %dma_wait3A_389] : memref<800x128x1024xf32, #tpu.memory_space<hbm>> -> memref<1x1x1024xf32, #tpu.memory_space<hbm>>
      %dma_wait3A_391 = tpu.memref_squeeze %dma_wait3A_390 : memref<1x1x1024xf32, #tpu.memory_space<hbm>> -> memref<1024xf32, #tpu.memory_space<hbm>>
      %dma_wait3A_392 = arith.constant 0 : i32
      %dma_wait3A_393 = tpu.memref_slice %arg4[%dma_wait3A_386, %add3A_9, %dma_wait3A_392] : memref<800x128x1024xf32, #tpu.memory_space<hbm>> -> memref<1x1x1024xf32, #tpu.memory_space<hbm>>
      %dma_wait3A_394 = tpu.memref_squeeze %dma_wait3A_393 : memref<1x1x1024xf32, #tpu.memory_space<hbm>> -> memref<1024xf32, #tpu.memory_space<hbm>>
      %dma_wait3A_395 = arith.constant 14336 : i32
      %dma_wait3A_396 = tpu.memref_slice %arg10[%dma_wait3A_395] : memref<16384xf32, #tpu.memory_space<vmem>> -> memref<1024xf32, #tpu.memory_space<vmem>>
      tpu.wait_dma2 semaphore(%arg12 : memref<!tpu.dma_semaphore, #tpu.memory_space<semaphore_mem>>) src(%dma_wait3A_396 : memref<1024xf32, #tpu.memory_space<vmem>>) dst(%dma_wait3A_394 : memref<1024xf32, #tpu.memory_space<hbm>>)
      %dma_wait3A_397 = arith.constant 799 : i32
      %dma_wait3A_398 = arith.constant 15360 : i32
      %dma_wait3A_399 = tpu.memref_slice %arg10[%dma_wait3A_398] : memref<16384xf32, #tpu.memory_space<vmem>> -> memref<1024xf32, #tpu.memory_space<vmem>>
      %dma_wait3A_400 = arith.constant 0 : i32
      %dma_wait3A_401 = tpu.memref_slice %arg4[%dma_wait3A_397, %add3A_9, %dma_wait3A_400] : memref<800x128x1024xf32, #tpu.memory_space<hbm>> -> memref<1x1x1024xf32, #tpu.memory_space<hbm>>
      %dma_wait3A_402 = tpu.memref_squeeze %dma_wait3A_401 : memref<1x1x1024xf32, #tpu.memory_space<hbm>> -> memref<1024xf32, #tpu.memory_space<hbm>>
      %dma_wait3A_403 = arith.constant 0 : i32
      %dma_wait3A_404 = tpu.memref_slice %arg4[%dma_wait3A_397, %add3A_9, %dma_wait3A_403] : memref<800x128x1024xf32, #tpu.memory_space<hbm>> -> memref<1x1x1024xf32, #tpu.memory_space<hbm>>
      %dma_wait3A_405 = tpu.memref_squeeze %dma_wait3A_404 : memref<1x1x1024xf32, #tpu.memory_space<hbm>> -> memref<1024xf32, #tpu.memory_space<hbm>>
      %dma_wait3A_406 = arith.constant 15360 : i32
      %dma_wait3A_407 = tpu.memref_slice %arg10[%dma_wait3A_406] : memref<16384xf32, #tpu.memory_space<vmem>> -> memref<1024xf32, #tpu.memory_space<vmem>>
      tpu.wait_dma2 semaphore(%arg12 : memref<!tpu.dma_semaphore, #tpu.memory_space<semaphore_mem>>) src(%dma_wait3A_407 : memref<1024xf32, #tpu.memory_space<vmem>>) dst(%dma_wait3A_405 : memref<1024xf32, #tpu.memory_space<hbm>>)
    }
    %scan3A_5 = arith.constant 4 : i32
    return
  }
}

</mosaic_0001>

<sc_bundles>
// kernel: kernel.3.cloned.1.call-start
scs
__scs_entry_jumppad:
0x0: {  	(pc) =	sbr.rel $0x88, $3  }
0x1: {  	(tag) =	ssettag $0x0;
	lr =	simm.s32 $0x1  }
0x2: {  	[smem:$0x3F9F] =	sst lr;
	_ =	strace $0xD0000000  }
0x3: {  	_ = 	snop  }
0x4: {  	_ = 	snop  }
0x5: {  	_ = 	snop  }
0x6: {  	_ = 	snop  }
0x7: {  	_ = 	snop  }
__scs_overlays_trampoline_lowered:
0x8: {  	[smem:$0x3FAE] =	sst s0  }
0x9: {  	[smem:$0x3FAF] =	sst s1  }
0xa: {  	[smem:$0x3FB0] =	sst s2  }
0xb: {  	[smem:$0x3FB1] =	sst s3  }
0xc: {  	[smem:$0x3FB2] =	sst s4  }
0xd: {  	[smem:$0x3FB3] =	sst s5  }
0xe: {  	[smem:$0x3FB4] =	sst s6  }
0xf: {  	[smem:$0x3FB5] =	sst s7  }
0x10: {  	[smem:$0x3FB6] =	sst s8  }
0x11: {  	[smem:$0x3FB7] =	sst s9;
	s0 =	simm.s32 @!p0 $0x0  }
0x12: {  	s1 =	sld [smem:$0x3F9D];
	s0 =	simm.s32 @p0 $0x1  }
0x13: {  	[smem:$0x3FB8] =	sst s0;
	s0 =	simm.s32 @!p1 $0x0  }
0x14: {  	s2 =	sld [smem:$0x3F9C];
	s0 =	simm.s32 @p1 $0x1  }
0x15: {  	[smem:$0x3FB9] =	sst s0;
	s0 =	simm.s32 @!p2 $0x0  }
0x16: {  	s3 =	sld [smem:$0x3FDB];
	s0 =	simm.s32 @p2 $0x1  }
0x17: {  	s4 =	simm.s32 $0x1BF5;
	[smem:$0x3FBB] =	sst s0  }
0x18: {  	s0 =	sld [smem:$0x3F9E];
	_ =	swait.ge [sflag:s4], $0x0  }
0x19: {  	s7 =	sld [smem:$0x3F9F]  }
0x1a: {  	s8 =	sadd.s32 $0xFFFFE003, lr  }
0x1b: {  	s9 =	sadd.s32 $0xFFFFFEF7, lr;
	s5 =	simm.s32 $0xFFFFFFFF;
	p2 =	slt.u32 s8, $0xFFFFF086  }
0x1c: {  	p1 =	slt.u32 s9, $0xF7A;
	s5 =	simm.s32 @!p2 $0x0  }
0x1d: {  	s5 =	simm.s32 @p1 $0x1;
	p0 =	seq.s32 s7, s2  }
0x1e: {  	s7 =	smul.u32 @!p0 $0xF7A, s2;
	p2 =	seq.s32 @!p0 s5, $0x0  }
0x1f: {  	s9 =	smul.u32 $0xF7A, s1;
	s8 =	simm.s32 @!p0 $0x1BF5;
	p2 =	por !p2, p0  }
0x20: {  	[sflag:s8] =	ssyncset.s32 @!p0 $0xFFFFF086;
	s6 =	sadd.s32 @!p0 s3, s7;
	s7 =	simm.s32 @!p0 $0x108  }
0x21: {  	s3 =	sadd.s32 s3, s9;
	s6 =	sadd.s32 @!p0 $0x88, s6;
	s7 =	simm.s32 @p2 $0x1082  }
0x22: {  	[simem:s7], [sflag:s8] =	dma.local @!p0 [hbm:s6], $0xF7A  }
0x23: {  	s9 =	sor.u32 $0xD0000000, s2;
	s6 =	simm.s32 $0x108;
	_ =	swait.ge @!p0 [sflag:s8], $0x0  }
0x24: {  	s3 =	sadd.s32 $0x88, s3;
	s6 =	simm.s32 @!p1 $0x1082;
	[sflag:s4] =	ssyncset.s32 $0xFFFFF086  }
0x25: {  	[simem:s6], [sflag:s4] =	dma.local [hbm:s3], $0xF7A  }
0x26: {  	[smem:$0x3F9F] =	sst s1;
	(tag) =	ssettag s2;
	_ =	strace s9  }
0x27: {  	s1 =	sld [smem:$0x3FAF]  }
0x28: {  	s2 =	sld [smem:$0x3FB0]  }
0x29: {  	s4 =	sld [smem:$0x3FB2]  }
0x2a: {  	p0 =	seq.s32 s5, $0x0;
	s5 =	sld [smem:$0x3FB3]  }
0x2b: {  	s6 =	sld [smem:$0x3FB4]  }
0x2c: {  	s7 =	sld [smem:$0x3FB5]  }
0x2d: {  	s3 =	simm.s32 $0x108;
	s8 =	sld [smem:$0x3FB6]  }
0x2e: {  	s3 =	simm.s32 @!p0 $0x1082;
	s9 =	sld [smem:$0x3FB7]  }
0x2f: {  	lr =	sadd.s32 s0, s3;
	s0 =	sld [smem:$0x3FAE]  }
0x30: {  	s3 =	sld [smem:$0x3FB1]  }
0x31: {  	[smem:$0x3FBA] =	sst s10  }
0x32: {  	s10 =	sld [smem:$0x3FB8];
	_ =	sdelay $0x3  }
0x33: {  	p0 =	seq.s32 s10, $0x1;
	s10 =	sld [smem:$0x3FBA];
	_ =	sdelay $0x3  }
0x34: {  	[smem:$0x3FBA] =	sst s10  }
0x35: {  	s10 =	sld [smem:$0x3FB9];
	_ =	sdelay $0x3  }
0x36: {  	p1 =	seq.s32 s10, $0x1;
	s10 =	sld [smem:$0x3FBA];
	_ =	sdelay $0x3  }
0x37: {  	[smem:$0x3FBA] =	sst s10  }
0x38: {  	s10 =	sld [smem:$0x3FBB]  }
0x39: {  	_ = 	snop;
	(pc) =	sbr.ind lr, $3  }
0x3a: {  	_ = 	snop  }
0x3b: {  	_ = 	snop  }
0x3c: {  	p2 =	seq.s32 s10, $0x1;
	s10 =	sld [smem:$0x3FBA]  }
0x3d: {  	_ =	shalt  }
0x3e: {  	_ =	shalt  }
0x3f: {  	_ =	shalt  }
0x40: {  	_ =	shalt  }
0x41: {  	_ =	shalt  }
0x42: {  	_ =	shalt  }
0x43: {  	_ =	shalt  }
0x44: {  	_ =	shalt  }
0x45: {  	_ =	shalt  }
0x46: {  	_ =	shalt  }
0x47: {  	_ =	shalt  }
0x48: {  	_ =	shalt  }
0x49: {  	_ =	shalt  }
0x4a: {  	_ =	shalt  }
0x4b: {  	_ =	shalt  }
0x4c: {  	_ =	shalt  }
0x4d: {  	_ =	shalt  }
0x4e: {  	_ =	shalt  }
0x4f: {  	_ =	shalt  }
0x50: {  	_ =	shalt  }
0x51: {  	_ =	shalt  }
0x52: {  	_ =	shalt  }
0x53: {  	_ =	shalt  }
0x54: {  	_ =	shalt  }
0x55: {  	_ =	shalt  }
0x56: {  	_ =	shalt  }
0x57: {  	_ =	shalt  }
0x58: {  	_ =	shalt  }
0x59: {  	_ =	shalt  }
0x5a: {  	_ =	shalt  }
0x5b: {  	_ =	shalt  }
0x5c: {  	_ =	shalt  }
0x5d: {  	_ =	shalt  }
0x5e: {  	_ =	shalt  }
0x5f: {  	_ =	shalt  }
0x60: {  	_ =	shalt  }
0x61: {  	_ =	shalt  }
0x62: {  	_ =	shalt  }
0x63: {  	_ =	shalt  }
0x64: {  	_ =	shalt  }
0x65: {  	_ =	shalt  }
0x66: {  	_ =	shalt  }
0x67: {  	_ =	shalt  }
0x68: {  	_ =	shalt  }
0x69: {  	_ =	shalt  }
0x6a: {  	_ =	shalt  }
0x6b: {  	_ =	shalt  }
0x6c: {  	_ =	shalt  }
0x6d: {  	_ =	shalt  }
0x6e: {  	_ =	shalt  }
0x6f: {  	_ =	shalt  }
0x70: {  	_ =	shalt  }
0x71: {  	_ =	shalt  }
0x72: {  	_ =	shalt  }
0x73: {  	_ =	shalt  }
0x74: {  	_ =	shalt  }
0x75: {  	_ =	shalt  }
0x76: {  	_ =	shalt  }
0x77: {  	_ =	shalt  }
0x78: {  	_ =	shalt  }
0x79: {  	_ =	shalt  }
0x7a: {  	_ =	shalt  }
0x7b: {  	_ =	shalt  }
0x7c: {  	_ =	shalt  }
0x7d: {  	_ =	shalt  }
0x7e: {  	_ =	shalt  }
0x7f: {  	_ =	shalt  }
0x80: {  	_ =	shalt  }
0x81: {  	_ =	shalt  }
0x82: {  	_ =	shalt  }
0x83: {  	_ =	shalt  }
0x84: {  	_ =	shalt  }
0x85: {  	_ =	shalt  }
0x86: {  	_ =	shalt  }
0x87: {  	_ =	shalt  }
.Lfunc_end0:
.L_simem_size_0:
called_computation_lowered:
.L_overlay_start_0:
0x88: {  	s2 =	sld [smem:$0x3FD9]  }
0x89: {  	s3 =	sld [smem:$0x3FFE];
	_ =	sdelay $0x1  }
0x8a: {  	s1 =	srdreg.scid  }
0x8b: {  	s0 =	sand.u32 $0x1, s1  }
0x8c: {  	s17 =	sshll.u32 s0, $0xA;
	s2 =	sadd.s32 s3, s2  }
0x8d: {  	s2 =	sadd.s32 s2, s17  }
0x8e: {  	[smem:$0x3FC6] =	sst s2  }
0x8f: {  	_ = 	snop  }
0x90: {  	s2 =	sld [smem:$0x3FD0];
	(tm) =	ssettm $0x1  }
0x91: {  	s18 =	sld [smem:$0x3FFB];
	_ =	sdelay $0x3  }
0x92: {  	_ =	strace s18  }
0x93: {  	s3 =	sld [smem:$0x3FFC];
	_ =	sdelay $0x3  }
0x94: {  	_ =	strace s3  }
0x95: {  	s3 =	sld [smem:$0x3FFD];
	_ =	sdelay $0x3  }
0x96: {  	_ =	strace s3  }
0x97: {  	_ =	strace $0x8FFFFFFF  }
0x98: {  	s19 =	sld [smem:$0x3FDB];
	_ =	sdelay $0x1  }
0x99: {  	s4 =	simm.s32 $_scs_section_size  }
0x9a: {  	s5 =	simm.s32 $_size__tile_overlayer_lowered;
	s6 =	simm.s32 $_tile_overlayer_lowered  }
0x9b: {  	s22 =	simm.s32 $0x1BFF;
	s21 =	sshll.u32 s6, $0x1;
	s3 =	sadd.s32 s4, s19  }
0x9c: {  	s7 =	simm.s32 $0x0;
	s20 =	sshll.u32 s5, $0x1;
	s5 =	sadd.s32 s21, s3  }
0x9d: {  	[timem:s7], [sflag:s22] =	dma.local [hbm:s5], s20  }
0x9e: {  	_ =	swait.ge [sflag:s22], s20  }
0x9f: {  	s4 =	ssub.s32 $0x0, s20;
	[sflag:s22] =	ssyncset.done $0x0  }
0xa0: {  	[sflag:s22] =	ssyncadd.s32 s4;
	_ =	sdelay $0x1  }
0xa1: {  	s23 =	simm.s32 $0x1B8B  }
0xa2: {  	_ =	swait.ge [sflag:s23], $0x1  }
0xa3: {  	[sflag:s23] =	ssyncset.done $0x0  }
0xa4: {  	s25 =	simm.s32 $0x1B8E;
	s24 =	sld [smem:$0x3FFE];
	[sflag:s23] =	ssyncadd.s32 $0xFFFFFFFF  }
0xa5: {  	s26 =	simm.s32 $execute0_lowered;
	[smem:$0x3FD2] =	sst s25  }
0xa6: {  	s5 =	sshll.u32 s26, $0x1;
	_ =	strace $0x80000046;
	[dreg:$0x1] =	wrdreg $0xFFFFFFFF  }
0xa7: {  	s28 =	simm.s32 $_size_execute0_lowered;
	s3 =	sadd.s32 s3, s5;
	[dreg:$0x0] =	wrdreg $0x0  }
0xa8: {  	s5 =	sshll.u32 s28, $0x1;
	[dreg:$0x2] =	wrdreg s3  }
0xa9: {  	[dreg:$0x3] =	wrdreg s5  }
0xaa: {  	[dreg:$0x4] =	wrdreg $0xC0  }
0xab: {  	_ =	task [dreg:s7], $0x5FFFF  }
0xac: {  	[dreg:$0x1] =	wrdreg $0xFFFFFFFF  }
0xad: {  	[dreg:$0x0] =	wrdreg $0x60  }
0xae: {  	[dreg:$0x2] =	wrdreg s24  }
0xaf: {  	[dreg:$0x3] =	wrdreg s2  }
0xb0: {  	[dreg:$0x4] =	wrdreg $0x9  }
0xb1: {  	_ =	task.clear_ibuf [dreg:s7], $0x5FFFF;
	_ =	strace $0x90000046  }
0xb2: {  	s29 =	simm.s32 $0x9;
	_ =	strace $0x80000048  }
0xb3: {  	_ =	swait.ge [sflag:s29], $0x1  }
0xb4: {  	[sflag:s29] =	ssyncadd.s32 $0xFFFFFFFF  }
0xb5: {  	_ =	strace $0x90000048  }
0xb6: {  	_ =	sfence  }
0xb7: {  	s30 =	sld [smem:$0x0];
	_ =	sdelay $0x2  }
0xb8: {  	s31 =	sshll.u32 s1, $0xD;
	s1 =	sshrl.u32 s1, $0x2  }
0xb9: {  	s3 =	sand.u32 $0x4000, s31;
	s1 =	sadd.s32 s1, s30  }
0xba: {  	s0 =	sor.u32 s3, s0;
	s1 =	sshll.u32 s1, $0x11  }
0xbb: {  	s0 =	sor.u32 s1, s0  }
0xbc: {  	s0 =	sadd.s32 $0x8F2B, s0  }
0xbd: {  	[sflag:s0] =	ssyncadd.remote.s32 $0x1  }
0xbe: {  	_ =	sfence.sel $0xFFFF  }
0xbf: {  	[dreg:$0x0] =	wrdreg $0xFFFFFFFF;
	(pc) =	sbr.abs _section_cstart, $3  }
0xc0: {  	[dreg:$0x1] =	wrdreg $0xFFFFFFFF  }
0xc1: {  	_ =	task.clear_ibuf [dreg:s7], $0x2FFFF;
	_ =	strace $0x9FFFFFFF  }
0xc2: {  	(tm) =	ssettm $0x7FFFFFFF  }
0xc3: {  	_ =	shalt  }
tec
execute0_lowered:
.L_overlay_start_1:
0x0: {  	(tag) =	ssettag $0x1  }
0x1: {  	v0 =	vimm.s32 $0x38F;
	vm0 =	vcmask $0x300  }
0x2: {  	vm14 =	vcmask $0x704;
	v0 =	vsel vm0, $0x0, v0  }
0x3: {  	s0 =	rddreg [dreg:$0x0];
	vm15 =	vcmask $0xB08;
	v0 =	vsel vm14, $0x81, v0  }
0x4: {  	s1 =	rddreg [dreg:$0x1];
	vm4 =	vcmask $0xF0C;
	v0 =	vsel vm15, $0x102, v0  }
0x5: {  	s2 =	simm.s32 $0x0;
	s3 =	srdreg.scid;
	s7 =	stileid.u32;
	vm5 =	vcmask $0x1310;
	v0 =	vsel vm4, $0x183, v0  }
0x6: {  	s8 =	simm.s32 $0x80;
	s10 =	simm.s32 $0x3;
	s11 =	simm.s32 $0x400;
	vm6 =	vcmask $0x1714;
	v0 =	vsel vm5, $0x204, v0  }
0x7: {  	s17 =	simm.s32 $0x1;
	s18 =	simm.s32 $0x200;
	s19 =	simm.s32 $0x4400;
	vm7 =	vcmask $0x1B18;
	v0 =	vsel vm6, $0x285, v0  }
0x8: {  	s26 =	simm.s32 $0x8400;
	vm8 =	vcmask $0x1F1C;
	s22 =	simm.s32 $0xC400;
	s31 =	simm.s32 $0xE000;
	v0 =	vsel vm7, $0x306, v0  }
0x9: {  	vm9 =	vcmask $0x2320;
	s9 =	simm.s32 $0xEC00;
	s12 =	simm.s32 $0xF400;
	s13 =	simm.s32 $0xF800;
	v0 =	vsel vm8, $0x387, v0  }
0xa: {  	vm10 =	vcmask $0x2724;
	s14 =	simm.s32 $0xFC00;
	s15 =	simm.s32 $0x10000;
	s16 =	simm.s32 $0x2;
	v0 =	vsel vm9, $0x8, v0  }
0xb: {  	vm11 =	vcmask $0x2B28;
	s20 =	simm.s32 $0x0;
	[smem:$0x7FF] =	sst s2;
	s3 =	sand.u32 $0x1, s3;
	v0 =	vsel vm10, $0x89, v0  }
0xc: {  	vm12 =	vcmask $0x2F2C;
	s4 =	sadd.s32 $0x600, s0;
	s5 =	sadd.s32 $0xF42C00, s0;
	s6 =	ssub.s32 $0x2, s3;
	v0 =	vsel vm11, $0x10A, v0  }
0xd: {  	vm13 =	vcmask $0x3330;
	s30 =	sshll.u32 s7, $0x3;
	s3 =	sshll.u32 s3, $0x2;
	s29 =	sshrl.u32 s6, $0x1;
	v0 =	vsel vm12, $0x18B, v0  }
0xe: {  	s7 =	simm.s32 $0xF000;
	vm14 =	vcmask $0x3734;
	s3 =	sor.u32 s3, s30;
	s0 =	ssub.s32 s6, s29;
	v0 =	vsel vm13, $0x20C, v0  }
0xf: {  	_ =	strace $0x80000047;
	vm15 =	vcmask $0x3B38;
	[dreg:$0x3] =	wrdreg s3;
	s0 =	smax.u32 s0, $0x1;
	v0 =	vsel vm14, $0x28D, v0  }
0x10: {  	v1 =	vimm.s32 $0x80;
	s3 =	simm.s32 $0xE800;
	[dreg:$0x4] =	wrdreg s0;
	s0 =	simm.s32 $0xE400;
	v0 =	vsel vm15, $0x30E, v0  }
.LBB2_1:
0x11: {  	[dreg:$0x5] =	wrdreg s20;
	s20 =	simm.s32 $0x0  }
.LBB2_2:
0x12: {  	s6 =	rddreg [dreg:$0x3]  }
0x13: {  	s23 =	sadd.s32 s6, s20  }
0x14: {  	[dreg:$0x6] =	wrdreg s20;
	s6 =	sshll.u32 s23, $0x4  }
0x15: {  	s21 =	simm.s32 $0x4000;
	s30 =	sadd.s32 s4, s6;
	s6 =	simm.s32 $0x0  }
0x16: {  	[tilespmem:s6], [sflag:$0x3] =	stream.strided.gather [hbm4b:s30+s8], $0x200, s21, s8, $0x38;
	[tilespmem:$0x10400] =	vst v63  }
0x17: {  	_ =	swait.ge [sflag:s10], $0x200  }
0x18: {  	[sflag:s10] =	ssyncset.done $0x0  }
0x19: {  	[sflag:s10] =	ssyncadd.s32 $0xFFFFFE00  }
0x1a: {  	[tilespmem:s11], [sflag:$0x1] =	stream.indirect.gather [hbm4b:s5+s8], $0x20, s6, s8, $0xb8;
	[tilespmem:$0x10400] =	vst v63  }
0x1b: {  	s24 =	simm.s32 $0x1400;
	s25 =	simm.s32 $0x100  }
0x1c: {  	[tilespmem:s24], [sflag:$0x1] =	stream.indirect.gather [hbm4b:s5+s8], $0x20, s8, s8, $0xb8;
	[tilespmem:$0x10400] =	vst v63  }
0x1d: {  	s28 =	simm.s32 $0x2400;
	s29 =	simm.s32 $0x180;
	s20 =	sshll.u32 s23, $0x7  }
0x1e: {  	[tilespmem:s28], [sflag:$0x1] =	stream.indirect.gather [hbm4b:s5+s8], $0x20, s25, s8, $0xb8;
	[tilespmem:$0x10400] =	vst v63  }
0x1f: {  	s23 =	sshll.u32 s23, $0xA;
	s30 =	simm.s32 $0x3400;
	s21 =	sadd.s32 $0x20000, s20  }
0x20: {  	[tilespmem:s30], [sflag:$0x1] =	stream.indirect.gather [hbm4b:s5+s8], $0x20, s29, s8, $0xb8;
	[tilespmem:$0x10400] =	vst v63  }
.LBB2_3:
0x21: {  	_ =	swait.ge [sflag:s17], $0x1000  }
0x22: {  	[sflag:s17] =	ssyncset.done $0x0  }
0x23: {  	[sflag:s17] =	ssyncadd.s32 $0xFFFFF000  }
0x24: {  	_ =	swait.ge [sflag:s17], $0x1000  }
0x25: {  	[sflag:s17] =	ssyncset.done $0x0  }
0x26: {  	[sflag:s17] =	ssyncadd.s32 $0xFFFFF000  }
0x27: {  	_ =	swait.ge [sflag:s17], $0x1000  }
0x28: {  	s24 =	sshllo.u32 s6, $0x1;
	[sflag:s17] =	ssyncset.done $0x0  }
0x29: {  	s25 =	sshll.u32 s24, $0x10;
	[sflag:s17] =	ssyncadd.s32 $0xFFFFF000  }
0x2a: {  	s25 =	sadd.s32 s20, s25;
	_ =	swait.ge [sflag:s17], $0x1000  }
0x2b: {  	s25 =	sshrl.u32 s25, $0x3;
	[sflag:s17] =	ssyncset.done $0x0  }
0x2c: {  	s28 =	simm.s32 $0x4000;
	s25 =	sadd.s32 s4, s25;
	[sflag:s17] =	ssyncadd.s32 $0xFFFFF000  }
0x2d: {  	[tilespmem:s18], [sflag:$0x3] =	stream.strided.gather [hbm4b:s25+s8], $0x200, s28, s8, $0x38;
	[tilespmem:$0x10400] =	vst v63  }
0x2e: {  	_ =	swait.ge [sflag:s10], $0x200  }
0x2f: {  	[sflag:s10] =	ssyncset.done $0x0  }
0x30: {  	[sflag:s10] =	ssyncadd.s32 $0xFFFFFE00  }
0x31: {  	[tilespmem:s19], [sflag:$0x1] =	stream.indirect.gather [hbm4b:s5+s8], $0x20, s18, s8, $0xb8;
	[tilespmem:$0x10400] =	vst v63  }
0x32: {  	s29 =	simm.s32 $0x280;
	s30 =	simm.s32 $0x5400  }
0x33: {  	[tilespmem:s30], [sflag:$0x1] =	stream.indirect.gather [hbm4b:s5+s8], $0x20, s29, s8, $0xb8;
	[tilespmem:$0x10400] =	vst v63  }
0x34: {  	p0 =	seq.s32 s6, $0x0;
	s29 =	simm.s32 $0x300;
	s30 =	simm.s32 $0x6400  }
0x35: {  	[tilespmem:s30], [sflag:$0x1] =	stream.indirect.gather [hbm4b:s5+s8], $0x20, s29, s8, $0xb8;
	[tilespmem:$0x10400] =	vst v63  }
0x36: {  	s25 =	simm.s32 @!p0 $0x2;
	s29 =	simm.s32 $0x380;
	s30 =	simm.s32 $0x7400  }
0x37: {  	[tilespmem:s30], [sflag:$0x1] =	stream.indirect.gather [hbm4b:s5+s8], $0x20, s29, s8, $0xb8;
	[tilespmem:$0x10400] =	vst v63  }
0x38: {  	_ =	swait.ge @!p0 [sflag:s25], $0x400  }
0x39: {  	[sflag:s25] =	ssyncset.done @!p0 $0x0  }
0x3a: {  	[sflag:s25] =	ssyncadd.s32 @!p0 $0xFFFFFC00  }
0x3b: {  	_ =	swait.ge @!p0 [sflag:s25], $0x400  }
0x3c: {  	[sflag:s25] =	ssyncset.done @!p0 $0x0  }
0x3d: {  	[sflag:s25] =	ssyncadd.s32 @!p0 $0xFFFFFC00  }
0x3e: {  	_ =	swait.ge @!p0 [sflag:s25], $0x400  }
0x3f: {  	[sflag:s25] =	ssyncset.done @!p0 $0x0  }
0x40: {  	[sflag:s25] =	ssyncadd.s32 @!p0 $0xFFFFFC00  }
0x41: {  	_ =	swait.ge @!p0 [sflag:s25], $0x400  }
0x42: {  	[sflag:s25] =	ssyncset.done @!p0 $0x0  }
0x43: {  	[sflag:s25] =	ssyncadd.s32 @!p0 $0xFFFFFC00  }
0x44: {  	_ =	swait.ge @!p0 [sflag:s25], $0x400  }
0x45: {  	[sflag:s25] =	ssyncset.done @!p0 $0x0  }
0x46: {  	[sflag:s25] =	ssyncadd.s32 @!p0 $0xFFFFFC00  }
0x47: {  	_ =	swait.ge @!p0 [sflag:s25], $0x400  }
0x48: {  	[sflag:s25] =	ssyncset.done @!p0 $0x0  }
0x49: {  	[sflag:s25] =	ssyncadd.s32 @!p0 $0xFFFFFC00  }
0x4a: {  	_ =	swait.ge @!p0 [sflag:s25], $0x400  }
0x4b: {  	[sflag:s25] =	ssyncset.done @!p0 $0x0  }
0x4c: {  	[sflag:s25] =	ssyncadd.s32 @!p0 $0xFFFFFC00  }
0x4d: {  	_ =	swait.ge @!p0 [sflag:s25], $0x400  }
0x4e: {  	[sflag:s25] =	ssyncset.done @!p0 $0x0  }
0x4f: {  	[sflag:s25] =	ssyncadd.s32 @!p0 $0xFFFFFC00  }
0x50: {  	_ =	swait.ge @!p0 [sflag:s25], $0x400  }
0x51: {  	[sflag:s25] =	ssyncset.done @!p0 $0x0  }
0x52: {  	[sflag:s25] =	ssyncadd.s32 @!p0 $0xFFFFFC00  }
0x53: {  	_ =	swait.ge @!p0 [sflag:s25], $0x400  }
0x54: {  	[sflag:s25] =	ssyncset.done @!p0 $0x0  }
0x55: {  	[sflag:s25] =	ssyncadd.s32 @!p0 $0xFFFFFC00  }
0x56: {  	_ =	swait.ge @!p0 [sflag:s25], $0x400  }
0x57: {  	[sflag:s25] =	ssyncset.done @!p0 $0x0  }
0x58: {  	[sflag:s25] =	ssyncadd.s32 @!p0 $0xFFFFFC00  }
0x59: {  	_ =	swait.ge @!p0 [sflag:s25], $0x400  }
0x5a: {  	[sflag:s25] =	ssyncset.done @!p0 $0x0  }
0x5b: {  	[sflag:s25] =	ssyncadd.s32 @!p0 $0xFFFFFC00  }
0x5c: {  	_ =	swait.ge @!p0 [sflag:s25], $0x400  }
0x5d: {  	[sflag:s25] =	ssyncset.done @!p0 $0x0  }
0x5e: {  	[sflag:s25] =	ssyncadd.s32 @!p0 $0xFFFFFC00  }
0x5f: {  	_ =	swait.ge @!p0 [sflag:s25], $0x400  }
0x60: {  	[sflag:s25] =	ssyncset.done @!p0 $0x0  }
0x61: {  	[sflag:s25] =	ssyncadd.s32 @!p0 $0xFFFFFC00  }
0x62: {  	_ =	swait.ge @!p0 [sflag:s25], $0x400  }
0x63: {  	[sflag:s25] =	ssyncset.done @!p0 $0x0  }
0x64: {  	[sflag:s25] =	ssyncadd.s32 @!p0 $0xFFFFFC00  }
0x65: {  	_ =	swait.ge @!p0 [sflag:s25], $0x400  }
0x66: {  	[sflag:s25] =	ssyncset.done @!p0 $0x0  }
0x67: {  	[sflag:s25] =	ssyncadd.s32 @!p0 $0xFFFFFC00;
	s25 =	simm.s32 $0x0  }
.LBB2_4:
0x68: {  	s28 =	sshll.u32 s25, $0x7;
	v10 =	vlaneseq.u32  }
0x69: {  	v2 =	vmov s28;
	v9 =	vmul.u32 $0x20, v10  }
0x6a: {  	v11 =	vshll.u32 v2, $0x5  }
0x6b: {  	v2 =	vor.u32 v9, v11  }
0x6c: {  	v3 =	vor.u32 v2, v10  }
0x6d: {  	s28 =	sshll.u32 s25, $0x2;
	v4 =	vshrl.u32 v10, $0x3  }
0x6e: {  	v5 =	vmov s28;
	v4 =	vmul.u32 $0x400, v4  }
0x6f: {  	v5 =	vshll.u32 v5, $0xA  }
0x70: {  	v4 =	vor.u32 v4, v5;
	v5 =	vor.u32 $0x200, v9  }
0x71: {  	v12 =	vor.u32 v0, v4;
	v4 =	vor.u32 v5, v11;
	v3 =	vld.idx.msk [tilespmem:v3+s11+$0x0], $0xffff  }
0x72: {  	v5 =	vor.u32 v4, v10;
	_ =	sdelay $0x3  }
0x73: {  	v6 =	vor.u32 $0x400, v9;
	[tilespmem:v12+s26+$0x0] =	vst.idx.msk $0xffff, v3  }
0x74: {  	v3 =	vor.u32 v6, v11;
	v6 =	vadd.s32 $0x10, v12;
	v5 =	vld.idx.msk [tilespmem:v5+s11+$0x0], $0xffff  }
0x75: {  	v7 =	vor.u32 v3, v10;
	_ =	sdelay $0x3  }
0x76: {  	v8 =	vor.u32 $0x600, v9;
	[tilespmem:v6+s26+$0x0] =	vst.idx.msk $0xffff, v5  }
0x77: {  	v5 =	vor.u32 v8, v11;
	v6 =	vld.idx.msk [tilespmem:v7+s11+$0x0], $0xffff;
	v7 =	vadd.s32 $0x20, v12  }
0x78: {  	v8 =	vor.u32 v5, v10;
	_ =	sdelay $0x3  }
0x79: {  	v13 =	vor.u32 $0x800, v9;
	[tilespmem:v7+s26+$0x0] =	vst.idx.msk $0xffff, v6  }
0x7a: {  	v6 =	vor.u32 v13, v11;
	v7 =	vld.idx.msk [tilespmem:v8+s11+$0x0], $0xffff;
	v8 =	vadd.s32 $0x30, v12  }
0x7b: {  	v13 =	vor.u32 v6, v10;
	_ =	sdelay $0x3  }
0x7c: {  	v14 =	vor.u32 $0xA00, v9;
	[tilespmem:v8+s26+$0x0] =	vst.idx.msk $0xffff, v7  }
0x7d: {  	v7 =	vor.u32 v14, v11;
	v8 =	vld.idx.msk [tilespmem:v13+s11+$0x0], $0xffff;
	v13 =	vadd.s32 $0x40, v12  }
0x7e: {  	v14 =	vor.u32 v7, v10;
	_ =	sdelay $0x3  }
0x7f: {  	v15 =	vor.u32 $0xC00, v9;
	[tilespmem:v13+s26+$0x0] =	vst.idx.msk $0xffff, v8  }
0x80: {  	v8 =	vor.u32 v15, v11;
	v13 =	vld.idx.msk [tilespmem:v14+s11+$0x0], $0xffff;
	v14 =	vadd.s32 $0x50, v12  }
0x81: {  	v15 =	vor.u32 v8, v10;
	_ =	sdelay $0x3  }
0x82: {  	v9 =	vor.u32 $0xE00, v9;
	[tilespmem:v14+s26+$0x0] =	vst.idx.msk $0xffff, v13  }
0x83: {  	v9 =	vor.u32 v9, v11;
	v13 =	vadd.s32 $0x60, v12;
	v11 =	vld.idx.msk [tilespmem:v15+s11+$0x0], $0xffff  }
0x84: {  	v14 =	vor.u32 v9, v10;
	_ =	sdelay $0x3  }
0x85: {  	[tilespmem:v13+s26+$0x0] =	vst.idx.msk $0xffff, v11;
	v11 =	vadd.s32 $0x1, v10  }
0x86: {  	v13 =	vld.idx.msk [tilespmem:v14+s11+$0x0], $0xffff;
	v14 =	vadd.s32 $0x70, v12;
	v11 =	vand.u32 $0x1F, v11  }
0x87: {  	v15 =	vor.u32 v2, v11;
	_ =	sdelay $0x2  }
0x88: {  	vm0 =	veq.s32 v10, $0x1F  }
0x89: {  	[tilespmem:v14+s26+$0x0] =	vst.idx.msk $0xffff, v13;
	v13 =	vsel vm0, $0xFFFFF080, v1  }
0x8a: {  	v14 =	vld.idx.msk [tilespmem:v15+s11+$0x0], $0xffff;
	v13 =	vadd.s32 v12, v13  }
0x8b: {  	v15 =	vor.u32 v4, v11;
	_ =	sdelay $0x2  }
0x8c: {  	v12 =	vand.u32 $0x7, v12;
	v16 =	vand.u32 $0xFFFFFFF8, v13  }
0x8d: {  	[tilespmem:v13+s26+$0x0] =	vst.idx.msk $0xffff, v14;
	v14 =	vor.u32 v12, v16  }
0x8e: {  	v12 =	vld.idx.msk [tilespmem:v15+s11+$0x0], $0xffff;
	v15 =	vadd.s32 $0x10, v14  }
0x8f: {  	v16 =	vor.u32 v3, v11;
	_ =	sdelay $0x3  }
0x90: {  	[tilespmem:v15+s26+$0x0] =	vst.idx.msk $0xffff, v12  }
0x91: {  	v15 =	vadd.s32 $0x20, v14;
	v12 =	vld.idx.msk [tilespmem:v16+s11+$0x0], $0xffff  }
0x92: {  	v16 =	vor.u32 v5, v11;
	_ =	sdelay $0x3  }
0x93: {  	[tilespmem:v15+s26+$0x0] =	vst.idx.msk $0xffff, v12  }
0x94: {  	v15 =	vadd.s32 $0x30, v14;
	v12 =	vld.idx.msk [tilespmem:v16+s11+$0x0], $0xffff  }
0x95: {  	v16 =	vor.u32 v6, v11;
	_ =	sdelay $0x3  }
0x96: {  	[tilespmem:v15+s26+$0x0] =	vst.idx.msk $0xffff, v12  }
0x97: {  	v15 =	vadd.s32 $0x40, v14;
	v12 =	vld.idx.msk [tilespmem:v16+s11+$0x0], $0xffff  }
0x98: {  	v16 =	vor.u32 v7, v11;
	_ =	sdelay $0x3  }
0x99: {  	[tilespmem:v15+s26+$0x0] =	vst.idx.msk $0xffff, v12  }
0x9a: {  	v15 =	vadd.s32 $0x50, v14;
	v12 =	vld.idx.msk [tilespmem:v16+s11+$0x0], $0xffff  }
0x9b: {  	v16 =	vor.u32 v8, v11;
	_ =	sdelay $0x3  }
0x9c: {  	[tilespmem:v15+s26+$0x0] =	vst.idx.msk $0xffff, v12  }
0x9d: {  	v15 =	vadd.s32 $0x60, v14;
	v12 =	vld.idx.msk [tilespmem:v16+s11+$0x0], $0xffff  }
0x9e: {  	v16 =	vor.u32 v9, v11;
	_ =	sdelay $0x1  }
0x9f: {  	vm15 =	veq.s32 v11, $0x1F  }
0xa0: {  	v11 =	vsel vm15, $0xFFFFF080, v1  }
0xa1: {  	v17 =	vadd.s32 $0x2, v10;
	[tilespmem:v15+s26+$0x0] =	vst.idx.msk $0xffff, v12  }
0xa2: {  	v14 =	vadd.s32 $0x70, v14;
	v10 =	vadd.s32 v13, v11;
	v12 =	vand.u32 $0x1F, v17;
	v13 =	vld.idx.msk [tilespmem:v16+s11+$0x0], $0xffff  }
0xa3: {  	s28 =	simm.s32 $0xE;
	v11 =	vmov v10;
	v15 =	vor.u32 v2, v12  }
.LBB2_5:
0xa4: {  	_ =	sdelay $0x2  }
0xa5: {  	p0 =	sne.s32 s28, $0x1;
	s28 =	sadd.s32 $0xFFFFFFFF, s28;
	[tilespmem:v14+s26+$0x0] =	vst.idx.msk $0xffff, v13  }
0xa6: {  	v13 =	vld.idx.msk [tilespmem:v15+s11+$0x0], $0xffff;
	_ =	sdelay $0x1  }
0xa7: {  	v14 =	vor.u32 v4, v12;
	_ =	sdelay $0x3  }
0xa8: {  	[tilespmem:v10+s26+$0x0] =	vst.idx.msk $0xffff, v13  }
0xa9: {  	v13 =	vld.idx.msk [tilespmem:v14+s11+$0x0], $0xffff  }
0xaa: {  	v14 =	vadd.s32 $0x10, v10  }
0xab: {  	v15 =	vor.u32 v3, v12;
	_ =	sdelay $0x3  }
0xac: {  	[tilespmem:v14+s26+$0x0] =	vst.idx.msk $0xffff, v13  }
0xad: {  	v13 =	vld.idx.msk [tilespmem:v15+s11+$0x0], $0xffff  }
0xae: {  	v14 =	vadd.s32 $0x20, v10  }
0xaf: {  	v15 =	vor.u32 v5, v12;
	_ =	sdelay $0x3  }
0xb0: {  	[tilespmem:v14+s26+$0x0] =	vst.idx.msk $0xffff, v13  }
0xb1: {  	v13 =	vld.idx.msk [tilespmem:v15+s11+$0x0], $0xffff  }
0xb2: {  	v14 =	vadd.s32 $0x30, v10  }
0xb3: {  	v15 =	vor.u32 v6, v12;
	_ =	sdelay $0x3  }
0xb4: {  	[tilespmem:v14+s26+$0x0] =	vst.idx.msk $0xffff, v13  }
0xb5: {  	v13 =	vld.idx.msk [tilespmem:v15+s11+$0x0], $0xffff  }
0xb6: {  	v14 =	vadd.s32 $0x40, v10  }
0xb7: {  	v15 =	vor.u32 v7, v12;
	_ =	sdelay $0x3  }
0xb8: {  	[tilespmem:v14+s26+$0x0] =	vst.idx.msk $0xffff, v13  }
0xb9: {  	v13 =	vld.idx.msk [tilespmem:v15+s11+$0x0], $0xffff  }
0xba: {  	v14 =	vadd.s32 $0x50, v10  }
0xbb: {  	v15 =	vor.u32 v8, v12;
	_ =	sdelay $0x3  }
0xbc: {  	[tilespmem:v14+s26+$0x0] =	vst.idx.msk $0xffff, v13  }
0xbd: {  	v13 =	vld.idx.msk [tilespmem:v15+s11+$0x0], $0xffff  }
0xbe: {  	v14 =	vadd.s32 $0x60, v10  }
0xbf: {  	v15 =	vor.u32 v9, v12;
	_ =	sdelay $0x3  }
0xc0: {  	[tilespmem:v14+s26+$0x0] =	vst.idx.msk $0xffff, v13  }
0xc1: {  	v14 =	vadd.s32 $0x1, v12;
	v13 =	vld.idx.msk [tilespmem:v15+s11+$0x0], $0xffff  }
0xc2: {  	v15 =	vadd.s32 $0x70, v10;
	v14 =	vand.u32 $0x1F, v14  }
0xc3: {  	v16 =	vor.u32 v2, v14;
	vm0 =	veq.s32 v14, $0x1F  }
0xc4: {  	v17 =	vsel vm0, $0xFFFFF080, v1;
	_ =	sdelay $0x2  }
0xc5: {  	vm0 =	veq.s32 v12, $0x1F;
	[tilespmem:v15+s26+$0x0] =	vst.idx.msk $0xffff, v13  }
0xc6: {  	v13 =	vsel vm0, $0xFFFFF080, v1;
	v15 =	vld.idx.msk [tilespmem:v16+s11+$0x0], $0xffff  }
0xc7: {  	v13 =	vadd.s32 v10, v13  }
0xc8: {  	v16 =	vor.u32 v4, v14;
	v18 =	vand.u32 $0xFFFFFFF8, v13;
	v10 =	vadd.s32 v13, v17;
	_ =	sdelay $0x3  }
0xc9: {  	v17 =	vand.u32 $0x7, v11;
	v11 =	vmov v10;
	[tilespmem:v13+s26+$0x0] =	vst.idx.msk $0xffff, v15  }
0xca: {  	v15 =	vor.u32 v17, v18;
	v13 =	vld.idx.msk [tilespmem:v16+s11+$0x0], $0xffff  }
0xcb: {  	v16 =	vadd.s32 $0x10, v15  }
0xcc: {  	v17 =	vor.u32 v3, v14;
	_ =	sdelay $0x3  }
0xcd: {  	[tilespmem:v16+s26+$0x0] =	vst.idx.msk $0xffff, v13  }
0xce: {  	v13 =	vld.idx.msk [tilespmem:v17+s11+$0x0], $0xffff  }
0xcf: {  	v16 =	vadd.s32 $0x20, v15  }
0xd0: {  	v17 =	vor.u32 v5, v14;
	_ =	sdelay $0x3  }
0xd1: {  	[tilespmem:v16+s26+$0x0] =	vst.idx.msk $0xffff, v13  }
0xd2: {  	v13 =	vld.idx.msk [tilespmem:v17+s11+$0x0], $0xffff  }
0xd3: {  	v16 =	vadd.s32 $0x30, v15  }
0xd4: {  	v17 =	vor.u32 v6, v14;
	_ =	sdelay $0x3  }
0xd5: {  	[tilespmem:v16+s26+$0x0] =	vst.idx.msk $0xffff, v13  }
0xd6: {  	v13 =	vld.idx.msk [tilespmem:v17+s11+$0x0], $0xffff  }
0xd7: {  	v16 =	vadd.s32 $0x40, v15  }
0xd8: {  	v17 =	vor.u32 v7, v14;
	_ =	sdelay $0x3  }
0xd9: {  	[tilespmem:v16+s26+$0x0] =	vst.idx.msk $0xffff, v13  }
0xda: {  	v13 =	vld.idx.msk [tilespmem:v17+s11+$0x0], $0xffff  }
0xdb: {  	v16 =	vadd.s32 $0x50, v15  }
0xdc: {  	v17 =	vor.u32 v8, v14;
	_ =	sdelay $0x3  }
0xdd: {  	[tilespmem:v16+s26+$0x0] =	vst.idx.msk $0xffff, v13  }
0xde: {  	v13 =	vld.idx.msk [tilespmem:v17+s11+$0x0], $0xffff  }
0xdf: {  	v16 =	vadd.s32 $0x60, v15  }
0xe0: {  	v14 =	vor.u32 v9, v14;
	_ =	sdelay $0x2  }
.Ltmp0:
0xe1: {  	(pc) =	sbr.rel @p0 .LBB2_5-.Ltmp0, $4  }
0xe2: {  	[tilespmem:v16+s26+$0x0] =	vst.idx.msk $0xffff, v13  }
0xe3: {  	v12 =	vadd.s32 $0x2, v12;
	v13 =	vld.idx.msk [tilespmem:v14+s11+$0x0], $0xffff  }
0xe4: {  	v12 =	vand.u32 $0x1F, v12;
	v14 =	vadd.s32 $0x70, v15  }
0xe5: {  	v15 =	vor.u32 v2, v12  }
0xe6: {  	_ =	sdelay $0x3  }
0xe7: {  	[tilespmem:v14+s26+$0x0] =	vst.idx.msk $0xffff, v13  }
0xe8: {  	v13 =	vld.idx.msk [tilespmem:v15+s11+$0x0], $0xffff  }
0xe9: {  	v36 =	vor.u32 v4, v12;
	_ =	sdelay $0x3  }
0xea: {  	[tilespmem:v10+s26+$0x0] =	vst.idx.msk $0xffff, v13  }
0xeb: {  	v37 =	vadd.s32 $0x10, v10;
	v13 =	vld.idx.msk [tilespmem:v36+s11+$0x0], $0xffff  }
0xec: {  	v38 =	vor.u32 v3, v12;
	_ =	sdelay $0x3  }
0xed: {  	[tilespmem:v37+s26+$0x0] =	vst.idx.msk $0xffff, v13  }
0xee: {  	v39 =	vadd.s32 $0x20, v10;
	v13 =	vld.idx.msk [tilespmem:v38+s11+$0x0], $0xffff  }
0xef: {  	v40 =	vor.u32 v5, v12;
	_ =	sdelay $0x3  }
0xf0: {  	[tilespmem:v39+s26+$0x0] =	vst.idx.msk $0xffff, v13  }
0xf1: {  	v41 =	vadd.s32 $0x30, v10;
	v13 =	vld.idx.msk [tilespmem:v40+s11+$0x0], $0xffff  }
0xf2: {  	v42 =	vor.u32 v6, v12;
	_ =	sdelay $0x3  }
0xf3: {  	[tilespmem:v41+s26+$0x0] =	vst.idx.msk $0xffff, v13  }
0xf4: {  	v43 =	vadd.s32 $0x40, v10;
	v13 =	vld.idx.msk [tilespmem:v42+s11+$0x0], $0xffff  }
0xf5: {  	v44 =	vor.u32 v7, v12;
	_ =	sdelay $0x3  }
0xf6: {  	[tilespmem:v43+s26+$0x0] =	vst.idx.msk $0xffff, v13  }
0xf7: {  	v45 =	vadd.s32 $0x50, v10;
	v13 =	vld.idx.msk [tilespmem:v44+s11+$0x0], $0xffff  }
0xf8: {  	v46 =	vor.u32 v8, v12;
	_ =	sdelay $0x3  }
0xf9: {  	[tilespmem:v45+s26+$0x0] =	vst.idx.msk $0xffff, v13  }
0xfa: {  	v47 =	vadd.s32 $0x60, v10;
	v13 =	vld.idx.msk [tilespmem:v46+s11+$0x0], $0xffff  }
0xfb: {  	v48 =	vor.u32 v9, v12;
	_ =	sdelay $0x3  }
0xfc: {  	v49 =	vadd.s32 $0x1, v12;
	[tilespmem:v47+s26+$0x0] =	vst.idx.msk $0xffff, v13  }
0xfd: {  	v50 =	vadd.s32 $0x70, v10;
	v13 =	vand.u32 $0x1F, v49;
	v14 =	vld.idx.msk [tilespmem:v48+s11+$0x0], $0xffff  }
0xfe: {  	v2 =	vor.u32 v2, v13;
	_ =	sdelay $0x2  }
0xff: {  	vm0 =	veq.s32 v12, $0x1F  }
0x100: {  	v12 =	vsel vm0, $0xFFFFF080, v1;
	[tilespmem:v50+s26+$0x0] =	vst.idx.msk $0xffff, v14  }
0x101: {  	v51 =	vadd.s32 v10, v12;
	v2 =	vld.idx.msk [tilespmem:v2+s11+$0x0], $0xffff  }
0x102: {  	v52 =	vor.u32 v4, v13;
	_ =	sdelay $0x2  }
0x103: {  	v11 =	vand.u32 $0x7, v11;
	v12 =	vand.u32 $0xFFFFFFF8, v51  }
0x104: {  	[tilespmem:v51+s26+$0x0] =	vst.idx.msk $0xffff, v2;
	v2 =	vor.u32 v11, v12  }
0x105: {  	v4 =	vld.idx.msk [tilespmem:v52+s11+$0x0], $0xffff;
	v53 =	vadd.s32 $0x10, v2  }
0x106: {  	v3 =	vor.u32 v3, v13;
	_ =	sdelay $0x3  }
0x107: {  	[tilespmem:v53+s26+$0x0] =	vst.idx.msk $0xffff, v4  }
0x108: {  	v54 =	vadd.s32 $0x20, v2;
	v3 =	vld.idx.msk [tilespmem:v3+s11+$0x0], $0xffff  }
0x109: {  	v55 =	vor.u32 v5, v13;
	_ =	sdelay $0x3  }
0x10a: {  	[tilespmem:v54+s26+$0x0] =	vst.idx.msk $0xffff, v3  }
0x10b: {  	v56 =	vadd.s32 $0x30, v2;
	v3 =	vld.idx.msk [tilespmem:v55+s11+$0x0], $0xffff  }
0x10c: {  	v57 =	vor.u32 v6, v13;
	_ =	sdelay $0x3  }
0x10d: {  	[tilespmem:v56+s26+$0x0] =	vst.idx.msk $0xffff, v3  }
0x10e: {  	v58 =	vadd.s32 $0x40, v2;
	v3 =	vld.idx.msk [tilespmem:v57+s11+$0x0], $0xffff  }
0x10f: {  	v59 =	vor.u32 v7, v13;
	_ =	sdelay $0x3  }
0x110: {  	[tilespmem:v58+s26+$0x0] =	vst.idx.msk $0xffff, v3  }
0x111: {  	v60 =	vadd.s32 $0x50, v2;
	v3 =	vld.idx.msk [tilespmem:v59+s11+$0x0], $0xffff  }
0x112: {  	v61 =	vor.u32 v8, v13;
	_ =	sdelay $0x3  }
0x113: {  	[tilespmem:v60+s26+$0x0] =	vst.idx.msk $0xffff, v3  }
0x114: {  	v62 =	vadd.s32 $0x60, v2;
	v3 =	vld.idx.msk [tilespmem:v61+s11+$0x0], $0xffff  }
0x115: {  	v63 =	vor.u32 v9, v13;
	_ =	sdelay $0x3  }
0x116: {  	s25 =	sadd.s32 $0x1, s25;
	[tilespmem:v62+s26+$0x0] =	vst.idx.msk $0xffff, v3  }
0x117: {  	p0 =	sne.s32 s25, $0x4;
	v2 =	vadd.s32 $0x70, v2;
	v3 =	vld.idx.msk [tilespmem:v63+s11+$0x0], $0xffff  }
.Ltmp1:
0x118: {  	_ = 	snop;
	(pc) =	sbr.rel @p0 .LBB2_4-.Ltmp1, $2  }
0x119: {  	_ =	sdelay $0x2  }
0x11a: {  	[tilespmem:v2+s26+$0x0] =	vst.idx.msk $0xffff, v3  }
0x11b: {  	s25 =	sshll.u32 s6, $0x16  }
0x11c: {  	s25 =	sadd.s32 s23, s25  }
0x11d: {  	s25 =	sshrl.u32 s25, $0x3  }
0x11e: {  	s28 =	sadd.s32 s1, s25;
	s30 =	sor.u32 $0x4000, s25  }
0x11f: {  	[hbm4b:s28+s2] =	stream.linear.scatter [tilespmem:s26], [sflag:$0x2], $0x400, $0x38;
	[tilespmem:$0x10400] =	vst v63  }
0x120: {  	s29 =	simm.s32 $0x8800;
	s28 =	sadd.s32 s1, s30  }
0x121: {  	[hbm4b:s28+s2] =	stream.linear.scatter [tilespmem:s29], [sflag:$0x2], $0x400, $0x38;
	[tilespmem:$0x10400] =	vst v63  }
0x122: {  	s29 =	sor.u32 $0x8000, s25  }
0x123: {  	s30 =	simm.s32 $0x8C00;
	s28 =	sadd.s32 s1, s29;
	s29 =	sor.u32 $0xC000, s25  }
0x124: {  	[hbm4b:s28+s2] =	stream.linear.scatter [tilespmem:s30], [sflag:$0x2], $0x400, $0x38;
	[tilespmem:$0x10400] =	vst v63  }
0x125: {  	s28 =	sadd.s32 s1, s29;
	s30 =	simm.s32 $0x9000;
	s29 =	sor.u32 $0x10000, s25  }
0x126: {  	[hbm4b:s28+s2] =	stream.linear.scatter [tilespmem:s30], [sflag:$0x2], $0x400, $0x38;
	[tilespmem:$0x10400] =	vst v63  }
0x127: {  	s28 =	sadd.s32 s1, s29;
	s30 =	simm.s32 $0x9400;
	s29 =	sor.u32 $0x14000, s25  }
0x128: {  	[hbm4b:s28+s2] =	stream.linear.scatter [tilespmem:s30], [sflag:$0x2], $0x400, $0x38;
	[tilespmem:$0x10400] =	vst v63  }
0x129: {  	s28 =	sadd.s32 s1, s29;
	s30 =	simm.s32 $0x9800;
	s29 =	sor.u32 $0x18000, s25  }
0x12a: {  	[hbm4b:s28+s2] =	stream.linear.scatter [tilespmem:s30], [sflag:$0x2], $0x400, $0x38;
	[tilespmem:$0x10400] =	vst v63  }
0x12b: {  	s28 =	sadd.s32 s1, s29;
	s30 =	simm.s32 $0x9C00;
	s29 =	sor.u32 $0x1C000, s25  }
0x12c: {  	[hbm4b:s28+s2] =	stream.linear.scatter [tilespmem:s30], [sflag:$0x2], $0x400, $0x38;
	[tilespmem:$0x10400] =	vst v63  }
0x12d: {  	s28 =	sadd.s32 s1, s29;
	s30 =	simm.s32 $0xA000;
	s29 =	sor.u32 $0x20000, s25  }
0x12e: {  	[hbm4b:s28+s2] =	stream.linear.scatter [tilespmem:s30], [sflag:$0x2], $0x400, $0x38;
	[tilespmem:$0x10400] =	vst v63  }
0x12f: {  	s28 =	sadd.s32 s1, s29;
	s30 =	simm.s32 $0xA400;
	s29 =	sor.u32 $0x24000, s25  }
0x130: {  	[hbm4b:s28+s2] =	stream.linear.scatter [tilespmem:s30], [sflag:$0x2], $0x400, $0x38;
	[tilespmem:$0x10400] =	vst v63  }
0x131: {  	s28 =	sadd.s32 s1, s29;
	s30 =	simm.s32 $0xA800;
	s29 =	sor.u32 $0x28000, s25  }
0x132: {  	[hbm4b:s28+s2] =	stream.linear.scatter [tilespmem:s30], [sflag:$0x2], $0x400, $0x38;
	[tilespmem:$0x10400] =	vst v63  }
0x133: {  	s28 =	sadd.s32 s1, s29;
	s30 =	simm.s32 $0xAC00;
	s29 =	sor.u32 $0x2C000, s25  }
0x134: {  	[hbm4b:s28+s2] =	stream.linear.scatter [tilespmem:s30], [sflag:$0x2], $0x400, $0x38;
	[tilespmem:$0x10400] =	vst v63  }
0x135: {  	s28 =	sadd.s32 s1, s29;
	s30 =	simm.s32 $0xB000;
	s29 =	sor.u32 $0x30000, s25  }
0x136: {  	[hbm4b:s28+s2] =	stream.linear.scatter [tilespmem:s30], [sflag:$0x2], $0x400, $0x38;
	[tilespmem:$0x10400] =	vst v63  }
0x137: {  	s28 =	sadd.s32 s1, s29;
	s30 =	simm.s32 $0xB400;
	s29 =	sor.u32 $0x34000, s25  }
0x138: {  	[hbm4b:s28+s2] =	stream.linear.scatter [tilespmem:s30], [sflag:$0x2], $0x400, $0x38;
	[tilespmem:$0x10400] =	vst v63  }
0x139: {  	s28 =	sadd.s32 s1, s29;
	s30 =	simm.s32 $0xB800;
	s29 =	sor.u32 $0x38000, s25  }
0x13a: {  	[hbm4b:s28+s2] =	stream.linear.scatter [tilespmem:s30], [sflag:$0x2], $0x400, $0x38;
	[tilespmem:$0x10400] =	vst v63  }
0x13b: {  	s25 =	sor.u32 $0x3C000, s25;
	s28 =	sadd.s32 s1, s29;
	s30 =	simm.s32 $0xBC00  }
0x13c: {  	[hbm4b:s28+s2] =	stream.linear.scatter [tilespmem:s30], [sflag:$0x2], $0x400, $0x38;
	[tilespmem:$0x10400] =	vst v63  }
0x13d: {  	s25 =	sadd.s32 s1, s25;
	s30 =	simm.s32 $0xC000  }
0x13e: {  	[hbm4b:s25+s2] =	stream.linear.scatter [tilespmem:s30], [sflag:$0x2], $0x400, $0x38;
	[tilespmem:$0x10400] =	vst v63  }
0x13f: {  	_ =	swait.ge [sflag:s17], $0x1000  }
0x140: {  	[sflag:s17] =	ssyncset.done $0x0  }
0x141: {  	[sflag:s17] =	ssyncadd.s32 $0xFFFFF000  }
0x142: {  	_ =	swait.ge [sflag:s17], $0x1000  }
0x143: {  	[sflag:s17] =	ssyncset.done $0x0  }
0x144: {  	[sflag:s17] =	ssyncadd.s32 $0xFFFFF000  }
0x145: {  	_ =	swait.ge [sflag:s17], $0x1000  }
0x146: {  	p0 =	seq.s32 s6, $0x18;
	[sflag:s17] =	ssyncset.done $0x0  }
0x147: {  	s25 =	sshll.u32 @!p0 s6, $0x11;
	[sflag:s17] =	ssyncadd.s32 $0xFFFFF000  }
0x148: {  	s29 =	simm.s32 @!p0 $0x4000;
	s25 =	sadd.s32 @!p0 s21, s25;
	_ =	swait.ge [sflag:s17], $0x1000  }
0x149: {  	s28 =	simm.s32 @!p0 $0x80;
	s25 =	sshrl.u32 @!p0 s25, $0x3;
	[sflag:s17] =	ssyncset.done $0x0  }
0x14a: {  	s30 =	simm.s32 @!p0 $0x0;
	s25 =	sadd.s32 @!p0 s4, s25;
	[sflag:s17] =	ssyncadd.s32 $0xFFFFF000  }
0x14b: {  	[tilespmem:s30], [sflag:$0x3] =	stream.strided.gather @!p0 [hbm4b:s25+s28], $0x200, s29, s28, $0x38;
	[tilespmem:$0x10400] =	vst v63  }
0x14c: {  	s25 =	simm.s32 @!p0 $0x3  }
0x14d: {  	_ =	swait.ge @!p0 [sflag:s25], $0x200  }
0x14e: {  	[sflag:s25] =	ssyncset.done @!p0 $0x0  }
0x14f: {  	[sflag:s25] =	ssyncadd.s32 @!p0 $0xFFFFFE00;
	s25 =	simm.s32 @!p0 $0x400  }
0x150: {  	[tilespmem:s25], [sflag:$0x1] =	stream.indirect.gather @!p0 [hbm4b:s5+s28], $0x20, s30, s28, $0xb8;
	[tilespmem:$0x10400] =	vst v63  }
0x151: {  	s25 =	simm.s32 @!p0 $0x1400  }
0x152: {  	[tilespmem:s25], [sflag:$0x1] =	stream.indirect.gather @!p0 [hbm4b:s5+s28], $0x20, s28, s28, $0xb8;
	[tilespmem:$0x10400] =	vst v63  }
0x153: {  	s29 =	simm.s32 @!p0 $0x2400;
	s25 =	simm.s32 @!p0 $0x100  }
0x154: {  	[tilespmem:s29], [sflag:$0x1] =	stream.indirect.gather @!p0 [hbm4b:s5+s28], $0x20, s25, s28, $0xb8;
	[tilespmem:$0x10400] =	vst v63  }
0x155: {  	p1 =	seq.s32 @!p0 s6, $0x0;
	s25 =	simm.s32 @!p0 $0x180;
	s29 =	simm.s32 @!p0 $0x3400  }
0x156: {  	[tilespmem:s29], [sflag:$0x1] =	stream.indirect.gather @!p0 [hbm4b:s5+s28], $0x20, s25, s28, $0xb8;
	[tilespmem:$0x10400] =	vst v63  }
0x157: {  	p0 =	por p0, !p1  }
0x158: {  	_ =	swait.ge @p0 [sflag:s16], $0x400  }
0x159: {  	[sflag:s16] =	ssyncset.done @p0 $0x0  }
0x15a: {  	[sflag:s16] =	ssyncadd.s32 @p0 $0xFFFFFC00  }
0x15b: {  	_ =	swait.ge @p0 [sflag:s16], $0x400  }
0x15c: {  	[sflag:s16] =	ssyncset.done @p0 $0x0  }
0x15d: {  	[sflag:s16] =	ssyncadd.s32 @p0 $0xFFFFFC00  }
0x15e: {  	_ =	swait.ge @p0 [sflag:s16], $0x400  }
0x15f: {  	[sflag:s16] =	ssyncset.done @p0 $0x0  }
0x160: {  	[sflag:s16] =	ssyncadd.s32 @p0 $0xFFFFFC00  }
0x161: {  	_ =	swait.ge @p0 [sflag:s16], $0x400  }
0x162: {  	[sflag:s16] =	ssyncset.done @p0 $0x0  }
0x163: {  	[sflag:s16] =	ssyncadd.s32 @p0 $0xFFFFFC00  }
0x164: {  	_ =	swait.ge @p0 [sflag:s16], $0x400  }
0x165: {  	[sflag:s16] =	ssyncset.done @p0 $0x0  }
0x166: {  	[sflag:s16] =	ssyncadd.s32 @p0 $0xFFFFFC00  }
0x167: {  	_ =	swait.ge @p0 [sflag:s16], $0x400  }
0x168: {  	[sflag:s16] =	ssyncset.done @p0 $0x0  }
0x169: {  	[sflag:s16] =	ssyncadd.s32 @p0 $0xFFFFFC00  }
0x16a: {  	_ =	swait.ge @p0 [sflag:s16], $0x400  }
0x16b: {  	[sflag:s16] =	ssyncset.done @p0 $0x0  }
0x16c: {  	[sflag:s16] =	ssyncadd.s32 @p0 $0xFFFFFC00  }
0x16d: {  	_ =	swait.ge @p0 [sflag:s16], $0x400  }
0x16e: {  	[sflag:s16] =	ssyncset.done @p0 $0x0  }
0x16f: {  	[sflag:s16] =	ssyncadd.s32 @p0 $0xFFFFFC00  }
0x170: {  	_ =	swait.ge @p0 [sflag:s16], $0x400  }
0x171: {  	[sflag:s16] =	ssyncset.done @p0 $0x0  }
0x172: {  	[sflag:s16] =	ssyncadd.s32 @p0 $0xFFFFFC00  }
0x173: {  	_ =	swait.ge @p0 [sflag:s16], $0x400  }
0x174: {  	[sflag:s16] =	ssyncset.done @p0 $0x0  }
0x175: {  	[sflag:s16] =	ssyncadd.s32 @p0 $0xFFFFFC00  }
0x176: {  	_ =	swait.ge @p0 [sflag:s16], $0x400  }
0x177: {  	[sflag:s16] =	ssyncset.done @p0 $0x0  }
0x178: {  	[sflag:s16] =	ssyncadd.s32 @p0 $0xFFFFFC00  }
0x179: {  	_ =	swait.ge @p0 [sflag:s16], $0x400  }
0x17a: {  	[sflag:s16] =	ssyncset.done @p0 $0x0  }
0x17b: {  	[sflag:s16] =	ssyncadd.s32 @p0 $0xFFFFFC00  }
0x17c: {  	_ =	swait.ge @p0 [sflag:s16], $0x400  }
0x17d: {  	[sflag:s16] =	ssyncset.done @p0 $0x0  }
0x17e: {  	[sflag:s16] =	ssyncadd.s32 @p0 $0xFFFFFC00  }
0x17f: {  	_ =	swait.ge @p0 [sflag:s16], $0x400  }
0x180: {  	[sflag:s16] =	ssyncset.done @p0 $0x0  }
0x181: {  	[sflag:s16] =	ssyncadd.s32 @p0 $0xFFFFFC00  }
0x182: {  	_ =	swait.ge @p0 [sflag:s16], $0x400  }
0x183: {  	[sflag:s16] =	ssyncset.done @p0 $0x0  }
0x184: {  	[sflag:s16] =	ssyncadd.s32 @p0 $0xFFFFFC00  }
0x185: {  	_ =	swait.ge @p0 [sflag:s16], $0x400  }
0x186: {  	[sflag:s16] =	ssyncset.done @p0 $0x0  }
0x187: {  	s25 =	simm.s32 $0x0;
	[sflag:s16] =	ssyncadd.s32 @p0 $0xFFFFFC00  }
.LBB2_8:
0x188: {  	s28 =	sshll.u32 s25, $0x7;
	v10 =	vlaneseq.u32  }
0x189: {  	v2 =	vmov s28;
	v9 =	vmul.u32 $0x20, v10  }
0x18a: {  	v11 =	vshll.u32 v2, $0x5  }
0x18b: {  	v2 =	vor.u32 v9, v11  }
0x18c: {  	v3 =	vor.u32 v2, v10  }
0x18d: {  	s28 =	sshll.u32 s25, $0x2;
	v4 =	vshrl.u32 v10, $0x3  }
0x18e: {  	v5 =	vmov s28;
	v4 =	vmul.u32 $0x400, v4  }
0x18f: {  	v5 =	vshll.u32 v5, $0xA  }
0x190: {  	v4 =	vor.u32 v4, v5;
	v5 =	vor.u32 $0x200, v9  }
0x191: {  	v12 =	vor.u32 v0, v4;
	v4 =	vor.u32 v5, v11;
	v3 =	vld.idx.msk [tilespmem:v3+s19+$0x0], $0xffff  }
0x192: {  	v5 =	vor.u32 v4, v10;
	_ =	sdelay $0x3  }
0x193: {  	v6 =	vor.u32 $0x400, v9;
	[tilespmem:v12+s22+$0x0] =	vst.idx.msk $0xffff, v3  }
0x194: {  	v3 =	vor.u32 v6, v11;
	v6 =	vadd.s32 $0x10, v12;
	v5 =	vld.idx.msk [tilespmem:v5+s19+$0x0], $0xffff  }
0x195: {  	v7 =	vor.u32 v3, v10;
	_ =	sdelay $0x3  }
0x196: {  	v8 =	vor.u32 $0x600, v9;
	[tilespmem:v6+s22+$0x0] =	vst.idx.msk $0xffff, v5  }
0x197: {  	v5 =	vor.u32 v8, v11;
	v6 =	vld.idx.msk [tilespmem:v7+s19+$0x0], $0xffff;
	v7 =	vadd.s32 $0x20, v12  }
0x198: {  	v8 =	vor.u32 v5, v10;
	_ =	sdelay $0x3  }
0x199: {  	v13 =	vor.u32 $0x800, v9;
	[tilespmem:v7+s22+$0x0] =	vst.idx.msk $0xffff, v6  }
0x19a: {  	v6 =	vor.u32 v13, v11;
	v7 =	vld.idx.msk [tilespmem:v8+s19+$0x0], $0xffff;
	v8 =	vadd.s32 $0x30, v12  }
0x19b: {  	v13 =	vor.u32 v6, v10;
	_ =	sdelay $0x3  }
0x19c: {  	v14 =	vor.u32 $0xA00, v9;
	[tilespmem:v8+s22+$0x0] =	vst.idx.msk $0xffff, v7  }
0x19d: {  	v7 =	vor.u32 v14, v11;
	v8 =	vld.idx.msk [tilespmem:v13+s19+$0x0], $0xffff;
	v13 =	vadd.s32 $0x40, v12  }
0x19e: {  	v14 =	vor.u32 v7, v10;
	_ =	sdelay $0x3  }
0x19f: {  	v15 =	vor.u32 $0xC00, v9;
	[tilespmem:v13+s22+$0x0] =	vst.idx.msk $0xffff, v8  }
0x1a0: {  	v8 =	vor.u32 v15, v11;
	v13 =	vld.idx.msk [tilespmem:v14+s19+$0x0], $0xffff;
	v14 =	vadd.s32 $0x50, v12  }
0x1a1: {  	v15 =	vor.u32 v8, v10;
	_ =	sdelay $0x3  }
0x1a2: {  	v9 =	vor.u32 $0xE00, v9;
	[tilespmem:v14+s22+$0x0] =	vst.idx.msk $0xffff, v13  }
0x1a3: {  	v9 =	vor.u32 v9, v11;
	v13 =	vadd.s32 $0x60, v12;
	v11 =	vld.idx.msk [tilespmem:v15+s19+$0x0], $0xffff  }
0x1a4: {  	v14 =	vor.u32 v9, v10;
	_ =	sdelay $0x3  }
0x1a5: {  	[tilespmem:v13+s22+$0x0] =	vst.idx.msk $0xffff, v11;
	v11 =	vadd.s32 $0x1, v10  }
0x1a6: {  	v13 =	vld.idx.msk [tilespmem:v14+s19+$0x0], $0xffff;
	v14 =	vadd.s32 $0x70, v12;
	v11 =	vand.u32 $0x1F, v11  }
0x1a7: {  	v15 =	vor.u32 v2, v11;
	_ =	sdelay $0x2  }
0x1a8: {  	vm0 =	veq.s32 v10, $0x1F  }
0x1a9: {  	[tilespmem:v14+s22+$0x0] =	vst.idx.msk $0xffff, v13;
	v13 =	vsel vm0, $0xFFFFF080, v1  }
0x1aa: {  	v14 =	vld.idx.msk [tilespmem:v15+s19+$0x0], $0xffff;
	v13 =	vadd.s32 v12, v13  }
0x1ab: {  	v15 =	vor.u32 v4, v11;
	_ =	sdelay $0x2  }
0x1ac: {  	v12 =	vand.u32 $0x7, v12;
	v16 =	vand.u32 $0xFFFFFFF8, v13  }
0x1ad: {  	[tilespmem:v13+s22+$0x0] =	vst.idx.msk $0xffff, v14;
	v14 =	vor.u32 v12, v16  }
0x1ae: {  	v12 =	vld.idx.msk [tilespmem:v15+s19+$0x0], $0xffff;
	v15 =	vadd.s32 $0x10, v14  }
0x1af: {  	v16 =	vor.u32 v3, v11;
	_ =	sdelay $0x3  }
0x1b0: {  	[tilespmem:v15+s22+$0x0] =	vst.idx.msk $0xffff, v12  }
0x1b1: {  	v15 =	vadd.s32 $0x20, v14;
	v12 =	vld.idx.msk [tilespmem:v16+s19+$0x0], $0xffff  }
0x1b2: {  	v16 =	vor.u32 v5, v11;
	_ =	sdelay $0x3  }
0x1b3: {  	[tilespmem:v15+s22+$0x0] =	vst.idx.msk $0xffff, v12  }
0x1b4: {  	v15 =	vadd.s32 $0x30, v14;
	v12 =	vld.idx.msk [tilespmem:v16+s19+$0x0], $0xffff  }
0x1b5: {  	v16 =	vor.u32 v6, v11;
	_ =	sdelay $0x3  }
0x1b6: {  	[tilespmem:v15+s22+$0x0] =	vst.idx.msk $0xffff, v12  }
0x1b7: {  	v15 =	vadd.s32 $0x40, v14;
	v12 =	vld.idx.msk [tilespmem:v16+s19+$0x0], $0xffff  }
0x1b8: {  	v16 =	vor.u32 v7, v11;
	_ =	sdelay $0x3  }
0x1b9: {  	[tilespmem:v15+s22+$0x0] =	vst.idx.msk $0xffff, v12  }
0x1ba: {  	v15 =	vadd.s32 $0x50, v14;
	v12 =	vld.idx.msk [tilespmem:v16+s19+$0x0], $0xffff  }
0x1bb: {  	v16 =	vor.u32 v8, v11;
	_ =	sdelay $0x3  }
0x1bc: {  	[tilespmem:v15+s22+$0x0] =	vst.idx.msk $0xffff, v12  }
0x1bd: {  	v15 =	vadd.s32 $0x60, v14;
	v12 =	vld.idx.msk [tilespmem:v16+s19+$0x0], $0xffff  }
0x1be: {  	v16 =	vor.u32 v9, v11;
	_ =	sdelay $0x1  }
0x1bf: {  	vm15 =	veq.s32 v11, $0x1F  }
0x1c0: {  	v11 =	vsel vm15, $0xFFFFF080, v1  }
0x1c1: {  	v17 =	vadd.s32 $0x2, v10;
	[tilespmem:v15+s22+$0x0] =	vst.idx.msk $0xffff, v12  }
0x1c2: {  	v14 =	vadd.s32 $0x70, v14;
	v10 =	vadd.s32 v13, v11;
	v12 =	vand.u32 $0x1F, v17;
	v13 =	vld.idx.msk [tilespmem:v16+s19+$0x0], $0xffff  }
0x1c3: {  	s28 =	simm.s32 $0xE;
	v11 =	vmov v10;
	v15 =	vor.u32 v2, v12  }
.LBB2_9:
0x1c4: {  	_ =	sdelay $0x2  }
0x1c5: {  	p0 =	sne.s32 s28, $0x1;
	s28 =	sadd.s32 $0xFFFFFFFF, s28;
	[tilespmem:v14+s22+$0x0] =	vst.idx.msk $0xffff, v13  }
0x1c6: {  	v13 =	vld.idx.msk [tilespmem:v15+s19+$0x0], $0xffff;
	_ =	sdelay $0x1  }
0x1c7: {  	v14 =	vor.u32 v4, v12;
	_ =	sdelay $0x3  }
0x1c8: {  	[tilespmem:v10+s22+$0x0] =	vst.idx.msk $0xffff, v13  }
0x1c9: {  	v13 =	vld.idx.msk [tilespmem:v14+s19+$0x0], $0xffff  }
0x1ca: {  	v14 =	vadd.s32 $0x10, v10  }
0x1cb: {  	v15 =	vor.u32 v3, v12;
	_ =	sdelay $0x3  }
0x1cc: {  	[tilespmem:v14+s22+$0x0] =	vst.idx.msk $0xffff, v13  }
0x1cd: {  	v13 =	vld.idx.msk [tilespmem:v15+s19+$0x0], $0xffff  }
0x1ce: {  	v14 =	vadd.s32 $0x20, v10  }
0x1cf: {  	v15 =	vor.u32 v5, v12;
	_ =	sdelay $0x3  }
0x1d0: {  	[tilespmem:v14+s22+$0x0] =	vst.idx.msk $0xffff, v13  }
0x1d1: {  	v13 =	vld.idx.msk [tilespmem:v15+s19+$0x0], $0xffff  }
0x1d2: {  	v14 =	vadd.s32 $0x30, v10  }
0x1d3: {  	v15 =	vor.u32 v6, v12;
	_ =	sdelay $0x3  }
0x1d4: {  	[tilespmem:v14+s22+$0x0] =	vst.idx.msk $0xffff, v13  }
0x1d5: {  	v13 =	vld.idx.msk [tilespmem:v15+s19+$0x0], $0xffff  }
0x1d6: {  	v14 =	vadd.s32 $0x40, v10  }
0x1d7: {  	v15 =	vor.u32 v7, v12;
	_ =	sdelay $0x3  }
0x1d8: {  	[tilespmem:v14+s22+$0x0] =	vst.idx.msk $0xffff, v13  }
0x1d9: {  	v13 =	vld.idx.msk [tilespmem:v15+s19+$0x0], $0xffff  }
0x1da: {  	v14 =	vadd.s32 $0x50, v10  }
0x1db: {  	v15 =	vor.u32 v8, v12;
	_ =	sdelay $0x3  }
0x1dc: {  	[tilespmem:v14+s22+$0x0] =	vst.idx.msk $0xffff, v13  }
0x1dd: {  	v13 =	vld.idx.msk [tilespmem:v15+s19+$0x0], $0xffff  }
0x1de: {  	v14 =	vadd.s32 $0x60, v10  }
0x1df: {  	v15 =	vor.u32 v9, v12;
	_ =	sdelay $0x3  }
0x1e0: {  	[tilespmem:v14+s22+$0x0] =	vst.idx.msk $0xffff, v13  }
0x1e1: {  	v14 =	vadd.s32 $0x1, v12;
	v13 =	vld.idx.msk [tilespmem:v15+s19+$0x0], $0xffff  }
0x1e2: {  	v15 =	vadd.s32 $0x70, v10;
	v14 =	vand.u32 $0x1F, v14  }
0x1e3: {  	v16 =	vor.u32 v2, v14;
	vm0 =	veq.s32 v14, $0x1F  }
0x1e4: {  	v17 =	vsel vm0, $0xFFFFF080, v1;
	_ =	sdelay $0x2  }
0x1e5: {  	vm0 =	veq.s32 v12, $0x1F;
	[tilespmem:v15+s22+$0x0] =	vst.idx.msk $0xffff, v13  }
0x1e6: {  	v13 =	vsel vm0, $0xFFFFF080, v1;
	v15 =	vld.idx.msk [tilespmem:v16+s19+$0x0], $0xffff  }
0x1e7: {  	v13 =	vadd.s32 v10, v13  }
0x1e8: {  	v16 =	vor.u32 v4, v14;
	v18 =	vand.u32 $0xFFFFFFF8, v13;
	v10 =	vadd.s32 v13, v17;
	_ =	sdelay $0x3  }
0x1e9: {  	v17 =	vand.u32 $0x7, v11;
	v11 =	vmov v10;
	[tilespmem:v13+s22+$0x0] =	vst.idx.msk $0xffff, v15  }
0x1ea: {  	v15 =	vor.u32 v17, v18;
	v13 =	vld.idx.msk [tilespmem:v16+s19+$0x0], $0xffff  }
0x1eb: {  	v16 =	vadd.s32 $0x10, v15  }
0x1ec: {  	v17 =	vor.u32 v3, v14;
	_ =	sdelay $0x3  }
0x1ed: {  	[tilespmem:v16+s22+$0x0] =	vst.idx.msk $0xffff, v13  }
0x1ee: {  	v13 =	vld.idx.msk [tilespmem:v17+s19+$0x0], $0xffff  }
0x1ef: {  	v16 =	vadd.s32 $0x20, v15  }
0x1f0: {  	v17 =	vor.u32 v5, v14;
	_ =	sdelay $0x3  }
0x1f1: {  	[tilespmem:v16+s22+$0x0] =	vst.idx.msk $0xffff, v13  }
0x1f2: {  	v13 =	vld.idx.msk [tilespmem:v17+s19+$0x0], $0xffff  }
0x1f3: {  	v16 =	vadd.s32 $0x30, v15  }
0x1f4: {  	v17 =	vor.u32 v6, v14;
	_ =	sdelay $0x3  }
0x1f5: {  	[tilespmem:v16+s22+$0x0] =	vst.idx.msk $0xffff, v13  }
0x1f6: {  	v13 =	vld.idx.msk [tilespmem:v17+s19+$0x0], $0xffff  }
0x1f7: {  	v16 =	vadd.s32 $0x40, v15  }
0x1f8: {  	v17 =	vor.u32 v7, v14;
	_ =	sdelay $0x3  }
0x1f9: {  	[tilespmem:v16+s22+$0x0] =	vst.idx.msk $0xffff, v13  }
0x1fa: {  	v13 =	vld.idx.msk [tilespmem:v17+s19+$0x0], $0xffff  }
0x1fb: {  	v16 =	vadd.s32 $0x50, v15  }
0x1fc: {  	v17 =	vor.u32 v8, v14;
	_ =	sdelay $0x3  }
0x1fd: {  	[tilespmem:v16+s22+$0x0] =	vst.idx.msk $0xffff, v13  }
0x1fe: {  	v13 =	vld.idx.msk [tilespmem:v17+s19+$0x0], $0xffff  }
0x1ff: {  	v16 =	vadd.s32 $0x60, v15  }
0x200: {  	v14 =	vor.u32 v9, v14;
	_ =	sdelay $0x2  }
.Ltmp2:
0x201: {  	(pc) =	sbr.rel @p0 .LBB2_9-.Ltmp2, $4  }
0x202: {  	[tilespmem:v16+s22+$0x0] =	vst.idx.msk $0xffff, v13  }
0x203: {  	v12 =	vadd.s32 $0x2, v12;
	v13 =	vld.idx.msk [tilespmem:v14+s19+$0x0], $0xffff  }
0x204: {  	v12 =	vand.u32 $0x1F, v12;
	v14 =	vadd.s32 $0x70, v15  }
0x205: {  	v15 =	vor.u32 v2, v12  }
0x206: {  	_ =	sdelay $0x3  }
0x207: {  	[tilespmem:v14+s22+$0x0] =	vst.idx.msk $0xffff, v13  }
0x208: {  	v13 =	vld.idx.msk [tilespmem:v15+s19+$0x0], $0xffff  }
0x209: {  	v36 =	vor.u32 v4, v12;
	_ =	sdelay $0x3  }
0x20a: {  	[tilespmem:v10+s22+$0x0] =	vst.idx.msk $0xffff, v13  }
0x20b: {  	v37 =	vadd.s32 $0x10, v10;
	v13 =	vld.idx.msk [tilespmem:v36+s19+$0x0], $0xffff  }
0x20c: {  	v38 =	vor.u32 v3, v12;
	_ =	sdelay $0x3  }
0x20d: {  	[tilespmem:v37+s22+$0x0] =	vst.idx.msk $0xffff, v13  }
0x20e: {  	v39 =	vadd.s32 $0x20, v10;
	v13 =	vld.idx.msk [tilespmem:v38+s19+$0x0], $0xffff  }
0x20f: {  	v40 =	vor.u32 v5, v12;
	_ =	sdelay $0x3  }
0x210: {  	[tilespmem:v39+s22+$0x0] =	vst.idx.msk $0xffff, v13  }
0x211: {  	v41 =	vadd.s32 $0x30, v10;
	v13 =	vld.idx.msk [tilespmem:v40+s19+$0x0], $0xffff  }
0x212: {  	v42 =	vor.u32 v6, v12;
	_ =	sdelay $0x3  }
0x213: {  	[tilespmem:v41+s22+$0x0] =	vst.idx.msk $0xffff, v13  }
0x214: {  	v43 =	vadd.s32 $0x40, v10;
	v13 =	vld.idx.msk [tilespmem:v42+s19+$0x0], $0xffff  }
0x215: {  	v44 =	vor.u32 v7, v12;
	_ =	sdelay $0x3  }
0x216: {  	[tilespmem:v43+s22+$0x0] =	vst.idx.msk $0xffff, v13  }
0x217: {  	v45 =	vadd.s32 $0x50, v10;
	v13 =	vld.idx.msk [tilespmem:v44+s19+$0x0], $0xffff  }
0x218: {  	v46 =	vor.u32 v8, v12;
	_ =	sdelay $0x3  }
0x219: {  	[tilespmem:v45+s22+$0x0] =	vst.idx.msk $0xffff, v13  }
0x21a: {  	v47 =	vadd.s32 $0x60, v10;
	v13 =	vld.idx.msk [tilespmem:v46+s19+$0x0], $0xffff  }
0x21b: {  	v48 =	vor.u32 v9, v12;
	_ =	sdelay $0x3  }
0x21c: {  	v49 =	vadd.s32 $0x1, v12;
	[tilespmem:v47+s22+$0x0] =	vst.idx.msk $0xffff, v13  }
0x21d: {  	v50 =	vadd.s32 $0x70, v10;
	v13 =	vand.u32 $0x1F, v49;
	v14 =	vld.idx.msk [tilespmem:v48+s19+$0x0], $0xffff  }
0x21e: {  	v2 =	vor.u32 v2, v13;
	_ =	sdelay $0x2  }
0x21f: {  	vm0 =	veq.s32 v12, $0x1F  }
0x220: {  	v12 =	vsel vm0, $0xFFFFF080, v1;
	[tilespmem:v50+s22+$0x0] =	vst.idx.msk $0xffff, v14  }
0x221: {  	v51 =	vadd.s32 v10, v12;
	v2 =	vld.idx.msk [tilespmem:v2+s19+$0x0], $0xffff  }
0x222: {  	v52 =	vor.u32 v4, v13;
	_ =	sdelay $0x2  }
0x223: {  	v11 =	vand.u32 $0x7, v11;
	v12 =	vand.u32 $0xFFFFFFF8, v51  }
0x224: {  	[tilespmem:v51+s22+$0x0] =	vst.idx.msk $0xffff, v2;
	v2 =	vor.u32 v11, v12  }
0x225: {  	v4 =	vld.idx.msk [tilespmem:v52+s19+$0x0], $0xffff;
	v53 =	vadd.s32 $0x10, v2  }
0x226: {  	v3 =	vor.u32 v3, v13;
	_ =	sdelay $0x3  }
0x227: {  	[tilespmem:v53+s22+$0x0] =	vst.idx.msk $0xffff, v4  }
0x228: {  	v54 =	vadd.s32 $0x20, v2;
	v3 =	vld.idx.msk [tilespmem:v3+s19+$0x0], $0xffff  }
0x229: {  	v55 =	vor.u32 v5, v13;
	_ =	sdelay $0x3  }
0x22a: {  	[tilespmem:v54+s22+$0x0] =	vst.idx.msk $0xffff, v3  }
0x22b: {  	v56 =	vadd.s32 $0x30, v2;
	v3 =	vld.idx.msk [tilespmem:v55+s19+$0x0], $0xffff  }
0x22c: {  	v57 =	vor.u32 v6, v13;
	_ =	sdelay $0x3  }
0x22d: {  	[tilespmem:v56+s22+$0x0] =	vst.idx.msk $0xffff, v3  }
0x22e: {  	v58 =	vadd.s32 $0x40, v2;
	v3 =	vld.idx.msk [tilespmem:v57+s19+$0x0], $0xffff  }
0x22f: {  	v59 =	vor.u32 v7, v13;
	_ =	sdelay $0x3  }
0x230: {  	[tilespmem:v58+s22+$0x0] =	vst.idx.msk $0xffff, v3  }
0x231: {  	v60 =	vadd.s32 $0x50, v2;
	v3 =	vld.idx.msk [tilespmem:v59+s19+$0x0], $0xffff  }
0x232: {  	v61 =	vor.u32 v8, v13;
	_ =	sdelay $0x3  }
0x233: {  	[tilespmem:v60+s22+$0x0] =	vst.idx.msk $0xffff, v3  }
0x234: {  	v62 =	vadd.s32 $0x60, v2;
	v3 =	vld.idx.msk [tilespmem:v61+s19+$0x0], $0xffff  }
0x235: {  	v63 =	vor.u32 v9, v13;
	_ =	sdelay $0x3  }
0x236: {  	s25 =	sadd.s32 $0x1, s25;
	[tilespmem:v62+s22+$0x0] =	vst.idx.msk $0xffff, v3  }
0x237: {  	p0 =	sne.s32 s25, $0x4;
	v2 =	vadd.s32 $0x70, v2;
	v3 =	vld.idx.msk [tilespmem:v63+s19+$0x0], $0xffff  }
.Ltmp3:
0x238: {  	_ = 	snop;
	(pc) =	sbr.rel @p0 .LBB2_8-.Ltmp3, $2  }
0x239: {  	_ =	sdelay $0x2  }
0x23a: {  	[tilespmem:v2+s22+$0x0] =	vst.idx.msk $0xffff, v3  }
0x23b: {  	s24 =	sshll.u32 s24, $0x15  }
0x23c: {  	s24 =	sadd.s32 s23, s24  }
0x23d: {  	s24 =	sshrl.u32 s24, $0x3  }
0x23e: {  	s25 =	sadd.s32 s1, s24;
	s28 =	sor.u32 $0x4000, s24  }
0x23f: {  	[hbm4b:s25+s2] =	stream.linear.scatter [tilespmem:s22], [sflag:$0x2], $0x400, $0x38;
	[tilespmem:$0x10400] =	vst v63  }
0x240: {  	s29 =	sor.u32 $0x8000, s24;
	s25 =	sadd.s32 s1, s28;
	s28 =	simm.s32 $0xC800  }
0x241: {  	[hbm4b:s25+s2] =	stream.linear.scatter [tilespmem:s28], [sflag:$0x2], $0x400, $0x38;
	[tilespmem:$0x10400] =	vst v63  }
0x242: {  	s30 =	simm.s32 $0xCC00;
	s25 =	sadd.s32 s1, s29;
	s29 =	sor.u32 $0xC000, s24  }
0x243: {  	[hbm4b:s25+s2] =	stream.linear.scatter [tilespmem:s30], [sflag:$0x2], $0x400, $0x38;
	[tilespmem:$0x10400] =	vst v63  }
0x244: {  	s25 =	sadd.s32 s1, s29;
	s30 =	simm.s32 $0xD000;
	s29 =	sor.u32 $0x10000, s24  }
0x245: {  	[hbm4b:s25+s2] =	stream.linear.scatter [tilespmem:s30], [sflag:$0x2], $0x400, $0x38;
	[tilespmem:$0x10400] =	vst v63  }
0x246: {  	s25 =	sadd.s32 s1, s29;
	s30 =	simm.s32 $0xD400;
	s29 =	sor.u32 $0x14000, s24  }
0x247: {  	[hbm4b:s25+s2] =	stream.linear.scatter [tilespmem:s30], [sflag:$0x2], $0x400, $0x38;
	[tilespmem:$0x10400] =	vst v63  }
0x248: {  	s25 =	sadd.s32 s1, s29;
	s30 =	simm.s32 $0xD800;
	s29 =	sor.u32 $0x18000, s24  }
0x249: {  	[hbm4b:s25+s2] =	stream.linear.scatter [tilespmem:s30], [sflag:$0x2], $0x400, $0x38;
	[tilespmem:$0x10400] =	vst v63  }
0x24a: {  	s25 =	sadd.s32 s1, s29;
	s30 =	simm.s32 $0xDC00;
	s29 =	sor.u32 $0x1C000, s24  }
0x24b: {  	[hbm4b:s25+s2] =	stream.linear.scatter [tilespmem:s30], [sflag:$0x2], $0x400, $0x38;
	[tilespmem:$0x10400] =	vst v63  }
0x24c: {  	s25 =	sadd.s32 s1, s29;
	s30 =	sor.u32 $0x20000, s24  }
0x24d: {  	[hbm4b:s25+s2] =	stream.linear.scatter [tilespmem:s31], [sflag:$0x2], $0x400, $0x38;
	[tilespmem:$0x10400] =	vst v63  }
0x24e: {  	s28 =	sor.u32 $0x24000, s24;
	s25 =	sadd.s32 s1, s30  }
0x24f: {  	[hbm4b:s25+s2] =	stream.linear.scatter [tilespmem:s0], [sflag:$0x2], $0x400, $0x38;
	[tilespmem:$0x10400] =	vst v63  }
0x250: {  	s29 =	sor.u32 $0x28000, s24;
	s25 =	sadd.s32 s1, s28  }
0x251: {  	[hbm4b:s25+s2] =	stream.linear.scatter [tilespmem:s3], [sflag:$0x2], $0x400, $0x38;
	[tilespmem:$0x10400] =	vst v63  }
0x252: {  	s30 =	sor.u32 $0x2C000, s24;
	s25 =	sadd.s32 s1, s29  }
0x253: {  	[hbm4b:s25+s2] =	stream.linear.scatter [tilespmem:s9], [sflag:$0x2], $0x400, $0x38;
	[tilespmem:$0x10400] =	vst v63  }
0x254: {  	s28 =	sor.u32 $0x30000, s24;
	s25 =	sadd.s32 s1, s30  }
0x255: {  	[hbm4b:s25+s2] =	stream.linear.scatter [tilespmem:s7], [sflag:$0x2], $0x400, $0x38;
	[tilespmem:$0x10400] =	vst v63  }
0x256: {  	s6 =	sadd.s32 $0x1, s6;
	s29 =	sor.u32 $0x34000, s24;
	s25 =	sadd.s32 s1, s28  }
0x257: {  	[hbm4b:s25+s2] =	stream.linear.scatter [tilespmem:s12], [sflag:$0x2], $0x400, $0x38;
	[tilespmem:$0x10400] =	vst v63  }
0x258: {  	p0 =	sne.s32 s6, $0x19;
	s25 =	sadd.s32 s1, s29  }
0x259: {  	[hbm4b:s25+s2] =	stream.linear.scatter [tilespmem:s13], [sflag:$0x2], $0x400, $0x38;
	[tilespmem:$0x10400] =	vst v63  }
.Ltmp4:
0x25a: {  	s30 =	sor.u32 $0x38000, s24;
	(pc) =	sbr.rel @p0 .LBB2_3-.Ltmp4, $4  }
0x25b: {  	s24 =	sor.u32 $0x3C000, s24;
	s25 =	sadd.s32 s1, s30  }
0x25c: {  	[hbm4b:s25+s2] =	stream.linear.scatter [tilespmem:s14], [sflag:$0x2], $0x400, $0x38;
	[tilespmem:$0x10400] =	vst v63  }
0x25d: {  	s24 =	sadd.s32 s1, s24  }
0x25e: {  	[hbm4b:s24+s2] =	stream.linear.scatter [tilespmem:s15], [sflag:$0x2], $0x400, $0x38;
	[tilespmem:$0x10400] =	vst v63  }
0x25f: {  	_ =	swait.ge [sflag:s16], $0x400  }
0x260: {  	[sflag:s16] =	ssyncset.done $0x0  }
0x261: {  	[sflag:s16] =	ssyncadd.s32 $0xFFFFFC00  }
0x262: {  	_ =	swait.ge [sflag:s16], $0x400  }
0x263: {  	[sflag:s16] =	ssyncset.done $0x0  }
0x264: {  	[sflag:s16] =	ssyncadd.s32 $0xFFFFFC00  }
0x265: {  	_ =	swait.ge [sflag:s16], $0x400  }
0x266: {  	[sflag:s16] =	ssyncset.done $0x0  }
0x267: {  	[sflag:s16] =	ssyncadd.s32 $0xFFFFFC00  }
0x268: {  	_ =	swait.ge [sflag:s16], $0x400  }
0x269: {  	[sflag:s16] =	ssyncset.done $0x0  }
0x26a: {  	[sflag:s16] =	ssyncadd.s32 $0xFFFFFC00  }
0x26b: {  	_ =	swait.ge [sflag:s16], $0x400  }
0x26c: {  	[sflag:s16] =	ssyncset.done $0x0  }
0x26d: {  	[sflag:s16] =	ssyncadd.s32 $0xFFFFFC00  }
0x26e: {  	_ =	swait.ge [sflag:s16], $0x400  }
0x26f: {  	[sflag:s16] =	ssyncset.done $0x0  }
0x270: {  	[sflag:s16] =	ssyncadd.s32 $0xFFFFFC00  }
0x271: {  	_ =	swait.ge [sflag:s16], $0x400  }
0x272: {  	[sflag:s16] =	ssyncset.done $0x0  }
0x273: {  	[sflag:s16] =	ssyncadd.s32 $0xFFFFFC00  }
0x274: {  	_ =	swait.ge [sflag:s16], $0x400  }
0x275: {  	[sflag:s16] =	ssyncset.done $0x0  }
0x276: {  	[sflag:s16] =	ssyncadd.s32 $0xFFFFFC00  }
0x277: {  	_ =	swait.ge [sflag:s16], $0x400  }
0x278: {  	[sflag:s16] =	ssyncset.done $0x0  }
0x279: {  	[sflag:s16] =	ssyncadd.s32 $0xFFFFFC00  }
0x27a: {  	_ =	swait.ge [sflag:s16], $0x400  }
0x27b: {  	[sflag:s16] =	ssyncset.done $0x0  }
0x27c: {  	[sflag:s16] =	ssyncadd.s32 $0xFFFFFC00  }
0x27d: {  	_ =	swait.ge [sflag:s16], $0x400  }
0x27e: {  	[sflag:s16] =	ssyncset.done $0x0  }
0x27f: {  	[sflag:s16] =	ssyncadd.s32 $0xFFFFFC00  }
0x280: {  	_ =	swait.ge [sflag:s16], $0x400  }
0x281: {  	[sflag:s16] =	ssyncset.done $0x0  }
0x282: {  	[sflag:s16] =	ssyncadd.s32 $0xFFFFFC00  }
0x283: {  	_ =	swait.ge [sflag:s16], $0x400  }
0x284: {  	[sflag:s16] =	ssyncset.done $0x0  }
0x285: {  	[sflag:s16] =	ssyncadd.s32 $0xFFFFFC00  }
0x286: {  	_ =	swait.ge [sflag:s16], $0x400  }
0x287: {  	[sflag:s16] =	ssyncset.done $0x0  }
0x288: {  	[sflag:s16] =	ssyncadd.s32 $0xFFFFFC00  }
0x289: {  	_ =	swait.ge [sflag:s16], $0x400  }
0x28a: {  	[sflag:s16] =	ssyncset.done $0x0  }
0x28b: {  	[sflag:s16] =	ssyncadd.s32 $0xFFFFFC00  }
0x28c: {  	_ =	swait.ge [sflag:s16], $0x400  }
0x28d: {  	[sflag:s16] =	ssyncset.done $0x0  }
0x28e: {  	[sflag:s16] =	ssyncadd.s32 $0xFFFFFC00  }
0x28f: {  	_ =	swait.ge [sflag:s16], $0x400  }
0x290: {  	[sflag:s16] =	ssyncset.done $0x0  }
0x291: {  	[sflag:s16] =	ssyncadd.s32 $0xFFFFFC00  }
0x292: {  	_ =	swait.ge [sflag:s16], $0x400  }
0x293: {  	[sflag:s16] =	ssyncset.done $0x0  }
0x294: {  	[sflag:s16] =	ssyncadd.s32 $0xFFFFFC00  }
0x295: {  	_ =	swait.ge [sflag:s16], $0x400  }
0x296: {  	[sflag:s16] =	ssyncset.done $0x0  }
0x297: {  	[sflag:s16] =	ssyncadd.s32 $0xFFFFFC00  }
0x298: {  	_ =	swait.ge [sflag:s16], $0x400  }
0x299: {  	[sflag:s16] =	ssyncset.done $0x0  }
0x29a: {  	[sflag:s16] =	ssyncadd.s32 $0xFFFFFC00  }
0x29b: {  	_ =	swait.ge [sflag:s16], $0x400  }
0x29c: {  	[sflag:s16] =	ssyncset.done $0x0  }
0x29d: {  	[sflag:s16] =	ssyncadd.s32 $0xFFFFFC00  }
0x29e: {  	_ =	swait.ge [sflag:s16], $0x400  }
0x29f: {  	[sflag:s16] =	ssyncset.done $0x0  }
0x2a0: {  	[sflag:s16] =	ssyncadd.s32 $0xFFFFFC00  }
0x2a1: {  	_ =	swait.ge [sflag:s16], $0x400  }
0x2a2: {  	[sflag:s16] =	ssyncset.done $0x0  }
0x2a3: {  	[sflag:s16] =	ssyncadd.s32 $0xFFFFFC00  }
0x2a4: {  	_ =	swait.ge [sflag:s16], $0x400  }
0x2a5: {  	[sflag:s16] =	ssyncset.done $0x0  }
0x2a6: {  	[sflag:s16] =	ssyncadd.s32 $0xFFFFFC00  }
0x2a7: {  	_ =	swait.ge [sflag:s16], $0x400  }
0x2a8: {  	[sflag:s16] =	ssyncset.done $0x0  }
0x2a9: {  	[sflag:s16] =	ssyncadd.s32 $0xFFFFFC00  }
0x2aa: {  	_ =	swait.ge [sflag:s16], $0x400  }
0x2ab: {  	[sflag:s16] =	ssyncset.done $0x0  }
0x2ac: {  	[sflag:s16] =	ssyncadd.s32 $0xFFFFFC00  }
0x2ad: {  	_ =	swait.ge [sflag:s16], $0x400  }
0x2ae: {  	[sflag:s16] =	ssyncset.done $0x0  }
0x2af: {  	[sflag:s16] =	ssyncadd.s32 $0xFFFFFC00  }
0x2b0: {  	_ =	swait.ge [sflag:s16], $0x400  }
0x2b1: {  	[sflag:s16] =	ssyncset.done $0x0  }
0x2b2: {  	[sflag:s16] =	ssyncadd.s32 $0xFFFFFC00  }
0x2b3: {  	_ =	swait.ge [sflag:s16], $0x400  }
0x2b4: {  	[sflag:s16] =	ssyncset.done $0x0  }
0x2b5: {  	[sflag:s16] =	ssyncadd.s32 $0xFFFFFC00  }
0x2b6: {  	_ =	swait.ge [sflag:s16], $0x400  }
0x2b7: {  	[sflag:s16] =	ssyncset.done $0x0  }
0x2b8: {  	[sflag:s16] =	ssyncadd.s32 $0xFFFFFC00  }
0x2b9: {  	_ =	swait.ge [sflag:s16], $0x400  }
0x2ba: {  	[sflag:s16] =	ssyncset.done $0x0  }
0x2bb: {  	[sflag:s16] =	ssyncadd.s32 $0xFFFFFC00  }
0x2bc: {  	_ =	swait.ge [sflag:s16], $0x400  }
0x2bd: {  	s20 =	rddreg [dreg:$0x6]  }
0x2be: {  	s20 =	sadd.s32 $0x1, s20  }
0x2bf: {  	p0 =	sne.s32 s20, $0x4  }
.Ltmp5:
0x2c0: {  	_ = 	snop;
	(pc) =	sbr.rel @p0 .LBB2_2-.Ltmp5, $3  }
0x2c1: {  	_ =	sdelay $0x1  }
0x2c2: {  	[sflag:s16] =	ssyncset.done $0x0  }
0x2c3: {  	[sflag:s16] =	ssyncadd.s32 $0xFFFFFC00  }
0x2c4: {  	s20 =	rddreg [dreg:$0x5]  }
0x2c5: {  	s6 =	rddreg [dreg:$0x4];
	s20 =	sadd.s32 $0x1, s20  }
0x2c6: {  	p0 =	sne.s32 s20, s6  }
.Ltmp6:
0x2c7: {  	_ = 	snop;
	(pc) =	sbr.rel @p0 .LBB2_1-.Ltmp6, $1  }
0x2c8: {  	_ =	sdelay $0x3  }
0x2c9: {  	_ =	sfence.sel $0x180000  }
0x2ca: {  	[bflag:$0x0] =	sbarrier.arrive $0xFFFF  }
0x2cb: {  	_ =	strace $0x90000047  }
0x2cc: {  	s0 =	stileid.u32;
	[bflag:$0x2] =	sbarrier.arrive $0xFFFF  }
0x2cd: {  	p0 =	sne.s32 s0, $0x0;
	s0 =	rddreg [dreg:$0x2]  }
0x2ce: {  	s0 =	sadd.s32 @!p0 $0x100000, s0  }
0x2cf: {  	[sflag:s0] =	ssyncadd.tile.s32 @!p0 $0x1;
	_ =	shalt  }
.Lfunc_end2:
_tile_overlayer_lowered:
.L_overlay_start_2:
0x2d0: {  	(tag) =	ssettag $0x2  }
0x2d1: {  	s0 =	rddreg [dreg:$0x0];
	s2 =	stileid.u32  }
0x2d2: {  	s1 =	rddreg [dreg:$0x1];
	p0 =	sne.s32 s2, $0x0  }
0x2d3: {  	s3 =	rddreg [dreg:$0x2];
	[bflag:$0x3] =	sbarrier.arrive $0xFFFF;
	s2 =	simm.s32 @!p0 $0x1C03  }
0x2d4: {  	[timem:s3], [sflag:s2] =	dma.local @!p0 [hbm:s0], s1  }
0x2d5: {  	s0 =	simm.s32 @!p0 $0x3  }
0x2d6: {  	_ =	swait.ge @!p0 [sflag:s0], s1  }
0x2d7: {  	s1 =	ssub.s32 @!p0 $0x0, s1;
	[sflag:s0] =	ssyncset.done @!p0 $0x0  }
0x2d8: {  	[sflag:s0] =	ssyncadd.s32 @!p0 s1  }
0x2d9: {  	[bflag:$0x3] =	sbarrier.arrive $0xFFFF  }
0x2da: {  	_ =	shalt  }

</sc_bundles>
